<compile_context>
chip_gen: v7x
topology: tpu7x:2x2x1
jax: 0.10.2.dev20260603
libtpu: 0.0.44.dev20260713+nightly
codegen_flags: <defaults>
</compile_context>

<pallas_src>
import functools

import jax
import jax.numpy as jnp
from jax import lax
from jax.experimental import pallas as pl
from jax.experimental.pallas import tpu as pltpu
from jax.experimental.pallas import tpu_sc as plsc

N = 100000
E = 3200000
NP = 100352
RP = 784
NW = 32
EPT = E // NW
CH = 4000
NG = CH // 16
ACC = 6 * NP
SLC = ACC // 16
ZB = SLC // 3


def _tc_prep(xpad, W1, as1, ad1):
    def body(x_ref, w_ref, as_ref, ad_ref, out_ref):
        X = jnp.max(jnp.abs(x_ref[...]))
        rows = []
        cs = []
        cd = []
        for h in range(2):
            csh = sum(w_ref[0, 4 * h + c] * as_ref[h, c] for c in range(4))
            cdh = sum(w_ref[0, 4 * h + c] * ad_ref[h, c] for c in range(4))
            cs.append(csh)
            cd.append(cdh)
        vals = [cs[0], cs[1], cd[0], cd[1],
                X * jnp.abs(cs[0]), X * jnp.abs(cs[1]), X, 0.0]
        rows = [jnp.full((16,), v, jnp.float32) for v in vals]
        out_ref[...] = jnp.stack(rows)

    return pl.pallas_call(
        body,
        out_shape=jax.ShapeDtypeStruct((8, 16), jnp.float32),
    )(xpad, W1, as1, ad1)


def _sc_edges(es, ed, xf, consts, sd2):
    mesh = plsc.VectorSubcoreMesh(core_axis_name="c", subcore_axis_name="s")

    @functools.partial(
        pl.kernel,
        mesh=mesh,
        out_type=jax.ShapeDtypeStruct((2 * ACC,), jnp.float32),
        scratch_types=[
            pltpu.VMEM_SHARED((ACC,), jnp.float32),
            pltpu.VMEM((CH,), jnp.int32),
            pltpu.VMEM((CH,), jnp.int32),
            pltpu.VMEM((CH,), jnp.float32),
            pltpu.VMEM((CH,), jnp.float32),
            pltpu.VMEM((6 * CH,), jnp.int32),
            pltpu.VMEM((6 * CH,), jnp.float32),
            pltpu.VMEM((ZB,), jnp.float32),
            pltpu.VMEM((8, 16), jnp.float32),
            pltpu.VMEM((2, 16), jnp.int32),
            pltpu.SemaphoreType.DMA,
        ],
    )
    def k(es_h, ed_h, xf_h, consts_h, sd2_h, out_h,
          acc, es_v, ed_v, xs_v, xd_v, idx_v, val_v, zb_v, cv, sdv, sem):
        cid = lax.axis_index("c")
        sid = lax.axis_index("s")
        wid = cid * 16 + sid

        def zb_body(i, _):
            zb_v[pl.ds(i * 16, 16)] = jnp.zeros((16,), jnp.float32)
            return 0
        lax.fori_loop(0, ZB // 16, zb_body, 0)
        for kk in range(3):
            pltpu.sync_copy(zb_v, acc.at[pl.ds(sid * SLC + kk * ZB, ZB)])

        pltpu.sync_copy(consts_h, cv)
        pltpu.sync_copy(sd2_h, sdv)
        plsc.subcore_barrier()

        a0 = cv[0, :]
        a1 = cv[1, :]
        b0 = cv[2, :]
        b1 = cv[3, :]
        c0 = cv[4, :]
        c1 = cv[5, :]
        srcv = sdv[0, :]
        dstv = sdv[1, :]

        def chunk_body(ci, _):
            base = wid * EPT + ci * CH
            pltpu.sync_copy(es_h.at[pl.ds(base, CH)], es_v)
            pltpu.sync_copy(ed_h.at[pl.ds(base, CH)], ed_v)
            pltpu.async_copy(xf_h.at[es_v], xs_v, sem).wait()
            pltpu.async_copy(xf_h.at[ed_v], xd_v, sem).wait()

            def group_body(g, _):
                sl = pl.ds(g * 16, 16)
                s = es_v[sl]
                d = ed_v[sl]
                xs = xs_v[sl]
                xd = xd_v[sl]
                one = jnp.full((16,), 1.0, jnp.float32)
                zero = jnp.zeros((16,), jnp.float32)
                for h, (ah, bh, chh) in enumerate(((a0, b0, c0), (a1, b1, c1))):
                    xdb = xd * bh
                    arg = xs * ah + xdb
                    e = jnp.maximum(arg, 0.2 * arg)
                    ma = chh + xdb
                    m = jnp.maximum(ma, 0.2 * ma)
                    p = jnp.exp(e - m)
                    idx_v[pl.ds(h * CH + g * 16, 16)] = d + h * NP
                    val_v[pl.ds(h * CH + g * 16, 16)] = p
                    idx_v[pl.ds((2 + h) * CH + g * 16, 16)] = d + (2 + h) * NP
                    val_v[pl.ds((2 + h) * CH + g * 16, 16)] = p * xs
                idx_v[pl.ds(4 * CH + g * 16, 16)] = s + 4 * NP
                val_v[pl.ds(4 * CH + g * 16, 16)] = jnp.where(d == srcv, one, zero)
                idx_v[pl.ds(5 * CH + g * 16, 16)] = s + 5 * NP
                val_v[pl.ds(5 * CH + g * 16, 16)] = jnp.where(d == dstv, one, zero)
                return 0

            lax.fori_loop(0, NG, group_body, 0)
            pltpu.sync_copy(val_v, acc.at[idx_v], add=True)
            return 0

        lax.fori_loop(0, EPT // CH, chunk_body, 0)
        plsc.subcore_barrier()
        for kk in range(3):
            off = sid * SLC + kk * ZB
            pltpu.sync_copy(acc.at[pl.ds(off, ZB)],
                            out_h.at[pl.ds(cid * ACC + off, ZB)])

    return k(es, ed, xf, consts, sd2)


def _tc_finalize(xpad, accs, W1, as1, ad1, b1, W2, as2, ad2, b2, Wl, bl, sd):
    def body(x_ref, acc_ref, w1_ref, as1_ref, ad1_ref, b1_ref, w2_ref,
             as2_ref, ad2_ref, b2_ref, wl_ref, bl_ref, sd_ref, out_ref):
        x = x_ref[...]
        X = jnp.max(jnp.abs(x))
        cs = []
        cd = []
        for h in range(2):
            cs.append(sum(w1_ref[0, 4 * h + c] * as1_ref[h, c] for c in range(4)))
            cd.append(sum(w1_ref[0, 4 * h + c] * ad1_ref[h, c] for c in range(4)))

        acc = acc_ref[0] + acc_ref[1]
        rr = []
        for h in range(2):
            arg_s = x * (cs[h] + cd[h])
            e_self = jnp.maximum(arg_s, 0.2 * arg_s)
            ma = X * jnp.abs(cs[h]) + x * cd[h]
            m = jnp.maximum(ma, 0.2 * ma)
            p = jnp.exp(e_self - m)
            den = acc[h] + p
            t = acc[2 + h] + p * x
            rr.append(t / (den + 1e-16))
        h1 = [w1_ref[0, j] * rr[j // 4] + b1_ref[0, j] for j in range(8)]
        z2 = [sum(h1[kk] * w2_ref[kk, j] for kk in range(8)) for j in range(8)]
        als = [sum(z2[4 * h + c] * as2_ref[h, c] for c in range(4))
               for h in range(2)]

        r_iota = lax.broadcasted_iota(jnp.int32, (RP, 128), 0)
        c_iota = lax.broadcasted_iota(jnp.int32, (RP, 128), 1)
        vid = r_iota * 128 + c_iota
        valid = vid < N

        h2 = []
        for ti in range(2):
            t_id = sd_ref[0, ti]
            cnt = acc[4 + ti]
            is_t = (vid == t_id).astype(jnp.float32)
            cnt_eff = cnt + is_t
            msk = (cnt_eff > 0.0) & valid
            z2t = [jnp.sum(jnp.where(vid == t_id, z2[j], 0.0)) for j in range(8)]
            for h in range(2):
                aldt = sum(z2t[4 * h + c] * ad2_ref[h, c] for c in range(4))
                arg = als[h] + aldt
                e2 = jnp.maximum(arg, 0.2 * arg)
                M2 = jnp.max(jnp.where(msk, e2, -1e30))
                w = jnp.where(msk, cnt_eff * jnp.exp(e2 - M2), 0.0)
                den2 = jnp.sum(w)
                for c in range(4):
                    num = jnp.sum(w * z2[4 * h + c])
                    h2.append(num / (den2 + 1e-16) + b2_ref[0, 4 * h + c])
        y = [sum(h2[j] * wl_ref[j, kk] for j in range(16)) + bl_ref[0, kk]
             for kk in range(2)]
        out_ref[...] = jnp.stack(y).reshape(1, 2)

    return pl.pallas_call(
        body,
        out_shape=jax.ShapeDtypeStruct((1, 2), jnp.float32),
    )(xpad, accs, W1, as1, ad1, b1, W2, as2, ad2, b2, Wl, bl, sd)


def kernel(x, edge_index, src, dst, W1, a_src1, a_dst1, b1,
           W2, a_src2, a_dst2, b2, Wl, bl):
    xf = x.reshape(N).astype(jnp.float32)
    xpad = jnp.concatenate([xf, jnp.zeros((NP - N,), jnp.float32)])
    xpad2 = xpad.reshape(RP, 128)
    es = edge_index[0].astype(jnp.int32)
    ed = edge_index[1].astype(jnp.int32)
    srci = jnp.asarray(src, jnp.int32)
    dsti = jnp.asarray(dst, jnp.int32)
    sd2 = jnp.stack([jnp.full((16,), srci), jnp.full((16,), dsti)])
    sd = jnp.stack([srci, dsti]).reshape(1, 2)

    consts = _tc_prep(xpad2, W1, a_src1, a_dst1)
    acc_flat = _sc_edges(es, ed, xpad, consts, sd2)
    accs = acc_flat.reshape(2, 6, RP, 128)
    y = _tc_finalize(xpad2, accs, W1, a_src1, a_dst1, b1.reshape(1, 8),
                     W2, a_src2, a_dst2, b2.reshape(1, 8),
                     Wl, bl.reshape(1, 2), sd)
    return y.reshape(2)

# --- scband reference (transcript-rebuilt; emitter-appended) ---
"""Pipeline reference for scband-gatpolicy-7713761264035 (READ-ONLY COPY).

The authoritative reference and input builder live on the scoring server;
editing this copy changes nothing except your own understanding.
"""

import jax, jax.numpy as jnp
import numpy as np

N = 100000
E = 3200000
H = 2
C = 4


def _gat_conv(x, edge_index, W, a_src, a_dst, bias):
    # PyG-style GATConv with add_self_loops=True, negative_slope=0.2, concat heads
    n = x.shape[0]
    ar = jnp.arange(n, dtype=edge_index.dtype)
    ei = jnp.concatenate([edge_index, jnp.stack([ar, ar])], axis=1)
    s, d = ei[0], ei[1]
    z = (x @ W).reshape(n, H, C)
    al_s = (z * a_src[None, :, :]).sum(-1)   # [n, H]
    al_d = (z * a_dst[None, :, :]).sum(-1)   # [n, H]
    e = al_s[s] + al_d[d]                    # [E', H]
    e = jax.nn.leaky_relu(e, 0.2)
    emax = jax.ops.segment_max(e, d, num_segments=n)
    ex = jnp.exp(e - emax[d])
    den = jax.ops.segment_sum(ex, d, num_segments=n)
    alpha = ex / (den[d] + 1e-16)            # softmax over incoming edges per dst
    msg = z[s] * alpha[:, :, None]           # [E', H, C]
    out = jax.ops.segment_sum(msg, d, num_segments=n)
    return out.reshape(n, H * C) + bias


def setup_inputs(seed: int = 0):
    key = jax.random.key(seed)
    ks = jax.random.split(key, 12)
    x = jax.random.normal(ks[0], (N, 1), dtype=jnp.float32)
    edge_index = jax.random.randint(ks[1], (2, E), 0, N)
    W1 = jax.random.normal(ks[2], (1, H * C), dtype=jnp.float32) * 0.5
    a_src1 = jax.random.normal(ks[3], (H, C), dtype=jnp.float32) * 0.5
    a_dst1 = jax.random.normal(ks[4], (H, C), dtype=jnp.float32) * 0.5
    b1 = jnp.zeros((H * C,), dtype=jnp.float32)
    W2 = jax.random.normal(ks[5], (H * C, H * C), dtype=jnp.float32) * 0.3
    a_src2 = jax.random.normal(ks[6], (H, C), dtype=jnp.float32) * 0.5
    a_dst2 = jax.random.normal(ks[7], (H, C), dtype=jnp.float32) * 0.5
    b2 = jnp.zeros((H * C,), dtype=jnp.float32)
    Wl = jax.random.normal(ks[8], (16, 2), dtype=jnp.float32) * 0.3
    bl = jnp.zeros((2,), dtype=jnp.float32)
    return {"x": x, "edge_index": edge_index, "src": 12345, "dst": 54321,
            "W1": W1, "a_src1": a_src1, "a_dst1": a_dst1, "b1": b1,
            "W2": W2, "a_src2": a_src2, "a_dst2": a_dst2, "b2": b2,
            "Wl": Wl, "bl": bl}


def reference(x, edge_index, src, dst, W1, a_src1, a_dst1, b1, W2, a_src2, a_dst2, b2, Wl, bl):
    h = _gat_conv(x, edge_index, W1, a_src1, a_dst1, b1)   # [N, 8]
    h = _gat_conv(h, edge_index, W2, a_src2, a_dst2, b2)   # [N, 8]
    # src/dst are scalar node indices -> cat along dim 0 gives a 16-vector
    y = jnp.concatenate([h[src], h[dst]], axis=0)          # [16]
    y = y @ Wl + bl                                        # [2]
    return y

if __name__ == "__main__":
    import jax
    _d = setup_inputs()
    print(jax.jit(kernel)(*tuple(_d.values())))

</pallas_src>

<mosaic_0001>
#map = affine_map<(d0, d1) -> (0)>
#map1 = affine_map<(d0, d1) -> (0, 0)>
module attributes {stable_mosaic.version = 14 : i64} {
  func.func @k(%arg0: i32, %arg1: i32, %arg2: memref<3200000xi32, #tpu.memory_space<hbm>>, %arg3: memref<3200000xi32, #tpu.memory_space<hbm>>, %arg4: memref<100352xf32, #tpu.memory_space<hbm>>, %arg5: memref<8x16xf32, #tpu.memory_space<hbm>>, %arg6: memref<2x16xi32, #tpu.memory_space<hbm>>, %arg7: memref<1204224xf32, #tpu.memory_space<hbm>>, %arg8: memref<602112xf32, #tpu.memory_space<vmem_shared>>, %arg9: memref<4000xi32, #tpu.memory_space<vmem>>, %arg10: memref<4000xi32, #tpu.memory_space<vmem>>, %arg11: memref<4000xf32, #tpu.memory_space<vmem>>, %arg12: memref<4000xf32, #tpu.memory_space<vmem>>, %arg13: memref<24000xi32, #tpu.memory_space<vmem>>, %arg14: memref<24000xf32, #tpu.memory_space<vmem>>, %arg15: memref<12544xf32, #tpu.memory_space<vmem>>, %arg16: memref<8x16xf32, #tpu.memory_space<vmem>>, %arg17: memref<2x16xi32, #tpu.memory_space<vmem>>, %arg18: memref<!tpu.dma_semaphore, #tpu.memory_space<semaphore_mem>>) attributes {dimension_semantics = [#tpu.dimension_semantics<core_parallel>, #tpu.dimension_semantics<subcore_parallel>], iteration_bounds = array<i64: 2, 16>, scalar_prefetch = 0 : i64, scratch_operands = 11 : i64, tpu.core_type = #tpu.core_type<sc_vector_subcore>, window_params = [{transform_indices = #map}, {transform_indices = #map}, {transform_indices = #map}, {transform_indices = #map1}, {transform_indices = #map1}, {transform_indices = #map}]} {
    %mul3A = arith.constant 16 : i32
    %mul3A_0 = arith.muli %arg0, %mul3A : i32
    %add3A = arith.addi %mul3A_0, %arg1 : i32
    %scan3A = arith.constant 0 : i32
    %scan3A_1 = arith.constant 0 : i32
    %scan3A_2 = arith.constant 784 : i32
    %scan3A_3 = arith.addi %scan3A_1, %scan3A_2 : i32
    %scan3A_4 = arith.constant 1 : i32
    %scan3A_5 = scf.for %scan3A_87 = %scan3A_1 to %scan3A_3 step %scan3A_4 iter_args(%scan3A_88 = %scan3A) -> (i32)  : i32 {
      %broadcast_in_dim3A = arith.constant 0.000000e+00 : f32
      %broadcast_in_dim3A_89 = vector.broadcast %broadcast_in_dim3A : f32 to vector<16xf32>
      %mul3A_90 = arith.constant 16 : i32
      %mul3A_91 = arith.muli %scan3A_87, %mul3A_90 : i32
      %swap3A = arith.index_cast %mul3A_91 : i32 to index
      %swap3A_92 = tpu.vector_load %arg15[%swap3A] {strides = array<i32>} : memref<12544xf32, #tpu.memory_space<vmem>>, vector<16xf32>,
      %swap3A_93 = vector.shape_cast %swap3A_92 : vector<16xf32> to vector<16xf32>
      %swap3A_94 = vector.shape_cast %broadcast_in_dim3A_89 : vector<16xf32> to vector<16xf32>
      tpu.vector_store %arg15[%swap3A], %swap3A_94 {strides = array<i32>} : memref<12544xf32, #tpu.memory_space<vmem>>, vector<16xf32>,
      %scan3A_95 = arith.constant 0 : i32
      scf.yield %scan3A_95 : i32
    }
    %scan3A_6 = arith.constant 784 : i32
    %mul3A_7 = arith.constant 37632 : i32
    %mul3A_8 = arith.muli %arg1, %mul3A_7 : i32
    %add3A_9 = arith.constant 0 : i32
    %add3A_10 = arith.addi %mul3A_8, %add3A_9 : i32
    "tpu.region"() ({
      %run_scoped3A = tpu.sem_alloc : memref<!tpu.dma_semaphore, #tpu.memory_space<semaphore_mem>>
      %dma_start3A = tpu.memref_slice %arg8[%add3A_10] : memref<602112xf32, #tpu.memory_space<vmem_shared>> -> memref<12544xf32, #tpu.memory_space<vmem_shared>>
      %dma_start3A_87 = tpu.memref_slice %arg8[%add3A_10] : memref<602112xf32, #tpu.memory_space<vmem_shared>> -> memref<12544xf32, #tpu.memory_space<vmem_shared>>
      tpu.enqueue_dma source(%arg15 : memref<12544xf32, #tpu.memory_space<vmem>>) target(%dma_start3A_87 : memref<12544xf32, #tpu.memory_space<vmem_shared>>) target_semaphore(%run_scoped3A : memref<!tpu.dma_semaphore, #tpu.memory_space<semaphore_mem>>)
      %dma_wait3A = tpu.memref_slice %arg8[%add3A_10] : memref<602112xf32, #tpu.memory_space<vmem_shared>> -> memref<12544xf32, #tpu.memory_space<vmem_shared>>
      %dma_wait3A_88 = tpu.memref_slice %arg8[%add3A_10] : memref<602112xf32, #tpu.memory_space<vmem_shared>> -> memref<12544xf32, #tpu.memory_space<vmem_shared>>
      tpu.wait_dma2 semaphore(%run_scoped3A : memref<!tpu.dma_semaphore, #tpu.memory_space<semaphore_mem>>) src(%arg15 : memref<12544xf32, #tpu.memory_space<vmem>>) dst(%dma_wait3A_88 : memref<12544xf32, #tpu.memory_space<vmem_shared>>)
      tpu.yield
    }) : () -> ()
    %mul3A_11 = arith.constant 37632 : i32
    %mul3A_12 = arith.muli %arg1, %mul3A_11 : i32
    %add3A_13 = arith.constant 12544 : i32
    %add3A_14 = arith.addi %mul3A_12, %add3A_13 : i32
    "tpu.region"() ({
      %run_scoped3A = tpu.sem_alloc : memref<!tpu.dma_semaphore, #tpu.memory_space<semaphore_mem>>
      %dma_start3A = tpu.memref_slice %arg8[%add3A_14] : memref<602112xf32, #tpu.memory_space<vmem_shared>> -> memref<12544xf32, #tpu.memory_space<vmem_shared>>
      %dma_start3A_87 = tpu.memref_slice %arg8[%add3A_14] : memref<602112xf32, #tpu.memory_space<vmem_shared>> -> memref<12544xf32, #tpu.memory_space<vmem_shared>>
      tpu.enqueue_dma source(%arg15 : memref<12544xf32, #tpu.memory_space<vmem>>) target(%dma_start3A_87 : memref<12544xf32, #tpu.memory_space<vmem_shared>>) target_semaphore(%run_scoped3A : memref<!tpu.dma_semaphore, #tpu.memory_space<semaphore_mem>>)
      %dma_wait3A = tpu.memref_slice %arg8[%add3A_14] : memref<602112xf32, #tpu.memory_space<vmem_shared>> -> memref<12544xf32, #tpu.memory_space<vmem_shared>>
      %dma_wait3A_88 = tpu.memref_slice %arg8[%add3A_14] : memref<602112xf32, #tpu.memory_space<vmem_shared>> -> memref<12544xf32, #tpu.memory_space<vmem_shared>>
      tpu.wait_dma2 semaphore(%run_scoped3A : memref<!tpu.dma_semaphore, #tpu.memory_space<semaphore_mem>>) src(%arg15 : memref<12544xf32, #tpu.memory_space<vmem>>) dst(%dma_wait3A_88 : memref<12544xf32, #tpu.memory_space<vmem_shared>>)
      tpu.yield
    }) : () -> ()
    %mul3A_15 = arith.constant 37632 : i32
    %mul3A_16 = arith.muli %arg1, %mul3A_15 : i32
    %add3A_17 = arith.constant 25088 : i32
    %add3A_18 = arith.addi %mul3A_16, %add3A_17 : i32
    "tpu.region"() ({
      %run_scoped3A = tpu.sem_alloc : memref<!tpu.dma_semaphore, #tpu.memory_space<semaphore_mem>>
      %dma_start3A = tpu.memref_slice %arg8[%add3A_18] : memref<602112xf32, #tpu.memory_space<vmem_shared>> -> memref<12544xf32, #tpu.memory_space<vmem_shared>>
      %dma_start3A_87 = tpu.memref_slice %arg8[%add3A_18] : memref<602112xf32, #tpu.memory_space<vmem_shared>> -> memref<12544xf32, #tpu.memory_space<vmem_shared>>
      tpu.enqueue_dma source(%arg15 : memref<12544xf32, #tpu.memory_space<vmem>>) target(%dma_start3A_87 : memref<12544xf32, #tpu.memory_space<vmem_shared>>) target_semaphore(%run_scoped3A : memref<!tpu.dma_semaphore, #tpu.memory_space<semaphore_mem>>)
      %dma_wait3A = tpu.memref_slice %arg8[%add3A_18] : memref<602112xf32, #tpu.memory_space<vmem_shared>> -> memref<12544xf32, #tpu.memory_space<vmem_shared>>
      %dma_wait3A_88 = tpu.memref_slice %arg8[%add3A_18] : memref<602112xf32, #tpu.memory_space<vmem_shared>> -> memref<12544xf32, #tpu.memory_space<vmem_shared>>
      tpu.wait_dma2 semaphore(%run_scoped3A : memref<!tpu.dma_semaphore, #tpu.memory_space<semaphore_mem>>) src(%arg15 : memref<12544xf32, #tpu.memory_space<vmem>>) dst(%dma_wait3A_88 : memref<12544xf32, #tpu.memory_space<vmem_shared>>)
      tpu.yield
    }) : () -> ()
    "tpu.region"() ({
      %run_scoped3A = tpu.sem_alloc : memref<!tpu.dma_semaphore, #tpu.memory_space<semaphore_mem>>
      tpu.enqueue_dma source(%arg5 : memref<8x16xf32, #tpu.memory_space<hbm>>) target(%arg16 : memref<8x16xf32, #tpu.memory_space<vmem>>) target_semaphore(%run_scoped3A : memref<!tpu.dma_semaphore, #tpu.memory_space<semaphore_mem>>)
      tpu.wait_dma2 semaphore(%run_scoped3A : memref<!tpu.dma_semaphore, #tpu.memory_space<semaphore_mem>>) src(%arg5 : memref<8x16xf32, #tpu.memory_space<hbm>>) dst(%arg16 : memref<8x16xf32, #tpu.memory_space<vmem>>)
      tpu.yield
    }) : () -> ()
    "tpu.region"() ({
      %run_scoped3A = tpu.sem_alloc : memref<!tpu.dma_semaphore, #tpu.memory_space<semaphore_mem>>
      tpu.enqueue_dma source(%arg6 : memref<2x16xi32, #tpu.memory_space<hbm>>) target(%arg17 : memref<2x16xi32, #tpu.memory_space<vmem>>) target_semaphore(%run_scoped3A : memref<!tpu.dma_semaphore, #tpu.memory_space<semaphore_mem>>)
      tpu.wait_dma2 semaphore(%run_scoped3A : memref<!tpu.dma_semaphore, #tpu.memory_space<semaphore_mem>>) src(%arg6 : memref<2x16xi32, #tpu.memory_space<hbm>>) dst(%arg17 : memref<2x16xi32, #tpu.memory_space<vmem>>)
      tpu.yield
    }) : () -> ()
    %barrier3A = arith.constant 0 : index
    tpu.barrier barrier_id(%barrier3A)
    %get3A = arith.constant 0 : i32
    %get3A_19 = arith.index_cast %get3A : i32 to index
    %get3A_20 = arith.constant 0 : index
    %get3A_21 = tpu.vector_load %arg16[%get3A_19, %get3A_20] {strides = array<i32>} : memref<8x16xf32, #tpu.memory_space<vmem>>, vector<1x16xf32>,
    %get3A_22 = vector.shape_cast %get3A_21 : vector<1x16xf32> to vector<16xf32>
    %get3A_23 = arith.constant 1 : i32
    %get3A_24 = arith.index_cast %get3A_23 : i32 to index
    %get3A_25 = arith.constant 0 : index
    %get3A_26 = tpu.vector_load %arg16[%get3A_24, %get3A_25] {strides = array<i32>} : memref<8x16xf32, #tpu.memory_space<vmem>>, vector<1x16xf32>,
    %get3A_27 = vector.shape_cast %get3A_26 : vector<1x16xf32> to vector<16xf32>
    %get3A_28 = arith.constant 2 : i32
    %get3A_29 = arith.index_cast %get3A_28 : i32 to index
    %get3A_30 = arith.constant 0 : index
    %get3A_31 = tpu.vector_load %arg16[%get3A_29, %get3A_30] {strides = array<i32>} : memref<8x16xf32, #tpu.memory_space<vmem>>, vector<1x16xf32>,
    %get3A_32 = vector.shape_cast %get3A_31 : vector<1x16xf32> to vector<16xf32>
    %get3A_33 = arith.constant 3 : i32
    %get3A_34 = arith.index_cast %get3A_33 : i32 to index
    %get3A_35 = arith.constant 0 : index
    %get3A_36 = tpu.vector_load %arg16[%get3A_34, %get3A_35] {strides = array<i32>} : memref<8x16xf32, #tpu.memory_space<vmem>>, vector<1x16xf32>,
    %get3A_37 = vector.shape_cast %get3A_36 : vector<1x16xf32> to vector<16xf32>
    %get3A_38 = arith.constant 4 : i32
    %get3A_39 = arith.index_cast %get3A_38 : i32 to index
    %get3A_40 = arith.constant 0 : index
    %get3A_41 = tpu.vector_load %arg16[%get3A_39, %get3A_40] {strides = array<i32>} : memref<8x16xf32, #tpu.memory_space<vmem>>, vector<1x16xf32>,
    %get3A_42 = vector.shape_cast %get3A_41 : vector<1x16xf32> to vector<16xf32>
    %get3A_43 = arith.constant 5 : i32
    %get3A_44 = arith.index_cast %get3A_43 : i32 to index
    %get3A_45 = arith.constant 0 : index
    %get3A_46 = tpu.vector_load %arg16[%get3A_44, %get3A_45] {strides = array<i32>} : memref<8x16xf32, #tpu.memory_space<vmem>>, vector<1x16xf32>,
    %get3A_47 = vector.shape_cast %get3A_46 : vector<1x16xf32> to vector<16xf32>
    %get3A_48 = arith.constant 0 : i32
    %get3A_49 = arith.index_cast %get3A_48 : i32 to index
    %get3A_50 = arith.constant 0 : index
    %get3A_51 = tpu.vector_load %arg17[%get3A_49, %get3A_50] {strides = array<i32>} : memref<2x16xi32, #tpu.memory_space<vmem>>, vector<1x16xi32>,
    %get3A_52 = vector.shape_cast %get3A_51 : vector<1x16xi32> to vector<16xi32>
    %get3A_53 = arith.constant 1 : i32
    %get3A_54 = arith.index_cast %get3A_53 : i32 to index
    %get3A_55 = arith.constant 0 : index
    %get3A_56 = tpu.vector_load %arg17[%get3A_54, %get3A_55] {strides = array<i32>} : memref<2x16xi32, #tpu.memory_space<vmem>>, vector<1x16xi32>,
    %get3A_57 = vector.shape_cast %get3A_56 : vector<1x16xi32> to vector<16xi32>
    %scan3A_58 = arith.constant 0 : i32
    %scan3A_59 = arith.constant 0 : i32
    %scan3A_60 = arith.constant 25 : i32
    %scan3A_61 = arith.addi %scan3A_59, %scan3A_60 : i32
    %scan3A_62 = arith.constant 1 : i32
    %scan3A_63 = scf.for %scan3A_87 = %scan3A_59 to %scan3A_61 step %scan3A_62 iter_args(%scan3A_88 = %scan3A_58) -> (i32)  : i32 {
      %mul3A_89 = arith.constant 100000 : i32
      %mul3A_90 = arith.muli %add3A, %mul3A_89 : i32
      %mul3A_91 = arith.constant 4000 : i32
      %mul3A_92 = arith.muli %scan3A_87, %mul3A_91 : i32
      %add3A_93 = arith.addi %mul3A_90, %mul3A_92 : i32
      "tpu.region"() ({
        %run_scoped3A = tpu.sem_alloc : memref<!tpu.dma_semaphore, #tpu.memory_space<semaphore_mem>>
        %dma_start3A_108 = tpu.memref_slice %arg2[%add3A_93] : memref<3200000xi32, #tpu.memory_space<hbm>> -> memref<4000xi32, #tpu.memory_space<hbm>>
        %dma_start3A_109 = tpu.memref_slice %arg2[%add3A_93] : memref<3200000xi32, #tpu.memory_space<hbm>> -> memref<4000xi32, #tpu.memory_space<hbm>>
        tpu.enqueue_dma source(%dma_start3A_109 : memref<4000xi32, #tpu.memory_space<hbm>>) target(%arg9 : memref<4000xi32, #tpu.memory_space<vmem>>) target_semaphore(%run_scoped3A : memref<!tpu.dma_semaphore, #tpu.memory_space<semaphore_mem>>)
        %dma_wait3A_110 = tpu.memref_slice %arg2[%add3A_93] : memref<3200000xi32, #tpu.memory_space<hbm>> -> memref<4000xi32, #tpu.memory_space<hbm>>
        %dma_wait3A_111 = tpu.memref_slice %arg2[%add3A_93] : memref<3200000xi32, #tpu.memory_space<hbm>> -> memref<4000xi32, #tpu.memory_space<hbm>>
        tpu.wait_dma2 semaphore(%run_scoped3A : memref<!tpu.dma_semaphore, #tpu.memory_space<semaphore_mem>>) src(%dma_wait3A_111 : memref<4000xi32, #tpu.memory_space<hbm>>) dst(%arg9 : memref<4000xi32, #tpu.memory_space<vmem>>)
        tpu.yield
      }) : () -> ()
      "tpu.region"() ({
        %run_scoped3A = tpu.sem_alloc : memref<!tpu.dma_semaphore, #tpu.memory_space<semaphore_mem>>
        %dma_start3A_108 = tpu.memref_slice %arg3[%add3A_93] : memref<3200000xi32, #tpu.memory_space<hbm>> -> memref<4000xi32, #tpu.memory_space<hbm>>
        %dma_start3A_109 = tpu.memref_slice %arg3[%add3A_93] : memref<3200000xi32, #tpu.memory_space<hbm>> -> memref<4000xi32, #tpu.memory_space<hbm>>
        tpu.enqueue_dma source(%dma_start3A_109 : memref<4000xi32, #tpu.memory_space<hbm>>) target(%arg10 : memref<4000xi32, #tpu.memory_space<vmem>>) target_semaphore(%run_scoped3A : memref<!tpu.dma_semaphore, #tpu.memory_space<semaphore_mem>>)
        %dma_wait3A_110 = tpu.memref_slice %arg3[%add3A_93] : memref<3200000xi32, #tpu.memory_space<hbm>> -> memref<4000xi32, #tpu.memory_space<hbm>>
        %dma_wait3A_111 = tpu.memref_slice %arg3[%add3A_93] : memref<3200000xi32, #tpu.memory_space<hbm>> -> memref<4000xi32, #tpu.memory_space<hbm>>
        tpu.wait_dma2 semaphore(%run_scoped3A : memref<!tpu.dma_semaphore, #tpu.memory_space<semaphore_mem>>) src(%dma_wait3A_111 : memref<4000xi32, #tpu.memory_space<hbm>>) dst(%arg10 : memref<4000xi32, #tpu.memory_space<vmem>>)
        tpu.yield
      }) : () -> ()
      %dma_start3A = arith.constant 0 : i32
      %dma_start3A_94 = tpu.memref_slice %arg4[%dma_start3A] : memref<100352xf32, #tpu.memory_space<hbm>> -> memref<100352xf32, #tpu.memory_space<hbm>>
      tpu.enqueue_indirect_dma source(%dma_start3A_94 : memref<100352xf32, #tpu.memory_space<hbm>>) target(%arg11 : memref<4000xf32, #tpu.memory_space<vmem>>) offsets(%arg9 : memref<4000xi32, #tpu.memory_space<vmem>>) semaphore(%arg18 : memref<!tpu.dma_semaphore, #tpu.memory_space<semaphore_mem>>)
      %dma_wait3A = arith.constant 0 : i32
      %dma_wait3A_95 = tpu.memref_slice %arg4[%dma_wait3A] : memref<100352xf32, #tpu.memory_space<hbm>> -> memref<100352xf32, #tpu.memory_space<hbm>>
      tpu.wait_indirect_dma semaphore(%arg18 : memref<!tpu.dma_semaphore, #tpu.memory_space<semaphore_mem>>) src(%dma_wait3A_95 : memref<100352xf32, #tpu.memory_space<hbm>>) dst(%arg11 : memref<4000xf32, #tpu.memory_space<vmem>>)
      %dma_start3A_96 = arith.constant 0 : i32
      %dma_start3A_97 = tpu.memref_slice %arg4[%dma_start3A_96] : memref<100352xf32, #tpu.memory_space<hbm>> -> memref<100352xf32, #tpu.memory_space<hbm>>
      tpu.enqueue_indirect_dma source(%dma_start3A_97 : memref<100352xf32, #tpu.memory_space<hbm>>) target(%arg12 : memref<4000xf32, #tpu.memory_space<vmem>>) offsets(%arg10 : memref<4000xi32, #tpu.memory_space<vmem>>) semaphore(%arg18 : memref<!tpu.dma_semaphore, #tpu.memory_space<semaphore_mem>>)
      %dma_wait3A_98 = arith.constant 0 : i32
      %dma_wait3A_99 = tpu.memref_slice %arg4[%dma_wait3A_98] : memref<100352xf32, #tpu.memory_space<hbm>> -> memref<100352xf32, #tpu.memory_space<hbm>>
      tpu.wait_indirect_dma semaphore(%arg18 : memref<!tpu.dma_semaphore, #tpu.memory_space<semaphore_mem>>) src(%dma_wait3A_99 : memref<100352xf32, #tpu.memory_space<hbm>>) dst(%arg12 : memref<4000xf32, #tpu.memory_space<vmem>>)
      %scan3A_100 = arith.constant 0 : i32
      %scan3A_101 = arith.constant 0 : i32
      %scan3A_102 = arith.constant 250 : i32
      %scan3A_103 = arith.addi %scan3A_101, %scan3A_102 : i32
      %scan3A_104 = arith.constant 1 : i32
      %scan3A_105 = scf.for %scan3A_108 = %scan3A_101 to %scan3A_103 step %scan3A_104 iter_args(%scan3A_109 = %scan3A_100) -> (i32)  : i32 {
        %mul3A_110 = arith.constant 16 : i32
        %mul3A_111 = arith.muli %scan3A_108, %mul3A_110 : i32
        %get3A_112 = arith.index_cast %mul3A_111 : i32 to index
        %get3A_113 = tpu.vector_load %arg9[%get3A_112] {strides = array<i32>} : memref<4000xi32, #tpu.memory_space<vmem>>, vector<16xi32>,
        %get3A_114 = vector.shape_cast %get3A_113 : vector<16xi32> to vector<16xi32>
        %get3A_115 = arith.index_cast %mul3A_111 : i32 to index
        %get3A_116 = tpu.vector_load %arg10[%get3A_115] {strides = array<i32>} : memref<4000xi32, #tpu.memory_space<vmem>>, vector<16xi32>,
        %get3A_117 = vector.shape_cast %get3A_116 : vector<16xi32> to vector<16xi32>
        %get3A_118 = arith.index_cast %mul3A_111 : i32 to index
        %get3A_119 = tpu.vector_load %arg11[%get3A_118] {strides = array<i32>} : memref<4000xf32, #tpu.memory_space<vmem>>, vector<16xf32>,
        %get3A_120 = vector.shape_cast %get3A_119 : vector<16xf32> to vector<16xf32>
        %get3A_121 = arith.index_cast %mul3A_111 : i32 to index
        %get3A_122 = tpu.vector_load %arg12[%get3A_121] {strides = array<i32>} : memref<4000xf32, #tpu.memory_space<vmem>>, vector<16xf32>,
        %get3A_123 = vector.shape_cast %get3A_122 : vector<16xf32> to vector<16xf32>
        %broadcast_in_dim3A = arith.constant 1.000000e+00 : f32
        %broadcast_in_dim3A_124 = vector.broadcast %broadcast_in_dim3A : f32 to vector<16xf32>
        %broadcast_in_dim3A_125 = arith.constant 0.000000e+00 : f32
        %broadcast_in_dim3A_126 = vector.broadcast %broadcast_in_dim3A_125 : f32 to vector<16xf32>
        %mul3A_127 = arith.mulf %get3A_123, %get3A_32 : vector<16xf32>
        %mul3A_128 = arith.mulf %get3A_120, %get3A_22 : vector<16xf32>
        %add3A_129 = arith.addf %mul3A_128, %mul3A_127 : vector<16xf32>
        %mul3A_130 = arith.constant 2.000000e-01 : f32
        %mul3A_131 = vector.broadcast %mul3A_130 : f32 to vector<16xf32>
        %mul3A_132 = arith.mulf %mul3A_131, %add3A_129 : vector<16xf32>
        %max3A = arith.maximumf %add3A_129, %mul3A_132 : vector<16xf32>
        %add3A_133 = arith.addf %get3A_42, %mul3A_127 : vector<16xf32>
        %mul3A_134 = arith.constant 2.000000e-01 : f32
        %mul3A_135 = vector.broadcast %mul3A_134 : f32 to vector<16xf32>
        %mul3A_136 = arith.mulf %mul3A_135, %add3A_133 : vector<16xf32>
        %max3A_137 = arith.maximumf %add3A_133, %mul3A_136 : vector<16xf32>
        %sub3A = arith.subf %max3A, %max3A_137 : vector<16xf32>
        %exp3A = math.exp %sub3A : vector<16xf32>
        %add3A_138 = arith.constant 0 : i32
        %add3A_139 = vector.broadcast %add3A_138 : i32 to vector<16xi32>
        %add3A_140 = arith.addi %get3A_117, %add3A_139 : vector<16xi32>
        %mul3A_141 = arith.constant 16 : i32
        %mul3A_142 = arith.muli %scan3A_108, %mul3A_141 : i32
        %add3A_143 = arith.constant 0 : i32
        %add3A_144 = arith.addi %add3A_143, %mul3A_142 : i32
        %swap3A = arith.index_cast %add3A_144 : i32 to index
        %swap3A_145 = tpu.vector_load %arg13[%swap3A] {strides = array<i32>} : memref<24000xi32, #tpu.memory_space<vmem>>, vector<16xi32>,
        %swap3A_146 = vector.shape_cast %swap3A_145 : vector<16xi32> to vector<16xi32>
        %swap3A_147 = vector.shape_cast %add3A_140 : vector<16xi32> to vector<16xi32>
        tpu.vector_store %arg13[%swap3A], %swap3A_147 {strides = array<i32>} : memref<24000xi32, #tpu.memory_space<vmem>>, vector<16xi32>,
        %mul3A_148 = arith.constant 16 : i32
        %mul3A_149 = arith.muli %scan3A_108, %mul3A_148 : i32
        %add3A_150 = arith.constant 0 : i32
        %add3A_151 = arith.addi %add3A_150, %mul3A_149 : i32
        %swap3A_152 = arith.index_cast %add3A_151 : i32 to index
        %swap3A_153 = tpu.vector_load %arg14[%swap3A_152] {strides = array<i32>} : memref<24000xf32, #tpu.memory_space<vmem>>, vector<16xf32>,
        %swap3A_154 = vector.shape_cast %swap3A_153 : vector<16xf32> to vector<16xf32>
        %swap3A_155 = vector.shape_cast %exp3A : vector<16xf32> to vector<16xf32>
        tpu.vector_store %arg14[%swap3A_152], %swap3A_155 {strides = array<i32>} : memref<24000xf32, #tpu.memory_space<vmem>>, vector<16xf32>,
        %add3A_156 = arith.constant 200704 : i32
        %add3A_157 = vector.broadcast %add3A_156 : i32 to vector<16xi32>
        %add3A_158 = arith.addi %get3A_117, %add3A_157 : vector<16xi32>
        %mul3A_159 = arith.constant 16 : i32
        %mul3A_160 = arith.muli %scan3A_108, %mul3A_159 : i32
        %add3A_161 = arith.constant 8000 : i32
        %add3A_162 = arith.addi %add3A_161, %mul3A_160 : i32
        %swap3A_163 = arith.index_cast %add3A_162 : i32 to index
        %swap3A_164 = tpu.vector_load %arg13[%swap3A_163] {strides = array<i32>} : memref<24000xi32, #tpu.memory_space<vmem>>, vector<16xi32>,
        %swap3A_165 = vector.shape_cast %swap3A_164 : vector<16xi32> to vector<16xi32>
        %swap3A_166 = vector.shape_cast %add3A_158 : vector<16xi32> to vector<16xi32>
        tpu.vector_store %arg13[%swap3A_163], %swap3A_166 {strides = array<i32>} : memref<24000xi32, #tpu.memory_space<vmem>>, vector<16xi32>,
        %mul3A_167 = arith.mulf %exp3A, %get3A_120 : vector<16xf32>
        %mul3A_168 = arith.constant 16 : i32
        %mul3A_169 = arith.muli %scan3A_108, %mul3A_168 : i32
        %add3A_170 = arith.constant 8000 : i32
        %add3A_171 = arith.addi %add3A_170, %mul3A_169 : i32
        %swap3A_172 = arith.index_cast %add3A_171 : i32 to index
        %swap3A_173 = tpu.vector_load %arg14[%swap3A_172] {strides = array<i32>} : memref<24000xf32, #tpu.memory_space<vmem>>, vector<16xf32>,
        %swap3A_174 = vector.shape_cast %swap3A_173 : vector<16xf32> to vector<16xf32>
        %swap3A_175 = vector.shape_cast %mul3A_167 : vector<16xf32> to vector<16xf32>
        tpu.vector_store %arg14[%swap3A_172], %swap3A_175 {strides = array<i32>} : memref<24000xf32, #tpu.memory_space<vmem>>, vector<16xf32>,
        %mul3A_176 = arith.mulf %get3A_123, %get3A_37 : vector<16xf32>
        %mul3A_177 = arith.mulf %get3A_120, %get3A_27 : vector<16xf32>
        %add3A_178 = arith.addf %mul3A_177, %mul3A_176 : vector<16xf32>
        %mul3A_179 = arith.constant 2.000000e-01 : f32
        %mul3A_180 = vector.broadcast %mul3A_179 : f32 to vector<16xf32>
        %mul3A_181 = arith.mulf %mul3A_180, %add3A_178 : vector<16xf32>
        %max3A_182 = arith.maximumf %add3A_178, %mul3A_181 : vector<16xf32>
        %add3A_183 = arith.addf %get3A_47, %mul3A_176 : vector<16xf32>
        %mul3A_184 = arith.constant 2.000000e-01 : f32
        %mul3A_185 = vector.broadcast %mul3A_184 : f32 to vector<16xf32>
        %mul3A_186 = arith.mulf %mul3A_185, %add3A_183 : vector<16xf32>
        %max3A_187 = arith.maximumf %add3A_183, %mul3A_186 : vector<16xf32>
        %sub3A_188 = arith.subf %max3A_182, %max3A_187 : vector<16xf32>
        %exp3A_189 = math.exp %sub3A_188 : vector<16xf32>
        %add3A_190 = arith.constant 100352 : i32
        %add3A_191 = vector.broadcast %add3A_190 : i32 to vector<16xi32>
        %add3A_192 = arith.addi %get3A_117, %add3A_191 : vector<16xi32>
        %mul3A_193 = arith.constant 16 : i32
        %mul3A_194 = arith.muli %scan3A_108, %mul3A_193 : i32
        %add3A_195 = arith.constant 4000 : i32
        %add3A_196 = arith.addi %add3A_195, %mul3A_194 : i32
        %swap3A_197 = arith.index_cast %add3A_196 : i32 to index
        %swap3A_198 = tpu.vector_load %arg13[%swap3A_197] {strides = array<i32>} : memref<24000xi32, #tpu.memory_space<vmem>>, vector<16xi32>,
        %swap3A_199 = vector.shape_cast %swap3A_198 : vector<16xi32> to vector<16xi32>
        %swap3A_200 = vector.shape_cast %add3A_192 : vector<16xi32> to vector<16xi32>
        tpu.vector_store %arg13[%swap3A_197], %swap3A_200 {strides = array<i32>} : memref<24000xi32, #tpu.memory_space<vmem>>, vector<16xi32>,
        %mul3A_201 = arith.constant 16 : i32
        %mul3A_202 = arith.muli %scan3A_108, %mul3A_201 : i32
        %add3A_203 = arith.constant 4000 : i32
        %add3A_204 = arith.addi %add3A_203, %mul3A_202 : i32
        %swap3A_205 = arith.index_cast %add3A_204 : i32 to index
        %swap3A_206 = tpu.vector_load %arg14[%swap3A_205] {strides = array<i32>} : memref<24000xf32, #tpu.memory_space<vmem>>, vector<16xf32>,
        %swap3A_207 = vector.shape_cast %swap3A_206 : vector<16xf32> to vector<16xf32>
        %swap3A_208 = vector.shape_cast %exp3A_189 : vector<16xf32> to vector<16xf32>
        tpu.vector_store %arg14[%swap3A_205], %swap3A_208 {strides = array<i32>} : memref<24000xf32, #tpu.memory_space<vmem>>, vector<16xf32>,
        %add3A_209 = arith.constant 301056 : i32
        %add3A_210 = vector.broadcast %add3A_209 : i32 to vector<16xi32>
        %add3A_211 = arith.addi %get3A_117, %add3A_210 : vector<16xi32>
        %mul3A_212 = arith.constant 16 : i32
        %mul3A_213 = arith.muli %scan3A_108, %mul3A_212 : i32
        %add3A_214 = arith.constant 12000 : i32
        %add3A_215 = arith.addi %add3A_214, %mul3A_213 : i32
        %swap3A_216 = arith.index_cast %add3A_215 : i32 to index
        %swap3A_217 = tpu.vector_load %arg13[%swap3A_216] {strides = array<i32>} : memref<24000xi32, #tpu.memory_space<vmem>>, vector<16xi32>,
        %swap3A_218 = vector.shape_cast %swap3A_217 : vector<16xi32> to vector<16xi32>
        %swap3A_219 = vector.shape_cast %add3A_211 : vector<16xi32> to vector<16xi32>
        tpu.vector_store %arg13[%swap3A_216], %swap3A_219 {strides = array<i32>} : memref<24000xi32, #tpu.memory_space<vmem>>, vector<16xi32>,
        %mul3A_220 = arith.mulf %exp3A_189, %get3A_120 : vector<16xf32>
        %mul3A_221 = arith.constant 16 : i32
        %mul3A_222 = arith.muli %scan3A_108, %mul3A_221 : i32
        %add3A_223 = arith.constant 12000 : i32
        %add3A_224 = arith.addi %add3A_223, %mul3A_222 : i32
        %swap3A_225 = arith.index_cast %add3A_224 : i32 to index
        %swap3A_226 = tpu.vector_load %arg14[%swap3A_225] {strides = array<i32>} : memref<24000xf32, #tpu.memory_space<vmem>>, vector<16xf32>,
        %swap3A_227 = vector.shape_cast %swap3A_226 : vector<16xf32> to vector<16xf32>
        %swap3A_228 = vector.shape_cast %mul3A_220 : vector<16xf32> to vector<16xf32>
        tpu.vector_store %arg14[%swap3A_225], %swap3A_228 {strides = array<i32>} : memref<24000xf32, #tpu.memory_space<vmem>>, vector<16xf32>,
        %add3A_229 = arith.constant 401408 : i32
        %add3A_230 = vector.broadcast %add3A_229 : i32 to vector<16xi32>
        %add3A_231 = arith.addi %get3A_114, %add3A_230 : vector<16xi32>
        %mul3A_232 = arith.constant 16 : i32
        %mul3A_233 = arith.muli %scan3A_108, %mul3A_232 : i32
        %add3A_234 = arith.constant 16000 : i32
        %add3A_235 = arith.addi %add3A_234, %mul3A_233 : i32
        %swap3A_236 = arith.index_cast %add3A_235 : i32 to index
        %swap3A_237 = tpu.vector_load %arg13[%swap3A_236] {strides = array<i32>} : memref<24000xi32, #tpu.memory_space<vmem>>, vector<16xi32>,
        %swap3A_238 = vector.shape_cast %swap3A_237 : vector<16xi32> to vector<16xi32>
        %swap3A_239 = vector.shape_cast %add3A_231 : vector<16xi32> to vector<16xi32>
        tpu.vector_store %arg13[%swap3A_236], %swap3A_239 {strides = array<i32>} : memref<24000xi32, #tpu.memory_space<vmem>>, vector<16xi32>,
        %eq3A = arith.cmpi eq, %get3A_117, %get3A_52 : vector<16xi32>
        %select_n3A = arith.select %eq3A, %broadcast_in_dim3A_124, %broadcast_in_dim3A_126 : vector<16xi1>, vector<16xf32>
        %mul3A_240 = arith.constant 16 : i32
        %mul3A_241 = arith.muli %scan3A_108, %mul3A_240 : i32
        %add3A_242 = arith.constant 16000 : i32
        %add3A_243 = arith.addi %add3A_242, %mul3A_241 : i32
        %swap3A_244 = arith.index_cast %add3A_243 : i32 to index
        %swap3A_245 = tpu.vector_load %arg14[%swap3A_244] {strides = array<i32>} : memref<24000xf32, #tpu.memory_space<vmem>>, vector<16xf32>,
        %swap3A_246 = vector.shape_cast %swap3A_245 : vector<16xf32> to vector<16xf32>
        %swap3A_247 = vector.shape_cast %select_n3A : vector<16xf32> to vector<16xf32>
        tpu.vector_store %arg14[%swap3A_244], %swap3A_247 {strides = array<i32>} : memref<24000xf32, #tpu.memory_space<vmem>>, vector<16xf32>,
        %add3A_248 = arith.constant 501760 : i32
        %add3A_249 = vector.broadcast %add3A_248 : i32 to vector<16xi32>
        %add3A_250 = arith.addi %get3A_114, %add3A_249 : vector<16xi32>
        %mul3A_251 = arith.constant 16 : i32
        %mul3A_252 = arith.muli %scan3A_108, %mul3A_251 : i32
        %add3A_253 = arith.constant 20000 : i32
        %add3A_254 = arith.addi %add3A_253, %mul3A_252 : i32
        %swap3A_255 = arith.index_cast %add3A_254 : i32 to index
        %swap3A_256 = tpu.vector_load %arg13[%swap3A_255] {strides = array<i32>} : memref<24000xi32, #tpu.memory_space<vmem>>, vector<16xi32>,
        %swap3A_257 = vector.shape_cast %swap3A_256 : vector<16xi32> to vector<16xi32>
        %swap3A_258 = vector.shape_cast %add3A_250 : vector<16xi32> to vector<16xi32>
        tpu.vector_store %arg13[%swap3A_255], %swap3A_258 {strides = array<i32>} : memref<24000xi32, #tpu.memory_space<vmem>>, vector<16xi32>,
        %eq3A_259 = arith.cmpi eq, %get3A_117, %get3A_57 : vector<16xi32>
        %select_n3A_260 = arith.select %eq3A_259, %broadcast_in_dim3A_124, %broadcast_in_dim3A_126 : vector<16xi1>, vector<16xf32>
        %mul3A_261 = arith.constant 16 : i32
        %mul3A_262 = arith.muli %scan3A_108, %mul3A_261 : i32
        %add3A_263 = arith.constant 20000 : i32
        %add3A_264 = arith.addi %add3A_263, %mul3A_262 : i32
        %swap3A_265 = arith.index_cast %add3A_264 : i32 to index
        %swap3A_266 = tpu.vector_load %arg14[%swap3A_265] {strides = array<i32>} : memref<24000xf32, #tpu.memory_space<vmem>>, vector<16xf32>,
        %swap3A_267 = vector.shape_cast %swap3A_266 : vector<16xf32> to vector<16xf32>
        %swap3A_268 = vector.shape_cast %select_n3A_260 : vector<16xf32> to vector<16xf32>
        tpu.vector_store %arg14[%swap3A_265], %swap3A_268 {strides = array<i32>} : memref<24000xf32, #tpu.memory_space<vmem>>, vector<16xf32>,
        %scan3A_269 = arith.constant 0 : i32
        scf.yield %scan3A_269 : i32
      }
      %scan3A_106 = arith.constant 250 : i32
      "tpu.region"() ({
        %run_scoped3A = tpu.sem_alloc : memref<!tpu.dma_semaphore, #tpu.memory_space<semaphore_mem>>
        %dma_start3A_108 = arith.constant 0 : i32
        %dma_start3A_109 = tpu.memref_slice %arg8[%dma_start3A_108] : memref<602112xf32, #tpu.memory_space<vmem_shared>> -> memref<602112xf32, #tpu.memory_space<vmem_shared>>
        tpu.enqueue_indirect_dma source(%arg14 : memref<24000xf32, #tpu.memory_space<vmem>>) target(%dma_start3A_109 : memref<602112xf32, #tpu.memory_space<vmem_shared>>) offsets(%arg13 : memref<24000xi32, #tpu.memory_space<vmem>>) semaphore(%run_scoped3A : memref<!tpu.dma_semaphore, #tpu.memory_space<semaphore_mem>>) {add = true}
        %dma_wait3A_110 = arith.constant 0 : i32
        %dma_wait3A_111 = tpu.memref_slice %arg8[%dma_wait3A_110] : memref<602112xf32, #tpu.memory_space<vmem_shared>> -> memref<602112xf32, #tpu.memory_space<vmem_shared>>
        tpu.wait_indirect_dma semaphore(%run_scoped3A : memref<!tpu.dma_semaphore, #tpu.memory_space<semaphore_mem>>) src(%arg14 : memref<24000xf32, #tpu.memory_space<vmem>>) dst(%dma_wait3A_111 : memref<602112xf32, #tpu.memory_space<vmem_shared>>)
        tpu.yield
      }) : () -> ()
      %scan3A_107 = arith.constant 0 : i32
      scf.yield %scan3A_107 : i32
    }
    %scan3A_64 = arith.constant 25 : i32
    %barrier3A_65 = arith.constant 0 : index
    tpu.barrier barrier_id(%barrier3A_65)
    %mul3A_66 = arith.constant 37632 : i32
    %mul3A_67 = arith.muli %arg1, %mul3A_66 : i32
    %add3A_68 = arith.constant 0 : i32
    %add3A_69 = arith.addi %mul3A_67, %add3A_68 : i32
    %mul3A_70 = arith.constant 602112 : i32
    %mul3A_71 = arith.muli %arg0, %mul3A_70 : i32
    %add3A_72 = arith.addi %mul3A_71, %add3A_69 : i32
    "tpu.region"() ({
      %run_scoped3A = tpu.sem_alloc : memref<!tpu.dma_semaphore, #tpu.memory_space<semaphore_mem>>
      %dma_start3A = tpu.memref_slice %arg7[%add3A_72] : memref<1204224xf32, #tpu.memory_space<hbm>> -> memref<12544xf32, #tpu.memory_space<hbm>>
      %dma_start3A_87 = tpu.memref_slice %arg8[%add3A_69] : memref<602112xf32, #tpu.memory_space<vmem_shared>> -> memref<12544xf32, #tpu.memory_space<vmem_shared>>
      tpu.enqueue_dma source(%dma_start3A_87 : memref<12544xf32, #tpu.memory_space<vmem_shared>>) target(%dma_start3A : memref<12544xf32, #tpu.memory_space<hbm>>) target_semaphore(%run_scoped3A : memref<!tpu.dma_semaphore, #tpu.memory_space<semaphore_mem>>)
      %dma_wait3A = tpu.memref_slice %arg7[%add3A_72] : memref<1204224xf32, #tpu.memory_space<hbm>> -> memref<12544xf32, #tpu.memory_space<hbm>>
      %dma_wait3A_88 = tpu.memref_slice %arg8[%add3A_69] : memref<602112xf32, #tpu.memory_space<vmem_shared>> -> memref<12544xf32, #tpu.memory_space<vmem_shared>>
      tpu.wait_dma2 semaphore(%run_scoped3A : memref<!tpu.dma_semaphore, #tpu.memory_space<semaphore_mem>>) src(%dma_wait3A_88 : memref<12544xf32, #tpu.memory_space<vmem_shared>>) dst(%dma_wait3A : memref<12544xf32, #tpu.memory_space<hbm>>)
      tpu.yield
    }) : () -> ()
    %mul3A_73 = arith.constant 37632 : i32
    %mul3A_74 = arith.muli %arg1, %mul3A_73 : i32
    %add3A_75 = arith.constant 12544 : i32
    %add3A_76 = arith.addi %mul3A_74, %add3A_75 : i32
    %mul3A_77 = arith.constant 602112 : i32
    %mul3A_78 = arith.muli %arg0, %mul3A_77 : i32
    %add3A_79 = arith.addi %mul3A_78, %add3A_76 : i32
    "tpu.region"() ({
      %run_scoped3A = tpu.sem_alloc : memref<!tpu.dma_semaphore, #tpu.memory_space<semaphore_mem>>
      %dma_start3A = tpu.memref_slice %arg7[%add3A_79] : memref<1204224xf32, #tpu.memory_space<hbm>> -> memref<12544xf32, #tpu.memory_space<hbm>>
      %dma_start3A_87 = tpu.memref_slice %arg8[%add3A_76] : memref<602112xf32, #tpu.memory_space<vmem_shared>> -> memref<12544xf32, #tpu.memory_space<vmem_shared>>
      tpu.enqueue_dma source(%dma_start3A_87 : memref<12544xf32, #tpu.memory_space<vmem_shared>>) target(%dma_start3A : memref<12544xf32, #tpu.memory_space<hbm>>) target_semaphore(%run_scoped3A : memref<!tpu.dma_semaphore, #tpu.memory_space<semaphore_mem>>)
      %dma_wait3A = tpu.memref_slice %arg7[%add3A_79] : memref<1204224xf32, #tpu.memory_space<hbm>> -> memref<12544xf32, #tpu.memory_space<hbm>>
      %dma_wait3A_88 = tpu.memref_slice %arg8[%add3A_76] : memref<602112xf32, #tpu.memory_space<vmem_shared>> -> memref<12544xf32, #tpu.memory_space<vmem_shared>>
      tpu.wait_dma2 semaphore(%run_scoped3A : memref<!tpu.dma_semaphore, #tpu.memory_space<semaphore_mem>>) src(%dma_wait3A_88 : memref<12544xf32, #tpu.memory_space<vmem_shared>>) dst(%dma_wait3A : memref<12544xf32, #tpu.memory_space<hbm>>)
      tpu.yield
    }) : () -> ()
    %mul3A_80 = arith.constant 37632 : i32
    %mul3A_81 = arith.muli %arg1, %mul3A_80 : i32
    %add3A_82 = arith.constant 25088 : i32
    %add3A_83 = arith.addi %mul3A_81, %add3A_82 : i32
    %mul3A_84 = arith.constant 602112 : i32
    %mul3A_85 = arith.muli %arg0, %mul3A_84 : i32
    %add3A_86 = arith.addi %mul3A_85, %add3A_83 : i32
    "tpu.region"() ({
      %run_scoped3A = tpu.sem_alloc : memref<!tpu.dma_semaphore, #tpu.memory_space<semaphore_mem>>
      %dma_start3A = tpu.memref_slice %arg7[%add3A_86] : memref<1204224xf32, #tpu.memory_space<hbm>> -> memref<12544xf32, #tpu.memory_space<hbm>>
      %dma_start3A_87 = tpu.memref_slice %arg8[%add3A_83] : memref<602112xf32, #tpu.memory_space<vmem_shared>> -> memref<12544xf32, #tpu.memory_space<vmem_shared>>
      tpu.enqueue_dma source(%dma_start3A_87 : memref<12544xf32, #tpu.memory_space<vmem_shared>>) target(%dma_start3A : memref<12544xf32, #tpu.memory_space<hbm>>) target_semaphore(%run_scoped3A : memref<!tpu.dma_semaphore, #tpu.memory_space<semaphore_mem>>)
      %dma_wait3A = tpu.memref_slice %arg7[%add3A_86] : memref<1204224xf32, #tpu.memory_space<hbm>> -> memref<12544xf32, #tpu.memory_space<hbm>>
      %dma_wait3A_88 = tpu.memref_slice %arg8[%add3A_83] : memref<602112xf32, #tpu.memory_space<vmem_shared>> -> memref<12544xf32, #tpu.memory_space<vmem_shared>>
      tpu.wait_dma2 semaphore(%run_scoped3A : memref<!tpu.dma_semaphore, #tpu.memory_space<semaphore_mem>>) src(%dma_wait3A_88 : memref<12544xf32, #tpu.memory_space<vmem_shared>>) dst(%dma_wait3A : memref<12544xf32, #tpu.memory_space<hbm>>)
      tpu.yield
    }) : () -> ()
    return
  }
}

module attributes {stable_mosaic.version = 14 : i64} {
  func.func @body(%arg0: memref<784x128xf32, #tpu.memory_space<vmem>>, %arg1: memref<1x8xf32, #tpu.memory_space<vmem>>, %arg2: memref<2x4xf32, #tpu.memory_space<vmem>>, %arg3: memref<2x4xf32, #tpu.memory_space<vmem>>, %arg4: memref<8x16xf32, #tpu.memory_space<vmem>>) attributes {dimension_semantics = [], scalar_prefetch = 0 : i64, scratch_operands = 0 : i64, tpu.core_type = #tpu.core_type<tc>} {
    %get3A = arith.constant 0 : index
    %get3A_0 = arith.constant 0 : index
    %get3A_1 = vector.load %arg0[%get3A, %get3A_0] : memref<784x128xf32, #tpu.memory_space<vmem>>, vector<784x128xf32>
    %abs3A = math.absf %get3A_1 : vector<784x128xf32>
    %reduce_max3A = vector.shape_cast %abs3A : vector<784x128xf32> to vector<1x784x128xf32>
    %reduce_max3A_2 = arith.constant dense<0xFF800000> : vector<1xf32>
    %reduce_max3A_3 = vector.multi_reduction <maximumf>, %reduce_max3A, %reduce_max3A_2 [1, 2] : vector<1x784x128xf32> to vector<1xf32>
    %reduce_max3A_4 = vector.shape_cast %reduce_max3A_3 : vector<1xf32> to vector<1x1x1xf32>
    %reduce_max3A_5 = vector.extract %reduce_max3A_4[0, 0, 0] : f32 from vector<1x1x1xf32>
    %get3A_6 = arith.constant 0 : index
    %get3A_7 = arith.constant 0 : index
    %get3A_8 = vector.load %arg1[%get3A_6, %get3A_7] : memref<1x8xf32, #tpu.memory_space<vmem>>, vector<1x1xf32>
    %get3A_9 = vector.extract %get3A_8[0, 0] : f32 from vector<1x1xf32>
    %get3A_10 = arith.constant 0 : index
    %get3A_11 = arith.constant 0 : index
    %get3A_12 = vector.load %arg2[%get3A_10, %get3A_11] : memref<2x4xf32, #tpu.memory_space<vmem>>, vector<1x1xf32>
    %get3A_13 = vector.extract %get3A_12[0, 0] : f32 from vector<1x1xf32>
    %mul3A = arith.mulf %get3A_9, %get3A_13 : f32
    %add3A = arith.constant 0.000000e+00 : f32
    %add3A_14 = arith.addf %add3A, %mul3A : f32
    %get3A_15 = arith.constant 0 : index
    %get3A_16 = arith.constant 1 : index
    %get3A_17 = vector.load %arg1[%get3A_15, %get3A_16] : memref<1x8xf32, #tpu.memory_space<vmem>>, vector<1x1xf32>
    %get3A_18 = vector.extract %get3A_17[0, 0] : f32 from vector<1x1xf32>
    %get3A_19 = arith.constant 0 : index
    %get3A_20 = arith.constant 1 : index
    %get3A_21 = vector.load %arg2[%get3A_19, %get3A_20] : memref<2x4xf32, #tpu.memory_space<vmem>>, vector<1x1xf32>
    %get3A_22 = vector.extract %get3A_21[0, 0] : f32 from vector<1x1xf32>
    %mul3A_23 = arith.mulf %get3A_18, %get3A_22 : f32
    %add3A_24 = arith.addf %add3A_14, %mul3A_23 : f32
    %get3A_25 = arith.constant 0 : index
    %get3A_26 = arith.constant 2 : index
    %get3A_27 = vector.load %arg1[%get3A_25, %get3A_26] : memref<1x8xf32, #tpu.memory_space<vmem>>, vector<1x1xf32>
    %get3A_28 = vector.extract %get3A_27[0, 0] : f32 from vector<1x1xf32>
    %get3A_29 = arith.constant 0 : index
    %get3A_30 = arith.constant 2 : index
    %get3A_31 = vector.load %arg2[%get3A_29, %get3A_30] : memref<2x4xf32, #tpu.memory_space<vmem>>, vector<1x1xf32>
    %get3A_32 = vector.extract %get3A_31[0, 0] : f32 from vector<1x1xf32>
    %mul3A_33 = arith.mulf %get3A_28, %get3A_32 : f32
    %add3A_34 = arith.addf %add3A_24, %mul3A_33 : f32
    %get3A_35 = arith.constant 0 : index
    %get3A_36 = arith.constant 3 : index
    %get3A_37 = vector.load %arg1[%get3A_35, %get3A_36] : memref<1x8xf32, #tpu.memory_space<vmem>>, vector<1x1xf32>
    %get3A_38 = vector.extract %get3A_37[0, 0] : f32 from vector<1x1xf32>
    %get3A_39 = arith.constant 0 : index
    %get3A_40 = arith.constant 3 : index
    %get3A_41 = vector.load %arg2[%get3A_39, %get3A_40] : memref<2x4xf32, #tpu.memory_space<vmem>>, vector<1x1xf32>
    %get3A_42 = vector.extract %get3A_41[0, 0] : f32 from vector<1x1xf32>
    %mul3A_43 = arith.mulf %get3A_38, %get3A_42 : f32
    %add3A_44 = arith.addf %add3A_34, %mul3A_43 : f32
    %get3A_45 = arith.constant 0 : index
    %get3A_46 = arith.constant 0 : index
    %get3A_47 = vector.load %arg1[%get3A_45, %get3A_46] : memref<1x8xf32, #tpu.memory_space<vmem>>, vector<1x1xf32>
    %get3A_48 = vector.extract %get3A_47[0, 0] : f32 from vector<1x1xf32>
    %get3A_49 = arith.constant 0 : index
    %get3A_50 = arith.constant 0 : index
    %get3A_51 = vector.load %arg3[%get3A_49, %get3A_50] : memref<2x4xf32, #tpu.memory_space<vmem>>, vector<1x1xf32>
    %get3A_52 = vector.extract %get3A_51[0, 0] : f32 from vector<1x1xf32>
    %mul3A_53 = arith.mulf %get3A_48, %get3A_52 : f32
    %add3A_54 = arith.constant 0.000000e+00 : f32
    %add3A_55 = arith.addf %add3A_54, %mul3A_53 : f32
    %get3A_56 = arith.constant 0 : index
    %get3A_57 = arith.constant 1 : index
    %get3A_58 = vector.load %arg1[%get3A_56, %get3A_57] : memref<1x8xf32, #tpu.memory_space<vmem>>, vector<1x1xf32>
    %get3A_59 = vector.extract %get3A_58[0, 0] : f32 from vector<1x1xf32>
    %get3A_60 = arith.constant 0 : index
    %get3A_61 = arith.constant 1 : index
    %get3A_62 = vector.load %arg3[%get3A_60, %get3A_61] : memref<2x4xf32, #tpu.memory_space<vmem>>, vector<1x1xf32>
    %get3A_63 = vector.extract %get3A_62[0, 0] : f32 from vector<1x1xf32>
    %mul3A_64 = arith.mulf %get3A_59, %get3A_63 : f32
    %add3A_65 = arith.addf %add3A_55, %mul3A_64 : f32
    %get3A_66 = arith.constant 0 : index
    %get3A_67 = arith.constant 2 : index
    %get3A_68 = vector.load %arg1[%get3A_66, %get3A_67] : memref<1x8xf32, #tpu.memory_space<vmem>>, vector<1x1xf32>
    %get3A_69 = vector.extract %get3A_68[0, 0] : f32 from vector<1x1xf32>
    %get3A_70 = arith.constant 0 : index
    %get3A_71 = arith.constant 2 : index
    %get3A_72 = vector.load %arg3[%get3A_70, %get3A_71] : memref<2x4xf32, #tpu.memory_space<vmem>>, vector<1x1xf32>
    %get3A_73 = vector.extract %get3A_72[0, 0] : f32 from vector<1x1xf32>
    %mul3A_74 = arith.mulf %get3A_69, %get3A_73 : f32
    %add3A_75 = arith.addf %add3A_65, %mul3A_74 : f32
    %get3A_76 = arith.constant 0 : index
    %get3A_77 = arith.constant 3 : index
    %get3A_78 = vector.load %arg1[%get3A_76, %get3A_77] : memref<1x8xf32, #tpu.memory_space<vmem>>, vector<1x1xf32>
    %get3A_79 = vector.extract %get3A_78[0, 0] : f32 from vector<1x1xf32>
    %get3A_80 = arith.constant 0 : index
    %get3A_81 = arith.constant 3 : index
    %get3A_82 = vector.load %arg3[%get3A_80, %get3A_81] : memref<2x4xf32, #tpu.memory_space<vmem>>, vector<1x1xf32>
    %get3A_83 = vector.extract %get3A_82[0, 0] : f32 from vector<1x1xf32>
    %mul3A_84 = arith.mulf %get3A_79, %get3A_83 : f32
    %add3A_85 = arith.addf %add3A_75, %mul3A_84 : f32
    %get3A_86 = arith.constant 0 : index
    %get3A_87 = arith.constant 4 : index
    %get3A_88 = vector.load %arg1[%get3A_86, %get3A_87] : memref<1x8xf32, #tpu.memory_space<vmem>>, vector<1x1xf32>
    %get3A_89 = vector.extract %get3A_88[0, 0] : f32 from vector<1x1xf32>
    %get3A_90 = arith.constant 1 : index
    %get3A_91 = arith.constant 0 : index
    %get3A_92 = vector.load %arg2[%get3A_90, %get3A_91] : memref<2x4xf32, #tpu.memory_space<vmem>>, vector<1x1xf32>
    %get3A_93 = vector.extract %get3A_92[0, 0] : f32 from vector<1x1xf32>
    %mul3A_94 = arith.mulf %get3A_89, %get3A_93 : f32
    %add3A_95 = arith.constant 0.000000e+00 : f32
    %add3A_96 = arith.addf %add3A_95, %mul3A_94 : f32
    %get3A_97 = arith.constant 0 : index
    %get3A_98 = arith.constant 5 : index
    %get3A_99 = vector.load %arg1[%get3A_97, %get3A_98] : memref<1x8xf32, #tpu.memory_space<vmem>>, vector<1x1xf32>
    %get3A_100 = vector.extract %get3A_99[0, 0] : f32 from vector<1x1xf32>
    %get3A_101 = arith.constant 1 : index
    %get3A_102 = arith.constant 1 : index
    %get3A_103 = vector.load %arg2[%get3A_101, %get3A_102] : memref<2x4xf32, #tpu.memory_space<vmem>>, vector<1x1xf32>
    %get3A_104 = vector.extract %get3A_103[0, 0] : f32 from vector<1x1xf32>
    %mul3A_105 = arith.mulf %get3A_100, %get3A_104 : f32
    %add3A_106 = arith.addf %add3A_96, %mul3A_105 : f32
    %get3A_107 = arith.constant 0 : index
    %get3A_108 = arith.constant 6 : index
    %get3A_109 = vector.load %arg1[%get3A_107, %get3A_108] : memref<1x8xf32, #tpu.memory_space<vmem>>, vector<1x1xf32>
    %get3A_110 = vector.extract %get3A_109[0, 0] : f32 from vector<1x1xf32>
    %get3A_111 = arith.constant 1 : index
    %get3A_112 = arith.constant 2 : index
    %get3A_113 = vector.load %arg2[%get3A_111, %get3A_112] : memref<2x4xf32, #tpu.memory_space<vmem>>, vector<1x1xf32>
    %get3A_114 = vector.extract %get3A_113[0, 0] : f32 from vector<1x1xf32>
    %mul3A_115 = arith.mulf %get3A_110, %get3A_114 : f32
    %add3A_116 = arith.addf %add3A_106, %mul3A_115 : f32
    %get3A_117 = arith.constant 0 : index
    %get3A_118 = arith.constant 7 : index
    %get3A_119 = vector.load %arg1[%get3A_117, %get3A_118] : memref<1x8xf32, #tpu.memory_space<vmem>>, vector<1x1xf32>
    %get3A_120 = vector.extract %get3A_119[0, 0] : f32 from vector<1x1xf32>
    %get3A_121 = arith.constant 1 : index
    %get3A_122 = arith.constant 3 : index
    %get3A_123 = vector.load %arg2[%get3A_121, %get3A_122] : memref<2x4xf32, #tpu.memory_space<vmem>>, vector<1x1xf32>
    %get3A_124 = vector.extract %get3A_123[0, 0] : f32 from vector<1x1xf32>
    %mul3A_125 = arith.mulf %get3A_120, %get3A_124 : f32
    %add3A_126 = arith.addf %add3A_116, %mul3A_125 : f32
    %get3A_127 = arith.constant 0 : index
    %get3A_128 = arith.constant 4 : index
    %get3A_129 = vector.load %arg1[%get3A_127, %get3A_128] : memref<1x8xf32, #tpu.memory_space<vmem>>, vector<1x1xf32>
    %get3A_130 = vector.extract %get3A_129[0, 0] : f32 from vector<1x1xf32>
    %get3A_131 = arith.constant 1 : index
    %get3A_132 = arith.constant 0 : index
    %get3A_133 = vector.load %arg3[%get3A_131, %get3A_132] : memref<2x4xf32, #tpu.memory_space<vmem>>, vector<1x1xf32>
    %get3A_134 = vector.extract %get3A_133[0, 0] : f32 from vector<1x1xf32>
    %mul3A_135 = arith.mulf %get3A_130, %get3A_134 : f32
    %add3A_136 = arith.constant 0.000000e+00 : f32
    %add3A_137 = arith.addf %add3A_136, %mul3A_135 : f32
    %get3A_138 = arith.constant 0 : index
    %get3A_139 = arith.constant 5 : index
    %get3A_140 = vector.load %arg1[%get3A_138, %get3A_139] : memref<1x8xf32, #tpu.memory_space<vmem>>, vector<1x1xf32>
    %get3A_141 = vector.extract %get3A_140[0, 0] : f32 from vector<1x1xf32>
    %get3A_142 = arith.constant 1 : index
    %get3A_143 = arith.constant 1 : index
    %get3A_144 = vector.load %arg3[%get3A_142, %get3A_143] : memref<2x4xf32, #tpu.memory_space<vmem>>, vector<1x1xf32>
    %get3A_145 = vector.extract %get3A_144[0, 0] : f32 from vector<1x1xf32>
    %mul3A_146 = arith.mulf %get3A_141, %get3A_145 : f32
    %add3A_147 = arith.addf %add3A_137, %mul3A_146 : f32
    %get3A_148 = arith.constant 0 : index
    %get3A_149 = arith.constant 6 : index
    %get3A_150 = vector.load %arg1[%get3A_148, %get3A_149] : memref<1x8xf32, #tpu.memory_space<vmem>>, vector<1x1xf32>
    %get3A_151 = vector.extract %get3A_150[0, 0] : f32 from vector<1x1xf32>
    %get3A_152 = arith.constant 1 : index
    %get3A_153 = arith.constant 2 : index
    %get3A_154 = vector.load %arg3[%get3A_152, %get3A_153] : memref<2x4xf32, #tpu.memory_space<vmem>>, vector<1x1xf32>
    %get3A_155 = vector.extract %get3A_154[0, 0] : f32 from vector<1x1xf32>
    %mul3A_156 = arith.mulf %get3A_151, %get3A_155 : f32
    %add3A_157 = arith.addf %add3A_147, %mul3A_156 : f32
    %get3A_158 = arith.constant 0 : index
    %get3A_159 = arith.constant 7 : index
    %get3A_160 = vector.load %arg1[%get3A_158, %get3A_159] : memref<1x8xf32, #tpu.memory_space<vmem>>, vector<1x1xf32>
    %get3A_161 = vector.extract %get3A_160[0, 0] : f32 from vector<1x1xf32>
    %get3A_162 = arith.constant 1 : index
    %get3A_163 = arith.constant 3 : index
    %get3A_164 = vector.load %arg3[%get3A_162, %get3A_163] : memref<2x4xf32, #tpu.memory_space<vmem>>, vector<1x1xf32>
    %get3A_165 = vector.extract %get3A_164[0, 0] : f32 from vector<1x1xf32>
    %mul3A_166 = arith.mulf %get3A_161, %get3A_165 : f32
    %add3A_167 = arith.addf %add3A_157, %mul3A_166 : f32
    %abs3A_168 = math.absf %add3A_44 : f32
    %mul3A_169 = arith.mulf %reduce_max3A_5, %abs3A_168 : f32
    %abs3A_170 = math.absf %add3A_126 : f32
    %mul3A_171 = arith.mulf %reduce_max3A_5, %abs3A_170 : f32
    %broadcast_in_dim3A = vector.broadcast %add3A_44 : f32 to vector<16xf32>
    %broadcast_in_dim3A_172 = vector.broadcast %add3A_126 : f32 to vector<16xf32>
    %broadcast_in_dim3A_173 = vector.broadcast %add3A_85 : f32 to vector<16xf32>
    %broadcast_in_dim3A_174 = vector.broadcast %add3A_167 : f32 to vector<16xf32>
    %broadcast_in_dim3A_175 = vector.broadcast %mul3A_169 : f32 to vector<16xf32>
    %broadcast_in_dim3A_176 = vector.broadcast %mul3A_171 : f32 to vector<16xf32>
    %broadcast_in_dim3A_177 = vector.broadcast %reduce_max3A_5 : f32 to vector<16xf32>
    %broadcast_in_dim3A_178 = arith.constant 0.000000e+00 : f32
    %broadcast_in_dim3A_179 = vector.broadcast %broadcast_in_dim3A_178 : f32 to vector<16xf32>
    %stack3A = vector.shape_cast %broadcast_in_dim3A : vector<16xf32> to vector<1x16xf32>
    %stack3A_180 = vector.shape_cast %broadcast_in_dim3A_172 : vector<16xf32> to vector<1x16xf32>
    %stack3A_181 = vector.shape_cast %broadcast_in_dim3A_173 : vector<16xf32> to vector<1x16xf32>
    %stack3A_182 = vector.shape_cast %broadcast_in_dim3A_174 : vector<16xf32> to vector<1x16xf32>
    %stack3A_183 = vector.shape_cast %broadcast_in_dim3A_175 : vector<16xf32> to vector<1x16xf32>
    %stack3A_184 = vector.shape_cast %broadcast_in_dim3A_176 : vector<16xf32> to vector<1x16xf32>
    %stack3A_185 = vector.shape_cast %broadcast_in_dim3A_177 : vector<16xf32> to vector<1x16xf32>
    %stack3A_186 = vector.shape_cast %broadcast_in_dim3A_179 : vector<16xf32> to vector<1x16xf32>
    %stack3A_187 = tpu.concatenate %stack3A, %stack3A_180, %stack3A_181, %stack3A_182, %stack3A_183, %stack3A_184, %stack3A_185, %stack3A_186 in 0 : vector<1x16xf32>, vector<1x16xf32>, vector<1x16xf32>, vector<1x16xf32>, vector<1x16xf32>, vector<1x16xf32>, vector<1x16xf32>, vector<1x16xf32> -> vector<8x16xf32>
    %swap3A = arith.constant 0 : index
    %swap3A_188 = arith.constant 0 : index
    %swap3A_189 = vector.load %arg4[%swap3A, %swap3A_188] : memref<8x16xf32, #tpu.memory_space<vmem>>, vector<8x16xf32>
    tpu.vector_store %arg4[%swap3A, %swap3A_188], %stack3A_187 {strides = array<i32>} : memref<8x16xf32, #tpu.memory_space<vmem>>, vector<8x16xf32>,
    return
  }
}

module attributes {stable_mosaic.version = 14 : i64} {
  func.func @body(%arg0: memref<784x128xf32, #tpu.memory_space<vmem>>, %arg1: memref<2x6x784x128xf32, #tpu.memory_space<vmem>>, %arg2: memref<1x8xf32, #tpu.memory_space<vmem>>, %arg3: memref<2x4xf32, #tpu.memory_space<vmem>>, %arg4: memref<2x4xf32, #tpu.memory_space<vmem>>, %arg5: memref<1x8xf32, #tpu.memory_space<vmem>>, %arg6: memref<8x8xf32, #tpu.memory_space<vmem>>, %arg7: memref<2x4xf32, #tpu.memory_space<vmem>>, %arg8: memref<2x4xf32, #tpu.memory_space<vmem>>, %arg9: memref<1x8xf32, #tpu.memory_space<vmem>>, %arg10: memref<16x2xf32, #tpu.memory_space<vmem>>, %arg11: memref<1x2xf32, #tpu.memory_space<vmem>>, %arg12: memref<1x2xi32, #tpu.memory_space<vmem>>, %arg13: memref<1x2xf32, #tpu.memory_space<vmem>>) attributes {dimension_semantics = [], scalar_prefetch = 0 : i64, scratch_operands = 0 : i64, tpu.core_type = #tpu.core_type<tc>} {
    %get3A = arith.constant 0 : index
    %get3A_0 = arith.constant 0 : index
    %get3A_1 = vector.load %arg0[%get3A, %get3A_0] : memref<784x128xf32, #tpu.memory_space<vmem>>, vector<784x128xf32>
    %abs3A = math.absf %get3A_1 : vector<784x128xf32>
    %reduce_max3A = vector.shape_cast %abs3A : vector<784x128xf32> to vector<1x784x128xf32>
    %reduce_max3A_2 = arith.constant dense<0xFF800000> : vector<1xf32>
    %reduce_max3A_3 = vector.multi_reduction <maximumf>, %reduce_max3A, %reduce_max3A_2 [1, 2] : vector<1x784x128xf32> to vector<1xf32>
    %reduce_max3A_4 = vector.shape_cast %reduce_max3A_3 : vector<1xf32> to vector<1x1x1xf32>
    %reduce_max3A_5 = vector.extract %reduce_max3A_4[0, 0, 0] : f32 from vector<1x1x1xf32>
    %get3A_6 = arith.constant 0 : index
    %get3A_7 = arith.constant 0 : index
    %get3A_8 = vector.load %arg2[%get3A_6, %get3A_7] : memref<1x8xf32, #tpu.memory_space<vmem>>, vector<1x1xf32>
    %get3A_9 = vector.extract %get3A_8[0, 0] : f32 from vector<1x1xf32>
    %get3A_10 = arith.constant 0 : index
    %get3A_11 = arith.constant 0 : index
    %get3A_12 = vector.load %arg3[%get3A_10, %get3A_11] : memref<2x4xf32, #tpu.memory_space<vmem>>, vector<1x1xf32>
    %get3A_13 = vector.extract %get3A_12[0, 0] : f32 from vector<1x1xf32>
    %mul3A = arith.mulf %get3A_9, %get3A_13 : f32
    %add3A = arith.constant 0.000000e+00 : f32
    %add3A_14 = arith.addf %add3A, %mul3A : f32
    %get3A_15 = arith.constant 0 : index
    %get3A_16 = arith.constant 1 : index
    %get3A_17 = vector.load %arg2[%get3A_15, %get3A_16] : memref<1x8xf32, #tpu.memory_space<vmem>>, vector<1x1xf32>
    %get3A_18 = vector.extract %get3A_17[0, 0] : f32 from vector<1x1xf32>
    %get3A_19 = arith.constant 0 : index
    %get3A_20 = arith.constant 1 : index
    %get3A_21 = vector.load %arg3[%get3A_19, %get3A_20] : memref<2x4xf32, #tpu.memory_space<vmem>>, vector<1x1xf32>
    %get3A_22 = vector.extract %get3A_21[0, 0] : f32 from vector<1x1xf32>
    %mul3A_23 = arith.mulf %get3A_18, %get3A_22 : f32
    %add3A_24 = arith.addf %add3A_14, %mul3A_23 : f32
    %get3A_25 = arith.constant 0 : index
    %get3A_26 = arith.constant 2 : index
    %get3A_27 = vector.load %arg2[%get3A_25, %get3A_26] : memref<1x8xf32, #tpu.memory_space<vmem>>, vector<1x1xf32>
    %get3A_28 = vector.extract %get3A_27[0, 0] : f32 from vector<1x1xf32>
    %get3A_29 = arith.constant 0 : index
    %get3A_30 = arith.constant 2 : index
    %get3A_31 = vector.load %arg3[%get3A_29, %get3A_30] : memref<2x4xf32, #tpu.memory_space<vmem>>, vector<1x1xf32>
    %get3A_32 = vector.extract %get3A_31[0, 0] : f32 from vector<1x1xf32>
    %mul3A_33 = arith.mulf %get3A_28, %get3A_32 : f32
    %add3A_34 = arith.addf %add3A_24, %mul3A_33 : f32
    %get3A_35 = arith.constant 0 : index
    %get3A_36 = arith.constant 3 : index
    %get3A_37 = vector.load %arg2[%get3A_35, %get3A_36] : memref<1x8xf32, #tpu.memory_space<vmem>>, vector<1x1xf32>
    %get3A_38 = vector.extract %get3A_37[0, 0] : f32 from vector<1x1xf32>
    %get3A_39 = arith.constant 0 : index
    %get3A_40 = arith.constant 3 : index
    %get3A_41 = vector.load %arg3[%get3A_39, %get3A_40] : memref<2x4xf32, #tpu.memory_space<vmem>>, vector<1x1xf32>
    %get3A_42 = vector.extract %get3A_41[0, 0] : f32 from vector<1x1xf32>
    %mul3A_43 = arith.mulf %get3A_38, %get3A_42 : f32
    %add3A_44 = arith.addf %add3A_34, %mul3A_43 : f32
    %get3A_45 = arith.constant 0 : index
    %get3A_46 = arith.constant 0 : index
    %get3A_47 = vector.load %arg2[%get3A_45, %get3A_46] : memref<1x8xf32, #tpu.memory_space<vmem>>, vector<1x1xf32>
    %get3A_48 = vector.extract %get3A_47[0, 0] : f32 from vector<1x1xf32>
    %get3A_49 = arith.constant 0 : index
    %get3A_50 = arith.constant 0 : index
    %get3A_51 = vector.load %arg4[%get3A_49, %get3A_50] : memref<2x4xf32, #tpu.memory_space<vmem>>, vector<1x1xf32>
    %get3A_52 = vector.extract %get3A_51[0, 0] : f32 from vector<1x1xf32>
    %mul3A_53 = arith.mulf %get3A_48, %get3A_52 : f32
    %add3A_54 = arith.constant 0.000000e+00 : f32
    %add3A_55 = arith.addf %add3A_54, %mul3A_53 : f32
    %get3A_56 = arith.constant 0 : index
    %get3A_57 = arith.constant 1 : index
    %get3A_58 = vector.load %arg2[%get3A_56, %get3A_57] : memref<1x8xf32, #tpu.memory_space<vmem>>, vector<1x1xf32>
    %get3A_59 = vector.extract %get3A_58[0, 0] : f32 from vector<1x1xf32>
    %get3A_60 = arith.constant 0 : index
    %get3A_61 = arith.constant 1 : index
    %get3A_62 = vector.load %arg4[%get3A_60, %get3A_61] : memref<2x4xf32, #tpu.memory_space<vmem>>, vector<1x1xf32>
    %get3A_63 = vector.extract %get3A_62[0, 0] : f32 from vector<1x1xf32>
    %mul3A_64 = arith.mulf %get3A_59, %get3A_63 : f32
    %add3A_65 = arith.addf %add3A_55, %mul3A_64 : f32
    %get3A_66 = arith.constant 0 : index
    %get3A_67 = arith.constant 2 : index
    %get3A_68 = vector.load %arg2[%get3A_66, %get3A_67] : memref<1x8xf32, #tpu.memory_space<vmem>>, vector<1x1xf32>
    %get3A_69 = vector.extract %get3A_68[0, 0] : f32 from vector<1x1xf32>
    %get3A_70 = arith.constant 0 : index
    %get3A_71 = arith.constant 2 : index
    %get3A_72 = vector.load %arg4[%get3A_70, %get3A_71] : memref<2x4xf32, #tpu.memory_space<vmem>>, vector<1x1xf32>
    %get3A_73 = vector.extract %get3A_72[0, 0] : f32 from vector<1x1xf32>
    %mul3A_74 = arith.mulf %get3A_69, %get3A_73 : f32
    %add3A_75 = arith.addf %add3A_65, %mul3A_74 : f32
    %get3A_76 = arith.constant 0 : index
    %get3A_77 = arith.constant 3 : index
    %get3A_78 = vector.load %arg2[%get3A_76, %get3A_77] : memref<1x8xf32, #tpu.memory_space<vmem>>, vector<1x1xf32>
    %get3A_79 = vector.extract %get3A_78[0, 0] : f32 from vector<1x1xf32>
    %get3A_80 = arith.constant 0 : index
    %get3A_81 = arith.constant 3 : index
    %get3A_82 = vector.load %arg4[%get3A_80, %get3A_81] : memref<2x4xf32, #tpu.memory_space<vmem>>, vector<1x1xf32>
    %get3A_83 = vector.extract %get3A_82[0, 0] : f32 from vector<1x1xf32>
    %mul3A_84 = arith.mulf %get3A_79, %get3A_83 : f32
    %add3A_85 = arith.addf %add3A_75, %mul3A_84 : f32
    %get3A_86 = arith.constant 0 : index
    %get3A_87 = arith.constant 4 : index
    %get3A_88 = vector.load %arg2[%get3A_86, %get3A_87] : memref<1x8xf32, #tpu.memory_space<vmem>>, vector<1x1xf32>
    %get3A_89 = vector.extract %get3A_88[0, 0] : f32 from vector<1x1xf32>
    %get3A_90 = arith.constant 1 : index
    %get3A_91 = arith.constant 0 : index
    %get3A_92 = vector.load %arg3[%get3A_90, %get3A_91] : memref<2x4xf32, #tpu.memory_space<vmem>>, vector<1x1xf32>
    %get3A_93 = vector.extract %get3A_92[0, 0] : f32 from vector<1x1xf32>
    %mul3A_94 = arith.mulf %get3A_89, %get3A_93 : f32
    %add3A_95 = arith.constant 0.000000e+00 : f32
    %add3A_96 = arith.addf %add3A_95, %mul3A_94 : f32
    %get3A_97 = arith.constant 0 : index
    %get3A_98 = arith.constant 5 : index
    %get3A_99 = vector.load %arg2[%get3A_97, %get3A_98] : memref<1x8xf32, #tpu.memory_space<vmem>>, vector<1x1xf32>
    %get3A_100 = vector.extract %get3A_99[0, 0] : f32 from vector<1x1xf32>
    %get3A_101 = arith.constant 1 : index
    %get3A_102 = arith.constant 1 : index
    %get3A_103 = vector.load %arg3[%get3A_101, %get3A_102] : memref<2x4xf32, #tpu.memory_space<vmem>>, vector<1x1xf32>
    %get3A_104 = vector.extract %get3A_103[0, 0] : f32 from vector<1x1xf32>
    %mul3A_105 = arith.mulf %get3A_100, %get3A_104 : f32
    %add3A_106 = arith.addf %add3A_96, %mul3A_105 : f32
    %get3A_107 = arith.constant 0 : index
    %get3A_108 = arith.constant 6 : index
    %get3A_109 = vector.load %arg2[%get3A_107, %get3A_108] : memref<1x8xf32, #tpu.memory_space<vmem>>, vector<1x1xf32>
    %get3A_110 = vector.extract %get3A_109[0, 0] : f32 from vector<1x1xf32>
    %get3A_111 = arith.constant 1 : index
    %get3A_112 = arith.constant 2 : index
    %get3A_113 = vector.load %arg3[%get3A_111, %get3A_112] : memref<2x4xf32, #tpu.memory_space<vmem>>, vector<1x1xf32>
    %get3A_114 = vector.extract %get3A_113[0, 0] : f32 from vector<1x1xf32>
    %mul3A_115 = arith.mulf %get3A_110, %get3A_114 : f32
    %add3A_116 = arith.addf %add3A_106, %mul3A_115 : f32
    %get3A_117 = arith.constant 0 : index
    %get3A_118 = arith.constant 7 : index
    %get3A_119 = vector.load %arg2[%get3A_117, %get3A_118] : memref<1x8xf32, #tpu.memory_space<vmem>>, vector<1x1xf32>
    %get3A_120 = vector.extract %get3A_119[0, 0] : f32 from vector<1x1xf32>
    %get3A_121 = arith.constant 1 : index
    %get3A_122 = arith.constant 3 : index
    %get3A_123 = vector.load %arg3[%get3A_121, %get3A_122] : memref<2x4xf32, #tpu.memory_space<vmem>>, vector<1x1xf32>
    %get3A_124 = vector.extract %get3A_123[0, 0] : f32 from vector<1x1xf32>
    %mul3A_125 = arith.mulf %get3A_120, %get3A_124 : f32
    %add3A_126 = arith.addf %add3A_116, %mul3A_125 : f32
    %get3A_127 = arith.constant 0 : index
    %get3A_128 = arith.constant 4 : index
    %get3A_129 = vector.load %arg2[%get3A_127, %get3A_128] : memref<1x8xf32, #tpu.memory_space<vmem>>, vector<1x1xf32>
    %get3A_130 = vector.extract %get3A_129[0, 0] : f32 from vector<1x1xf32>
    %get3A_131 = arith.constant 1 : index
    %get3A_132 = arith.constant 0 : index
    %get3A_133 = vector.load %arg4[%get3A_131, %get3A_132] : memref<2x4xf32, #tpu.memory_space<vmem>>, vector<1x1xf32>
    %get3A_134 = vector.extract %get3A_133[0, 0] : f32 from vector<1x1xf32>
    %mul3A_135 = arith.mulf %get3A_130, %get3A_134 : f32
    %add3A_136 = arith.constant 0.000000e+00 : f32
    %add3A_137 = arith.addf %add3A_136, %mul3A_135 : f32
    %get3A_138 = arith.constant 0 : index
    %get3A_139 = arith.constant 5 : index
    %get3A_140 = vector.load %arg2[%get3A_138, %get3A_139] : memref<1x8xf32, #tpu.memory_space<vmem>>, vector<1x1xf32>
    %get3A_141 = vector.extract %get3A_140[0, 0] : f32 from vector<1x1xf32>
    %get3A_142 = arith.constant 1 : index
    %get3A_143 = arith.constant 1 : index
    %get3A_144 = vector.load %arg4[%get3A_142, %get3A_143] : memref<2x4xf32, #tpu.memory_space<vmem>>, vector<1x1xf32>
    %get3A_145 = vector.extract %get3A_144[0, 0] : f32 from vector<1x1xf32>
    %mul3A_146 = arith.mulf %get3A_141, %get3A_145 : f32
    %add3A_147 = arith.addf %add3A_137, %mul3A_146 : f32
    %get3A_148 = arith.constant 0 : index
    %get3A_149 = arith.constant 6 : index
    %get3A_150 = vector.load %arg2[%get3A_148, %get3A_149] : memref<1x8xf32, #tpu.memory_space<vmem>>, vector<1x1xf32>
    %get3A_151 = vector.extract %get3A_150[0, 0] : f32 from vector<1x1xf32>
    %get3A_152 = arith.constant 1 : index
    %get3A_153 = arith.constant 2 : index
    %get3A_154 = vector.load %arg4[%get3A_152, %get3A_153] : memref<2x4xf32, #tpu.memory_space<vmem>>, vector<1x1xf32>
    %get3A_155 = vector.extract %get3A_154[0, 0] : f32 from vector<1x1xf32>
    %mul3A_156 = arith.mulf %get3A_151, %get3A_155 : f32
    %add3A_157 = arith.addf %add3A_147, %mul3A_156 : f32
    %get3A_158 = arith.constant 0 : index
    %get3A_159 = arith.constant 7 : index
    %get3A_160 = vector.load %arg2[%get3A_158, %get3A_159] : memref<1x8xf32, #tpu.memory_space<vmem>>, vector<1x1xf32>
    %get3A_161 = vector.extract %get3A_160[0, 0] : f32 from vector<1x1xf32>
    %get3A_162 = arith.constant 1 : index
    %get3A_163 = arith.constant 3 : index
    %get3A_164 = vector.load %arg4[%get3A_162, %get3A_163] : memref<2x4xf32, #tpu.memory_space<vmem>>, vector<1x1xf32>
    %get3A_165 = vector.extract %get3A_164[0, 0] : f32 from vector<1x1xf32>
    %mul3A_166 = arith.mulf %get3A_161, %get3A_165 : f32
    %add3A_167 = arith.addf %add3A_157, %mul3A_166 : f32
    %get3A_168 = arith.constant 0 : index
    %get3A_169 = arith.constant 0 : index
    %get3A_170 = arith.constant 0 : index
    %get3A_171 = arith.constant 0 : index
    %get3A_172 = vector.load %arg1[%get3A_168, %get3A_169, %get3A_170, %get3A_171] : memref<2x6x784x128xf32, #tpu.memory_space<vmem>>, vector<1x6x784x128xf32>
    %get3A_173 = vector.shape_cast %get3A_172 : vector<1x6x784x128xf32> to vector<6x784x128xf32>
    %get3A_174 = arith.constant 1 : index
    %get3A_175 = arith.constant 0 : index
    %get3A_176 = arith.constant 0 : index
    %get3A_177 = arith.constant 0 : index
    %get3A_178 = vector.load %arg1[%get3A_174, %get3A_175, %get3A_176, %get3A_177] : memref<2x6x784x128xf32, #tpu.memory_space<vmem>>, vector<1x6x784x128xf32>
    %get3A_179 = vector.shape_cast %get3A_178 : vector<1x6x784x128xf32> to vector<6x784x128xf32>
    %add3A_180 = arith.addf %get3A_173, %get3A_179 : vector<6x784x128xf32>
    %add3A_181 = arith.addf %add3A_44, %add3A_85 : f32
    %mul3A_182 = vector.broadcast %add3A_181 : f32 to vector<784x128xf32>
    %mul3A_183 = arith.mulf %get3A_1, %mul3A_182 : vector<784x128xf32>
    %mul3A_184 = arith.constant 2.000000e-01 : f32
    %mul3A_185 = vector.broadcast %mul3A_184 : f32 to vector<784x128xf32>
    %mul3A_186 = arith.mulf %mul3A_185, %mul3A_183 : vector<784x128xf32>
    %max3A = arith.maximumf %mul3A_183, %mul3A_186 : vector<784x128xf32>
    %abs3A_187 = math.absf %add3A_44 : f32
    %mul3A_188 = arith.mulf %reduce_max3A_5, %abs3A_187 : f32
    %mul3A_189 = vector.broadcast %add3A_85 : f32 to vector<784x128xf32>
    %mul3A_190 = arith.mulf %get3A_1, %mul3A_189 : vector<784x128xf32>
    %add3A_191 = vector.broadcast %mul3A_188 : f32 to vector<784x128xf32>
    %add3A_192 = arith.addf %add3A_191, %mul3A_190 : vector<784x128xf32>
    %mul3A_193 = arith.constant 2.000000e-01 : f32
    %mul3A_194 = vector.broadcast %mul3A_193 : f32 to vector<784x128xf32>
    %mul3A_195 = arith.mulf %mul3A_194, %add3A_192 : vector<784x128xf32>
    %max3A_196 = arith.maximumf %add3A_192, %mul3A_195 : vector<784x128xf32>
    %sub3A = arith.subf %max3A, %max3A_196 : vector<784x128xf32>
    %exp3A = math.exp %sub3A : vector<784x128xf32>
    %slice3A = vector.extract_strided_slice %add3A_180 {offsets = [0, 0, 0], sizes = [1, 784, 128], strides = [1, 1, 1]} : vector<6x784x128xf32> to vector<1x784x128xf32>
    %squeeze3A = vector.shape_cast %slice3A : vector<1x784x128xf32> to vector<784x128xf32>
    %add3A_197 = arith.addf %squeeze3A, %exp3A : vector<784x128xf32>
    %slice3A_198 = vector.extract_strided_slice %add3A_180 {offsets = [2, 0, 0], sizes = [1, 784, 128], strides = [1, 1, 1]} : vector<6x784x128xf32> to vector<1x784x128xf32>
    %squeeze3A_199 = vector.shape_cast %slice3A_198 : vector<1x784x128xf32> to vector<784x128xf32>
    %mul3A_200 = arith.mulf %exp3A, %get3A_1 : vector<784x128xf32>
    %add3A_201 = arith.addf %squeeze3A_199, %mul3A_200 : vector<784x128xf32>
    %add3A_202 = arith.constant 1.000000e-16 : f32
    %add3A_203 = vector.broadcast %add3A_202 : f32 to vector<784x128xf32>
    %add3A_204 = arith.addf %add3A_197, %add3A_203 : vector<784x128xf32>
    %div3A = arith.divf %add3A_201, %add3A_204 : vector<784x128xf32>
    %add3A_205 = arith.addf %add3A_126, %add3A_167 : f32
    %mul3A_206 = vector.broadcast %add3A_205 : f32 to vector<784x128xf32>
    %mul3A_207 = arith.mulf %get3A_1, %mul3A_206 : vector<784x128xf32>
    %mul3A_208 = arith.constant 2.000000e-01 : f32
    %mul3A_209 = vector.broadcast %mul3A_208 : f32 to vector<784x128xf32>
    %mul3A_210 = arith.mulf %mul3A_209, %mul3A_207 : vector<784x128xf32>
    %max3A_211 = arith.maximumf %mul3A_207, %mul3A_210 : vector<784x128xf32>
    %abs3A_212 = math.absf %add3A_126 : f32
    %mul3A_213 = arith.mulf %reduce_max3A_5, %abs3A_212 : f32
    %mul3A_214 = vector.broadcast %add3A_167 : f32 to vector<784x128xf32>
    %mul3A_215 = arith.mulf %get3A_1, %mul3A_214 : vector<784x128xf32>
    %add3A_216 = vector.broadcast %mul3A_213 : f32 to vector<784x128xf32>
    %add3A_217 = arith.addf %add3A_216, %mul3A_215 : vector<784x128xf32>
    %mul3A_218 = arith.constant 2.000000e-01 : f32
    %mul3A_219 = vector.broadcast %mul3A_218 : f32 to vector<784x128xf32>
    %mul3A_220 = arith.mulf %mul3A_219, %add3A_217 : vector<784x128xf32>
    %max3A_221 = arith.maximumf %add3A_217, %mul3A_220 : vector<784x128xf32>
    %sub3A_222 = arith.subf %max3A_211, %max3A_221 : vector<784x128xf32>
    %exp3A_223 = math.exp %sub3A_222 : vector<784x128xf32>
    %slice3A_224 = vector.extract_strided_slice %add3A_180 {offsets = [1, 0, 0], sizes = [1, 784, 128], strides = [1, 1, 1]} : vector<6x784x128xf32> to vector<1x784x128xf32>
    %squeeze3A_225 = vector.shape_cast %slice3A_224 : vector<1x784x128xf32> to vector<784x128xf32>
    %add3A_226 = arith.addf %squeeze3A_225, %exp3A_223 : vector<784x128xf32>
    %slice3A_227 = vector.extract_strided_slice %add3A_180 {offsets = [3, 0, 0], sizes = [1, 784, 128], strides = [1, 1, 1]} : vector<6x784x128xf32> to vector<1x784x128xf32>
    %squeeze3A_228 = vector.shape_cast %slice3A_227 : vector<1x784x128xf32> to vector<784x128xf32>
    %mul3A_229 = arith.mulf %exp3A_223, %get3A_1 : vector<784x128xf32>
    %add3A_230 = arith.addf %squeeze3A_228, %mul3A_229 : vector<784x128xf32>
    %add3A_231 = arith.constant 1.000000e-16 : f32
    %add3A_232 = vector.broadcast %add3A_231 : f32 to vector<784x128xf32>
    %add3A_233 = arith.addf %add3A_226, %add3A_232 : vector<784x128xf32>
    %div3A_234 = arith.divf %add3A_230, %add3A_233 : vector<784x128xf32>
    %get3A_235 = arith.constant 0 : index
    %get3A_236 = arith.constant 0 : index
    %get3A_237 = vector.load %arg2[%get3A_235, %get3A_236] : memref<1x8xf32, #tpu.memory_space<vmem>>, vector<1x1xf32>
    %get3A_238 = vector.extract %get3A_237[0, 0] : f32 from vector<1x1xf32>
    %mul3A_239 = vector.broadcast %get3A_238 : f32 to vector<784x128xf32>
    %mul3A_240 = arith.mulf %mul3A_239, %div3A : vector<784x128xf32>
    %get3A_241 = arith.constant 0 : index
    %get3A_242 = arith.constant 0 : index
    %get3A_243 = vector.load %arg5[%get3A_241, %get3A_242] : memref<1x8xf32, #tpu.memory_space<vmem>>, vector<1x1xf32>
    %get3A_244 = vector.extract %get3A_243[0, 0] : f32 from vector<1x1xf32>
    %add3A_245 = vector.broadcast %get3A_244 : f32 to vector<784x128xf32>
    %add3A_246 = arith.addf %mul3A_240, %add3A_245 : vector<784x128xf32>
    %get3A_247 = arith.constant 0 : index
    %get3A_248 = arith.constant 1 : index
    %get3A_249 = vector.load %arg2[%get3A_247, %get3A_248] : memref<1x8xf32, #tpu.memory_space<vmem>>, vector<1x1xf32>
    %get3A_250 = vector.extract %get3A_249[0, 0] : f32 from vector<1x1xf32>
    %mul3A_251 = vector.broadcast %get3A_250 : f32 to vector<784x128xf32>
    %mul3A_252 = arith.mulf %mul3A_251, %div3A : vector<784x128xf32>
    %get3A_253 = arith.constant 0 : index
    %get3A_254 = arith.constant 1 : index
    %get3A_255 = vector.load %arg5[%get3A_253, %get3A_254] : memref<1x8xf32, #tpu.memory_space<vmem>>, vector<1x1xf32>
    %get3A_256 = vector.extract %get3A_255[0, 0] : f32 from vector<1x1xf32>
    %add3A_257 = vector.broadcast %get3A_256 : f32 to vector<784x128xf32>
    %add3A_258 = arith.addf %mul3A_252, %add3A_257 : vector<784x128xf32>
    %get3A_259 = arith.constant 0 : index
    %get3A_260 = arith.constant 2 : index
    %get3A_261 = vector.load %arg2[%get3A_259, %get3A_260] : memref<1x8xf32, #tpu.memory_space<vmem>>, vector<1x1xf32>
    %get3A_262 = vector.extract %get3A_261[0, 0] : f32 from vector<1x1xf32>
    %mul3A_263 = vector.broadcast %get3A_262 : f32 to vector<784x128xf32>
    %mul3A_264 = arith.mulf %mul3A_263, %div3A : vector<784x128xf32>
    %get3A_265 = arith.constant 0 : index
    %get3A_266 = arith.constant 2 : index
    %get3A_267 = vector.load %arg5[%get3A_265, %get3A_266] : memref<1x8xf32, #tpu.memory_space<vmem>>, vector<1x1xf32>
    %get3A_268 = vector.extract %get3A_267[0, 0] : f32 from vector<1x1xf32>
    %add3A_269 = vector.broadcast %get3A_268 : f32 to vector<784x128xf32>
    %add3A_270 = arith.addf %mul3A_264, %add3A_269 : vector<784x128xf32>
    %get3A_271 = arith.constant 0 : index
    %get3A_272 = arith.constant 3 : index
    %get3A_273 = vector.load %arg2[%get3A_271, %get3A_272] : memref<1x8xf32, #tpu.memory_space<vmem>>, vector<1x1xf32>
    %get3A_274 = vector.extract %get3A_273[0, 0] : f32 from vector<1x1xf32>
    %mul3A_275 = vector.broadcast %get3A_274 : f32 to vector<784x128xf32>
    %mul3A_276 = arith.mulf %mul3A_275, %div3A : vector<784x128xf32>
    %get3A_277 = arith.constant 0 : index
    %get3A_278 = arith.constant 3 : index
    %get3A_279 = vector.load %arg5[%get3A_277, %get3A_278] : memref<1x8xf32, #tpu.memory_space<vmem>>, vector<1x1xf32>
    %get3A_280 = vector.extract %get3A_279[0, 0] : f32 from vector<1x1xf32>
    %add3A_281 = vector.broadcast %get3A_280 : f32 to vector<784x128xf32>
    %add3A_282 = arith.addf %mul3A_276, %add3A_281 : vector<784x128xf32>
    %get3A_283 = arith.constant 0 : index
    %get3A_284 = arith.constant 4 : index
    %get3A_285 = vector.load %arg2[%get3A_283, %get3A_284] : memref<1x8xf32, #tpu.memory_space<vmem>>, vector<1x1xf32>
    %get3A_286 = vector.extract %get3A_285[0, 0] : f32 from vector<1x1xf32>
    %mul3A_287 = vector.broadcast %get3A_286 : f32 to vector<784x128xf32>
    %mul3A_288 = arith.mulf %mul3A_287, %div3A_234 : vector<784x128xf32>
    %get3A_289 = arith.constant 0 : index
    %get3A_290 = arith.constant 4 : index
    %get3A_291 = vector.load %arg5[%get3A_289, %get3A_290] : memref<1x8xf32, #tpu.memory_space<vmem>>, vector<1x1xf32>
    %get3A_292 = vector.extract %get3A_291[0, 0] : f32 from vector<1x1xf32>
    %add3A_293 = vector.broadcast %get3A_292 : f32 to vector<784x128xf32>
    %add3A_294 = arith.addf %mul3A_288, %add3A_293 : vector<784x128xf32>
    %get3A_295 = arith.constant 0 : index
    %get3A_296 = arith.constant 5 : index
    %get3A_297 = vector.load %arg2[%get3A_295, %get3A_296] : memref<1x8xf32, #tpu.memory_space<vmem>>, vector<1x1xf32>
    %get3A_298 = vector.extract %get3A_297[0, 0] : f32 from vector<1x1xf32>
    %mul3A_299 = vector.broadcast %get3A_298 : f32 to vector<784x128xf32>
    %mul3A_300 = arith.mulf %mul3A_299, %div3A_234 : vector<784x128xf32>
    %get3A_301 = arith.constant 0 : index
    %get3A_302 = arith.constant 5 : index
    %get3A_303 = vector.load %arg5[%get3A_301, %get3A_302] : memref<1x8xf32, #tpu.memory_space<vmem>>, vector<1x1xf32>
    %get3A_304 = vector.extract %get3A_303[0, 0] : f32 from vector<1x1xf32>
    %add3A_305 = vector.broadcast %get3A_304 : f32 to vector<784x128xf32>
    %add3A_306 = arith.addf %mul3A_300, %add3A_305 : vector<784x128xf32>
    %get3A_307 = arith.constant 0 : index
    %get3A_308 = arith.constant 6 : index
    %get3A_309 = vector.load %arg2[%get3A_307, %get3A_308] : memref<1x8xf32, #tpu.memory_space<vmem>>, vector<1x1xf32>
    %get3A_310 = vector.extract %get3A_309[0, 0] : f32 from vector<1x1xf32>
    %mul3A_311 = vector.broadcast %get3A_310 : f32 to vector<784x128xf32>
    %mul3A_312 = arith.mulf %mul3A_311, %div3A_234 : vector<784x128xf32>
    %get3A_313 = arith.constant 0 : index
    %get3A_314 = arith.constant 6 : index
    %get3A_315 = vector.load %arg5[%get3A_313, %get3A_314] : memref<1x8xf32, #tpu.memory_space<vmem>>, vector<1x1xf32>
    %get3A_316 = vector.extract %get3A_315[0, 0] : f32 from vector<1x1xf32>
    %add3A_317 = vector.broadcast %get3A_316 : f32 to vector<784x128xf32>
    %add3A_318 = arith.addf %mul3A_312, %add3A_317 : vector<784x128xf32>
    %get3A_319 = arith.constant 0 : index
    %get3A_320 = arith.constant 7 : index
    %get3A_321 = vector.load %arg2[%get3A_319, %get3A_320] : memref<1x8xf32, #tpu.memory_space<vmem>>, vector<1x1xf32>
    %get3A_322 = vector.extract %get3A_321[0, 0] : f32 from vector<1x1xf32>
    %mul3A_323 = vector.broadcast %get3A_322 : f32 to vector<784x128xf32>
    %mul3A_324 = arith.mulf %mul3A_323, %div3A_234 : vector<784x128xf32>
    %get3A_325 = arith.constant 0 : index
    %get3A_326 = arith.constant 7 : index
    %get3A_327 = vector.load %arg5[%get3A_325, %get3A_326] : memref<1x8xf32, #tpu.memory_space<vmem>>, vector<1x1xf32>
    %get3A_328 = vector.extract %get3A_327[0, 0] : f32 from vector<1x1xf32>
    %add3A_329 = vector.broadcast %get3A_328 : f32 to vector<784x128xf32>
    %add3A_330 = arith.addf %mul3A_324, %add3A_329 : vector<784x128xf32>
    %get3A_331 = arith.constant 0 : index
    %get3A_332 = arith.constant 0 : index
    %get3A_333 = vector.load %arg6[%get3A_331, %get3A_332] : memref<8x8xf32, #tpu.memory_space<vmem>>, vector<1x1xf32>
    %get3A_334 = vector.extract %get3A_333[0, 0] : f32 from vector<1x1xf32>
    %mul3A_335 = vector.broadcast %get3A_334 : f32 to vector<784x128xf32>
    %mul3A_336 = arith.mulf %add3A_246, %mul3A_335 : vector<784x128xf32>
    %add3A_337 = arith.constant 0.000000e+00 : f32
    %add3A_338 = vector.broadcast %add3A_337 : f32 to vector<784x128xf32>
    %add3A_339 = arith.addf %add3A_338, %mul3A_336 : vector<784x128xf32>
    %get3A_340 = arith.constant 1 : index
    %get3A_341 = arith.constant 0 : index
    %get3A_342 = vector.load %arg6[%get3A_340, %get3A_341] : memref<8x8xf32, #tpu.memory_space<vmem>>, vector<1x1xf32>
    %get3A_343 = vector.extract %get3A_342[0, 0] : f32 from vector<1x1xf32>
    %mul3A_344 = vector.broadcast %get3A_343 : f32 to vector<784x128xf32>
    %mul3A_345 = arith.mulf %add3A_258, %mul3A_344 : vector<784x128xf32>
    %add3A_346 = arith.addf %add3A_339, %mul3A_345 : vector<784x128xf32>
    %get3A_347 = arith.constant 2 : index
    %get3A_348 = arith.constant 0 : index
    %get3A_349 = vector.load %arg6[%get3A_347, %get3A_348] : memref<8x8xf32, #tpu.memory_space<vmem>>, vector<1x1xf32>
    %get3A_350 = vector.extract %get3A_349[0, 0] : f32 from vector<1x1xf32>
    %mul3A_351 = vector.broadcast %get3A_350 : f32 to vector<784x128xf32>
    %mul3A_352 = arith.mulf %add3A_270, %mul3A_351 : vector<784x128xf32>
    %add3A_353 = arith.addf %add3A_346, %mul3A_352 : vector<784x128xf32>
    %get3A_354 = arith.constant 3 : index
    %get3A_355 = arith.constant 0 : index
    %get3A_356 = vector.load %arg6[%get3A_354, %get3A_355] : memref<8x8xf32, #tpu.memory_space<vmem>>, vector<1x1xf32>
    %get3A_357 = vector.extract %get3A_356[0, 0] : f32 from vector<1x1xf32>
    %mul3A_358 = vector.broadcast %get3A_357 : f32 to vector<784x128xf32>
    %mul3A_359 = arith.mulf %add3A_282, %mul3A_358 : vector<784x128xf32>
    %add3A_360 = arith.addf %add3A_353, %mul3A_359 : vector<784x128xf32>
    %get3A_361 = arith.constant 4 : index
    %get3A_362 = arith.constant 0 : index
    %get3A_363 = vector.load %arg6[%get3A_361, %get3A_362] : memref<8x8xf32, #tpu.memory_space<vmem>>, vector<1x1xf32>
    %get3A_364 = vector.extract %get3A_363[0, 0] : f32 from vector<1x1xf32>
    %mul3A_365 = vector.broadcast %get3A_364 : f32 to vector<784x128xf32>
    %mul3A_366 = arith.mulf %add3A_294, %mul3A_365 : vector<784x128xf32>
    %add3A_367 = arith.addf %add3A_360, %mul3A_366 : vector<784x128xf32>
    %get3A_368 = arith.constant 5 : index
    %get3A_369 = arith.constant 0 : index
    %get3A_370 = vector.load %arg6[%get3A_368, %get3A_369] : memref<8x8xf32, #tpu.memory_space<vmem>>, vector<1x1xf32>
    %get3A_371 = vector.extract %get3A_370[0, 0] : f32 from vector<1x1xf32>
    %mul3A_372 = vector.broadcast %get3A_371 : f32 to vector<784x128xf32>
    %mul3A_373 = arith.mulf %add3A_306, %mul3A_372 : vector<784x128xf32>
    %add3A_374 = arith.addf %add3A_367, %mul3A_373 : vector<784x128xf32>
    %get3A_375 = arith.constant 6 : index
    %get3A_376 = arith.constant 0 : index
    %get3A_377 = vector.load %arg6[%get3A_375, %get3A_376] : memref<8x8xf32, #tpu.memory_space<vmem>>, vector<1x1xf32>
    %get3A_378 = vector.extract %get3A_377[0, 0] : f32 from vector<1x1xf32>
    %mul3A_379 = vector.broadcast %get3A_378 : f32 to vector<784x128xf32>
    %mul3A_380 = arith.mulf %add3A_318, %mul3A_379 : vector<784x128xf32>
    %add3A_381 = arith.addf %add3A_374, %mul3A_380 : vector<784x128xf32>
    %get3A_382 = arith.constant 7 : index
    %get3A_383 = arith.constant 0 : index
    %get3A_384 = vector.load %arg6[%get3A_382, %get3A_383] : memref<8x8xf32, #tpu.memory_space<vmem>>, vector<1x1xf32>
    %get3A_385 = vector.extract %get3A_384[0, 0] : f32 from vector<1x1xf32>
    %mul3A_386 = vector.broadcast %get3A_385 : f32 to vector<784x128xf32>
    %mul3A_387 = arith.mulf %add3A_330, %mul3A_386 : vector<784x128xf32>
    %add3A_388 = arith.addf %add3A_381, %mul3A_387 : vector<784x128xf32>
    %get3A_389 = arith.constant 0 : index
    %get3A_390 = arith.constant 1 : index
    %get3A_391 = vector.load %arg6[%get3A_389, %get3A_390] : memref<8x8xf32, #tpu.memory_space<vmem>>, vector<1x1xf32>
    %get3A_392 = vector.extract %get3A_391[0, 0] : f32 from vector<1x1xf32>
    %mul3A_393 = vector.broadcast %get3A_392 : f32 to vector<784x128xf32>
    %mul3A_394 = arith.mulf %add3A_246, %mul3A_393 : vector<784x128xf32>
    %add3A_395 = arith.constant 0.000000e+00 : f32
    %add3A_396 = vector.broadcast %add3A_395 : f32 to vector<784x128xf32>
    %add3A_397 = arith.addf %add3A_396, %mul3A_394 : vector<784x128xf32>
    %get3A_398 = arith.constant 1 : index
    %get3A_399 = arith.constant 1 : index
    %get3A_400 = vector.load %arg6[%get3A_398, %get3A_399] : memref<8x8xf32, #tpu.memory_space<vmem>>, vector<1x1xf32>
    %get3A_401 = vector.extract %get3A_400[0, 0] : f32 from vector<1x1xf32>
    %mul3A_402 = vector.broadcast %get3A_401 : f32 to vector<784x128xf32>
    %mul3A_403 = arith.mulf %add3A_258, %mul3A_402 : vector<784x128xf32>
    %add3A_404 = arith.addf %add3A_397, %mul3A_403 : vector<784x128xf32>
    %get3A_405 = arith.constant 2 : index
    %get3A_406 = arith.constant 1 : index
    %get3A_407 = vector.load %arg6[%get3A_405, %get3A_406] : memref<8x8xf32, #tpu.memory_space<vmem>>, vector<1x1xf32>
    %get3A_408 = vector.extract %get3A_407[0, 0] : f32 from vector<1x1xf32>
    %mul3A_409 = vector.broadcast %get3A_408 : f32 to vector<784x128xf32>
    %mul3A_410 = arith.mulf %add3A_270, %mul3A_409 : vector<784x128xf32>
    %add3A_411 = arith.addf %add3A_404, %mul3A_410 : vector<784x128xf32>
    %get3A_412 = arith.constant 3 : index
    %get3A_413 = arith.constant 1 : index
    %get3A_414 = vector.load %arg6[%get3A_412, %get3A_413] : memref<8x8xf32, #tpu.memory_space<vmem>>, vector<1x1xf32>
    %get3A_415 = vector.extract %get3A_414[0, 0] : f32 from vector<1x1xf32>
    %mul3A_416 = vector.broadcast %get3A_415 : f32 to vector<784x128xf32>
    %mul3A_417 = arith.mulf %add3A_282, %mul3A_416 : vector<784x128xf32>
    %add3A_418 = arith.addf %add3A_411, %mul3A_417 : vector<784x128xf32>
    %get3A_419 = arith.constant 4 : index
    %get3A_420 = arith.constant 1 : index
    %get3A_421 = vector.load %arg6[%get3A_419, %get3A_420] : memref<8x8xf32, #tpu.memory_space<vmem>>, vector<1x1xf32>
    %get3A_422 = vector.extract %get3A_421[0, 0] : f32 from vector<1x1xf32>
    %mul3A_423 = vector.broadcast %get3A_422 : f32 to vector<784x128xf32>
    %mul3A_424 = arith.mulf %add3A_294, %mul3A_423 : vector<784x128xf32>
    %add3A_425 = arith.addf %add3A_418, %mul3A_424 : vector<784x128xf32>
    %get3A_426 = arith.constant 5 : index
    %get3A_427 = arith.constant 1 : index
    %get3A_428 = vector.load %arg6[%get3A_426, %get3A_427] : memref<8x8xf32, #tpu.memory_space<vmem>>, vector<1x1xf32>
    %get3A_429 = vector.extract %get3A_428[0, 0] : f32 from vector<1x1xf32>
    %mul3A_430 = vector.broadcast %get3A_429 : f32 to vector<784x128xf32>
    %mul3A_431 = arith.mulf %add3A_306, %mul3A_430 : vector<784x128xf32>
    %add3A_432 = arith.addf %add3A_425, %mul3A_431 : vector<784x128xf32>
    %get3A_433 = arith.constant 6 : index
    %get3A_434 = arith.constant 1 : index
    %get3A_435 = vector.load %arg6[%get3A_433, %get3A_434] : memref<8x8xf32, #tpu.memory_space<vmem>>, vector<1x1xf32>
    %get3A_436 = vector.extract %get3A_435[0, 0] : f32 from vector<1x1xf32>
    %mul3A_437 = vector.broadcast %get3A_436 : f32 to vector<784x128xf32>
    %mul3A_438 = arith.mulf %add3A_318, %mul3A_437 : vector<784x128xf32>
    %add3A_439 = arith.addf %add3A_432, %mul3A_438 : vector<784x128xf32>
    %get3A_440 = arith.constant 7 : index
    %get3A_441 = arith.constant 1 : index
    %get3A_442 = vector.load %arg6[%get3A_440, %get3A_441] : memref<8x8xf32, #tpu.memory_space<vmem>>, vector<1x1xf32>
    %get3A_443 = vector.extract %get3A_442[0, 0] : f32 from vector<1x1xf32>
    %mul3A_444 = vector.broadcast %get3A_443 : f32 to vector<784x128xf32>
    %mul3A_445 = arith.mulf %add3A_330, %mul3A_444 : vector<784x128xf32>
    %add3A_446 = arith.addf %add3A_439, %mul3A_445 : vector<784x128xf32>
    %get3A_447 = arith.constant 0 : index
    %get3A_448 = arith.constant 2 : index
    %get3A_449 = vector.load %arg6[%get3A_447, %get3A_448] : memref<8x8xf32, #tpu.memory_space<vmem>>, vector<1x1xf32>
    %get3A_450 = vector.extract %get3A_449[0, 0] : f32 from vector<1x1xf32>
    %mul3A_451 = vector.broadcast %get3A_450 : f32 to vector<784x128xf32>
    %mul3A_452 = arith.mulf %add3A_246, %mul3A_451 : vector<784x128xf32>
    %add3A_453 = arith.constant 0.000000e+00 : f32
    %add3A_454 = vector.broadcast %add3A_453 : f32 to vector<784x128xf32>
    %add3A_455 = arith.addf %add3A_454, %mul3A_452 : vector<784x128xf32>
    %get3A_456 = arith.constant 1 : index
    %get3A_457 = arith.constant 2 : index
    %get3A_458 = vector.load %arg6[%get3A_456, %get3A_457] : memref<8x8xf32, #tpu.memory_space<vmem>>, vector<1x1xf32>
    %get3A_459 = vector.extract %get3A_458[0, 0] : f32 from vector<1x1xf32>
    %mul3A_460 = vector.broadcast %get3A_459 : f32 to vector<784x128xf32>
    %mul3A_461 = arith.mulf %add3A_258, %mul3A_460 : vector<784x128xf32>
    %add3A_462 = arith.addf %add3A_455, %mul3A_461 : vector<784x128xf32>
    %get3A_463 = arith.constant 2 : index
    %get3A_464 = arith.constant 2 : index
    %get3A_465 = vector.load %arg6[%get3A_463, %get3A_464] : memref<8x8xf32, #tpu.memory_space<vmem>>, vector<1x1xf32>
    %get3A_466 = vector.extract %get3A_465[0, 0] : f32 from vector<1x1xf32>
    %mul3A_467 = vector.broadcast %get3A_466 : f32 to vector<784x128xf32>
    %mul3A_468 = arith.mulf %add3A_270, %mul3A_467 : vector<784x128xf32>
    %add3A_469 = arith.addf %add3A_462, %mul3A_468 : vector<784x128xf32>
    %get3A_470 = arith.constant 3 : index
    %get3A_471 = arith.constant 2 : index
    %get3A_472 = vector.load %arg6[%get3A_470, %get3A_471] : memref<8x8xf32, #tpu.memory_space<vmem>>, vector<1x1xf32>
    %get3A_473 = vector.extract %get3A_472[0, 0] : f32 from vector<1x1xf32>
    %mul3A_474 = vector.broadcast %get3A_473 : f32 to vector<784x128xf32>
    %mul3A_475 = arith.mulf %add3A_282, %mul3A_474 : vector<784x128xf32>
    %add3A_476 = arith.addf %add3A_469, %mul3A_475 : vector<784x128xf32>
    %get3A_477 = arith.constant 4 : index
    %get3A_478 = arith.constant 2 : index
    %get3A_479 = vector.load %arg6[%get3A_477, %get3A_478] : memref<8x8xf32, #tpu.memory_space<vmem>>, vector<1x1xf32>
    %get3A_480 = vector.extract %get3A_479[0, 0] : f32 from vector<1x1xf32>
    %mul3A_481 = vector.broadcast %get3A_480 : f32 to vector<784x128xf32>
    %mul3A_482 = arith.mulf %add3A_294, %mul3A_481 : vector<784x128xf32>
    %add3A_483 = arith.addf %add3A_476, %mul3A_482 : vector<784x128xf32>
    %get3A_484 = arith.constant 5 : index
    %get3A_485 = arith.constant 2 : index
    %get3A_486 = vector.load %arg6[%get3A_484, %get3A_485] : memref<8x8xf32, #tpu.memory_space<vmem>>, vector<1x1xf32>
    %get3A_487 = vector.extract %get3A_486[0, 0] : f32 from vector<1x1xf32>
    %mul3A_488 = vector.broadcast %get3A_487 : f32 to vector<784x128xf32>
    %mul3A_489 = arith.mulf %add3A_306, %mul3A_488 : vector<784x128xf32>
    %add3A_490 = arith.addf %add3A_483, %mul3A_489 : vector<784x128xf32>
    %get3A_491 = arith.constant 6 : index
    %get3A_492 = arith.constant 2 : index
    %get3A_493 = vector.load %arg6[%get3A_491, %get3A_492] : memref<8x8xf32, #tpu.memory_space<vmem>>, vector<1x1xf32>
    %get3A_494 = vector.extract %get3A_493[0, 0] : f32 from vector<1x1xf32>
    %mul3A_495 = vector.broadcast %get3A_494 : f32 to vector<784x128xf32>
    %mul3A_496 = arith.mulf %add3A_318, %mul3A_495 : vector<784x128xf32>
    %add3A_497 = arith.addf %add3A_490, %mul3A_496 : vector<784x128xf32>
    %get3A_498 = arith.constant 7 : index
    %get3A_499 = arith.constant 2 : index
    %get3A_500 = vector.load %arg6[%get3A_498, %get3A_499] : memref<8x8xf32, #tpu.memory_space<vmem>>, vector<1x1xf32>
    %get3A_501 = vector.extract %get3A_500[0, 0] : f32 from vector<1x1xf32>
    %mul3A_502 = vector.broadcast %get3A_501 : f32 to vector<784x128xf32>
    %mul3A_503 = arith.mulf %add3A_330, %mul3A_502 : vector<784x128xf32>
    %add3A_504 = arith.addf %add3A_497, %mul3A_503 : vector<784x128xf32>
    %get3A_505 = arith.constant 0 : index
    %get3A_506 = arith.constant 3 : index
    %get3A_507 = vector.load %arg6[%get3A_505, %get3A_506] : memref<8x8xf32, #tpu.memory_space<vmem>>, vector<1x1xf32>
    %get3A_508 = vector.extract %get3A_507[0, 0] : f32 from vector<1x1xf32>
    %mul3A_509 = vector.broadcast %get3A_508 : f32 to vector<784x128xf32>
    %mul3A_510 = arith.mulf %add3A_246, %mul3A_509 : vector<784x128xf32>
    %add3A_511 = arith.constant 0.000000e+00 : f32
    %add3A_512 = vector.broadcast %add3A_511 : f32 to vector<784x128xf32>
    %add3A_513 = arith.addf %add3A_512, %mul3A_510 : vector<784x128xf32>
    %get3A_514 = arith.constant 1 : index
    %get3A_515 = arith.constant 3 : index
    %get3A_516 = vector.load %arg6[%get3A_514, %get3A_515] : memref<8x8xf32, #tpu.memory_space<vmem>>, vector<1x1xf32>
    %get3A_517 = vector.extract %get3A_516[0, 0] : f32 from vector<1x1xf32>
    %mul3A_518 = vector.broadcast %get3A_517 : f32 to vector<784x128xf32>
    %mul3A_519 = arith.mulf %add3A_258, %mul3A_518 : vector<784x128xf32>
    %add3A_520 = arith.addf %add3A_513, %mul3A_519 : vector<784x128xf32>
    %get3A_521 = arith.constant 2 : index
    %get3A_522 = arith.constant 3 : index
    %get3A_523 = vector.load %arg6[%get3A_521, %get3A_522] : memref<8x8xf32, #tpu.memory_space<vmem>>, vector<1x1xf32>
    %get3A_524 = vector.extract %get3A_523[0, 0] : f32 from vector<1x1xf32>
    %mul3A_525 = vector.broadcast %get3A_524 : f32 to vector<784x128xf32>
    %mul3A_526 = arith.mulf %add3A_270, %mul3A_525 : vector<784x128xf32>
    %add3A_527 = arith.addf %add3A_520, %mul3A_526 : vector<784x128xf32>
    %get3A_528 = arith.constant 3 : index
    %get3A_529 = arith.constant 3 : index
    %get3A_530 = vector.load %arg6[%get3A_528, %get3A_529] : memref<8x8xf32, #tpu.memory_space<vmem>>, vector<1x1xf32>
    %get3A_531 = vector.extract %get3A_530[0, 0] : f32 from vector<1x1xf32>
    %mul3A_532 = vector.broadcast %get3A_531 : f32 to vector<784x128xf32>
    %mul3A_533 = arith.mulf %add3A_282, %mul3A_532 : vector<784x128xf32>
    %add3A_534 = arith.addf %add3A_527, %mul3A_533 : vector<784x128xf32>
    %get3A_535 = arith.constant 4 : index
    %get3A_536 = arith.constant 3 : index
    %get3A_537 = vector.load %arg6[%get3A_535, %get3A_536] : memref<8x8xf32, #tpu.memory_space<vmem>>, vector<1x1xf32>
    %get3A_538 = vector.extract %get3A_537[0, 0] : f32 from vector<1x1xf32>
    %mul3A_539 = vector.broadcast %get3A_538 : f32 to vector<784x128xf32>
    %mul3A_540 = arith.mulf %add3A_294, %mul3A_539 : vector<784x128xf32>
    %add3A_541 = arith.addf %add3A_534, %mul3A_540 : vector<784x128xf32>
    %get3A_542 = arith.constant 5 : index
    %get3A_543 = arith.constant 3 : index
    %get3A_544 = vector.load %arg6[%get3A_542, %get3A_543] : memref<8x8xf32, #tpu.memory_space<vmem>>, vector<1x1xf32>
    %get3A_545 = vector.extract %get3A_544[0, 0] : f32 from vector<1x1xf32>
    %mul3A_546 = vector.broadcast %get3A_545 : f32 to vector<784x128xf32>
    %mul3A_547 = arith.mulf %add3A_306, %mul3A_546 : vector<784x128xf32>
    %add3A_548 = arith.addf %add3A_541, %mul3A_547 : vector<784x128xf32>
    %get3A_549 = arith.constant 6 : index
    %get3A_550 = arith.constant 3 : index
    %get3A_551 = vector.load %arg6[%get3A_549, %get3A_550] : memref<8x8xf32, #tpu.memory_space<vmem>>, vector<1x1xf32>
    %get3A_552 = vector.extract %get3A_551[0, 0] : f32 from vector<1x1xf32>
    %mul3A_553 = vector.broadcast %get3A_552 : f32 to vector<784x128xf32>
    %mul3A_554 = arith.mulf %add3A_318, %mul3A_553 : vector<784x128xf32>
    %add3A_555 = arith.addf %add3A_548, %mul3A_554 : vector<784x128xf32>
    %get3A_556 = arith.constant 7 : index
    %get3A_557 = arith.constant 3 : index
    %get3A_558 = vector.load %arg6[%get3A_556, %get3A_557] : memref<8x8xf32, #tpu.memory_space<vmem>>, vector<1x1xf32>
    %get3A_559 = vector.extract %get3A_558[0, 0] : f32 from vector<1x1xf32>
    %mul3A_560 = vector.broadcast %get3A_559 : f32 to vector<784x128xf32>
    %mul3A_561 = arith.mulf %add3A_330, %mul3A_560 : vector<784x128xf32>
    %add3A_562 = arith.addf %add3A_555, %mul3A_561 : vector<784x128xf32>
    %get3A_563 = arith.constant 0 : index
    %get3A_564 = arith.constant 4 : index
    %get3A_565 = vector.load %arg6[%get3A_563, %get3A_564] : memref<8x8xf32, #tpu.memory_space<vmem>>, vector<1x1xf32>
    %get3A_566 = vector.extract %get3A_565[0, 0] : f32 from vector<1x1xf32>
    %mul3A_567 = vector.broadcast %get3A_566 : f32 to vector<784x128xf32>
    %mul3A_568 = arith.mulf %add3A_246, %mul3A_567 : vector<784x128xf32>
    %add3A_569 = arith.constant 0.000000e+00 : f32
    %add3A_570 = vector.broadcast %add3A_569 : f32 to vector<784x128xf32>
    %add3A_571 = arith.addf %add3A_570, %mul3A_568 : vector<784x128xf32>
    %get3A_572 = arith.constant 1 : index
    %get3A_573 = arith.constant 4 : index
    %get3A_574 = vector.load %arg6[%get3A_572, %get3A_573] : memref<8x8xf32, #tpu.memory_space<vmem>>, vector<1x1xf32>
    %get3A_575 = vector.extract %get3A_574[0, 0] : f32 from vector<1x1xf32>
    %mul3A_576 = vector.broadcast %get3A_575 : f32 to vector<784x128xf32>
    %mul3A_577 = arith.mulf %add3A_258, %mul3A_576 : vector<784x128xf32>
    %add3A_578 = arith.addf %add3A_571, %mul3A_577 : vector<784x128xf32>
    %get3A_579 = arith.constant 2 : index
    %get3A_580 = arith.constant 4 : index
    %get3A_581 = vector.load %arg6[%get3A_579, %get3A_580] : memref<8x8xf32, #tpu.memory_space<vmem>>, vector<1x1xf32>
    %get3A_582 = vector.extract %get3A_581[0, 0] : f32 from vector<1x1xf32>
    %mul3A_583 = vector.broadcast %get3A_582 : f32 to vector<784x128xf32>
    %mul3A_584 = arith.mulf %add3A_270, %mul3A_583 : vector<784x128xf32>
    %add3A_585 = arith.addf %add3A_578, %mul3A_584 : vector<784x128xf32>
    %get3A_586 = arith.constant 3 : index
    %get3A_587 = arith.constant 4 : index
    %get3A_588 = vector.load %arg6[%get3A_586, %get3A_587] : memref<8x8xf32, #tpu.memory_space<vmem>>, vector<1x1xf32>
    %get3A_589 = vector.extract %get3A_588[0, 0] : f32 from vector<1x1xf32>
    %mul3A_590 = vector.broadcast %get3A_589 : f32 to vector<784x128xf32>
    %mul3A_591 = arith.mulf %add3A_282, %mul3A_590 : vector<784x128xf32>
    %add3A_592 = arith.addf %add3A_585, %mul3A_591 : vector<784x128xf32>
    %get3A_593 = arith.constant 4 : index
    %get3A_594 = arith.constant 4 : index
    %get3A_595 = vector.load %arg6[%get3A_593, %get3A_594] : memref<8x8xf32, #tpu.memory_space<vmem>>, vector<1x1xf32>
    %get3A_596 = vector.extract %get3A_595[0, 0] : f32 from vector<1x1xf32>
    %mul3A_597 = vector.broadcast %get3A_596 : f32 to vector<784x128xf32>
    %mul3A_598 = arith.mulf %add3A_294, %mul3A_597 : vector<784x128xf32>
    %add3A_599 = arith.addf %add3A_592, %mul3A_598 : vector<784x128xf32>
    %get3A_600 = arith.constant 5 : index
    %get3A_601 = arith.constant 4 : index
    %get3A_602 = vector.load %arg6[%get3A_600, %get3A_601] : memref<8x8xf32, #tpu.memory_space<vmem>>, vector<1x1xf32>
    %get3A_603 = vector.extract %get3A_602[0, 0] : f32 from vector<1x1xf32>
    %mul3A_604 = vector.broadcast %get3A_603 : f32 to vector<784x128xf32>
    %mul3A_605 = arith.mulf %add3A_306, %mul3A_604 : vector<784x128xf32>
    %add3A_606 = arith.addf %add3A_599, %mul3A_605 : vector<784x128xf32>
    %get3A_607 = arith.constant 6 : index
    %get3A_608 = arith.constant 4 : index
    %get3A_609 = vector.load %arg6[%get3A_607, %get3A_608] : memref<8x8xf32, #tpu.memory_space<vmem>>, vector<1x1xf32>
    %get3A_610 = vector.extract %get3A_609[0, 0] : f32 from vector<1x1xf32>
    %mul3A_611 = vector.broadcast %get3A_610 : f32 to vector<784x128xf32>
    %mul3A_612 = arith.mulf %add3A_318, %mul3A_611 : vector<784x128xf32>
    %add3A_613 = arith.addf %add3A_606, %mul3A_612 : vector<784x128xf32>
    %get3A_614 = arith.constant 7 : index
    %get3A_615 = arith.constant 4 : index
    %get3A_616 = vector.load %arg6[%get3A_614, %get3A_615] : memref<8x8xf32, #tpu.memory_space<vmem>>, vector<1x1xf32>
    %get3A_617 = vector.extract %get3A_616[0, 0] : f32 from vector<1x1xf32>
    %mul3A_618 = vector.broadcast %get3A_617 : f32 to vector<784x128xf32>
    %mul3A_619 = arith.mulf %add3A_330, %mul3A_618 : vector<784x128xf32>
    %add3A_620 = arith.addf %add3A_613, %mul3A_619 : vector<784x128xf32>
    %get3A_621 = arith.constant 0 : index
    %get3A_622 = arith.constant 5 : index
    %get3A_623 = vector.load %arg6[%get3A_621, %get3A_622] : memref<8x8xf32, #tpu.memory_space<vmem>>, vector<1x1xf32>
    %get3A_624 = vector.extract %get3A_623[0, 0] : f32 from vector<1x1xf32>
    %mul3A_625 = vector.broadcast %get3A_624 : f32 to vector<784x128xf32>
    %mul3A_626 = arith.mulf %add3A_246, %mul3A_625 : vector<784x128xf32>
    %add3A_627 = arith.constant 0.000000e+00 : f32
    %add3A_628 = vector.broadcast %add3A_627 : f32 to vector<784x128xf32>
    %add3A_629 = arith.addf %add3A_628, %mul3A_626 : vector<784x128xf32>
    %get3A_630 = arith.constant 1 : index
    %get3A_631 = arith.constant 5 : index
    %get3A_632 = vector.load %arg6[%get3A_630, %get3A_631] : memref<8x8xf32, #tpu.memory_space<vmem>>, vector<1x1xf32>
    %get3A_633 = vector.extract %get3A_632[0, 0] : f32 from vector<1x1xf32>
    %mul3A_634 = vector.broadcast %get3A_633 : f32 to vector<784x128xf32>
    %mul3A_635 = arith.mulf %add3A_258, %mul3A_634 : vector<784x128xf32>
    %add3A_636 = arith.addf %add3A_629, %mul3A_635 : vector<784x128xf32>
    %get3A_637 = arith.constant 2 : index
    %get3A_638 = arith.constant 5 : index
    %get3A_639 = vector.load %arg6[%get3A_637, %get3A_638] : memref<8x8xf32, #tpu.memory_space<vmem>>, vector<1x1xf32>
    %get3A_640 = vector.extract %get3A_639[0, 0] : f32 from vector<1x1xf32>
    %mul3A_641 = vector.broadcast %get3A_640 : f32 to vector<784x128xf32>
    %mul3A_642 = arith.mulf %add3A_270, %mul3A_641 : vector<784x128xf32>
    %add3A_643 = arith.addf %add3A_636, %mul3A_642 : vector<784x128xf32>
    %get3A_644 = arith.constant 3 : index
    %get3A_645 = arith.constant 5 : index
    %get3A_646 = vector.load %arg6[%get3A_644, %get3A_645] : memref<8x8xf32, #tpu.memory_space<vmem>>, vector<1x1xf32>
    %get3A_647 = vector.extract %get3A_646[0, 0] : f32 from vector<1x1xf32>
    %mul3A_648 = vector.broadcast %get3A_647 : f32 to vector<784x128xf32>
    %mul3A_649 = arith.mulf %add3A_282, %mul3A_648 : vector<784x128xf32>
    %add3A_650 = arith.addf %add3A_643, %mul3A_649 : vector<784x128xf32>
    %get3A_651 = arith.constant 4 : index
    %get3A_652 = arith.constant 5 : index
    %get3A_653 = vector.load %arg6[%get3A_651, %get3A_652] : memref<8x8xf32, #tpu.memory_space<vmem>>, vector<1x1xf32>
    %get3A_654 = vector.extract %get3A_653[0, 0] : f32 from vector<1x1xf32>
    %mul3A_655 = vector.broadcast %get3A_654 : f32 to vector<784x128xf32>
    %mul3A_656 = arith.mulf %add3A_294, %mul3A_655 : vector<784x128xf32>
    %add3A_657 = arith.addf %add3A_650, %mul3A_656 : vector<784x128xf32>
    %get3A_658 = arith.constant 5 : index
    %get3A_659 = arith.constant 5 : index
    %get3A_660 = vector.load %arg6[%get3A_658, %get3A_659] : memref<8x8xf32, #tpu.memory_space<vmem>>, vector<1x1xf32>
    %get3A_661 = vector.extract %get3A_660[0, 0] : f32 from vector<1x1xf32>
    %mul3A_662 = vector.broadcast %get3A_661 : f32 to vector<784x128xf32>
    %mul3A_663 = arith.mulf %add3A_306, %mul3A_662 : vector<784x128xf32>
    %add3A_664 = arith.addf %add3A_657, %mul3A_663 : vector<784x128xf32>
    %get3A_665 = arith.constant 6 : index
    %get3A_666 = arith.constant 5 : index
    %get3A_667 = vector.load %arg6[%get3A_665, %get3A_666] : memref<8x8xf32, #tpu.memory_space<vmem>>, vector<1x1xf32>
    %get3A_668 = vector.extract %get3A_667[0, 0] : f32 from vector<1x1xf32>
    %mul3A_669 = vector.broadcast %get3A_668 : f32 to vector<784x128xf32>
    %mul3A_670 = arith.mulf %add3A_318, %mul3A_669 : vector<784x128xf32>
    %add3A_671 = arith.addf %add3A_664, %mul3A_670 : vector<784x128xf32>
    %get3A_672 = arith.constant 7 : index
    %get3A_673 = arith.constant 5 : index
    %get3A_674 = vector.load %arg6[%get3A_672, %get3A_673] : memref<8x8xf32, #tpu.memory_space<vmem>>, vector<1x1xf32>
    %get3A_675 = vector.extract %get3A_674[0, 0] : f32 from vector<1x1xf32>
    %mul3A_676 = vector.broadcast %get3A_675 : f32 to vector<784x128xf32>
    %mul3A_677 = arith.mulf %add3A_330, %mul3A_676 : vector<784x128xf32>
    %add3A_678 = arith.addf %add3A_671, %mul3A_677 : vector<784x128xf32>
    %get3A_679 = arith.constant 0 : index
    %get3A_680 = arith.constant 6 : index
    %get3A_681 = vector.load %arg6[%get3A_679, %get3A_680] : memref<8x8xf32, #tpu.memory_space<vmem>>, vector<1x1xf32>
    %get3A_682 = vector.extract %get3A_681[0, 0] : f32 from vector<1x1xf32>
    %mul3A_683 = vector.broadcast %get3A_682 : f32 to vector<784x128xf32>
    %mul3A_684 = arith.mulf %add3A_246, %mul3A_683 : vector<784x128xf32>
    %add3A_685 = arith.constant 0.000000e+00 : f32
    %add3A_686 = vector.broadcast %add3A_685 : f32 to vector<784x128xf32>
    %add3A_687 = arith.addf %add3A_686, %mul3A_684 : vector<784x128xf32>
    %get3A_688 = arith.constant 1 : index
    %get3A_689 = arith.constant 6 : index
    %get3A_690 = vector.load %arg6[%get3A_688, %get3A_689] : memref<8x8xf32, #tpu.memory_space<vmem>>, vector<1x1xf32>
    %get3A_691 = vector.extract %get3A_690[0, 0] : f32 from vector<1x1xf32>
    %mul3A_692 = vector.broadcast %get3A_691 : f32 to vector<784x128xf32>
    %mul3A_693 = arith.mulf %add3A_258, %mul3A_692 : vector<784x128xf32>
    %add3A_694 = arith.addf %add3A_687, %mul3A_693 : vector<784x128xf32>
    %get3A_695 = arith.constant 2 : index
    %get3A_696 = arith.constant 6 : index
    %get3A_697 = vector.load %arg6[%get3A_695, %get3A_696] : memref<8x8xf32, #tpu.memory_space<vmem>>, vector<1x1xf32>
    %get3A_698 = vector.extract %get3A_697[0, 0] : f32 from vector<1x1xf32>
    %mul3A_699 = vector.broadcast %get3A_698 : f32 to vector<784x128xf32>
    %mul3A_700 = arith.mulf %add3A_270, %mul3A_699 : vector<784x128xf32>
    %add3A_701 = arith.addf %add3A_694, %mul3A_700 : vector<784x128xf32>
    %get3A_702 = arith.constant 3 : index
    %get3A_703 = arith.constant 6 : index
    %get3A_704 = vector.load %arg6[%get3A_702, %get3A_703] : memref<8x8xf32, #tpu.memory_space<vmem>>, vector<1x1xf32>
    %get3A_705 = vector.extract %get3A_704[0, 0] : f32 from vector<1x1xf32>
    %mul3A_706 = vector.broadcast %get3A_705 : f32 to vector<784x128xf32>
    %mul3A_707 = arith.mulf %add3A_282, %mul3A_706 : vector<784x128xf32>
    %add3A_708 = arith.addf %add3A_701, %mul3A_707 : vector<784x128xf32>
    %get3A_709 = arith.constant 4 : index
    %get3A_710 = arith.constant 6 : index
    %get3A_711 = vector.load %arg6[%get3A_709, %get3A_710] : memref<8x8xf32, #tpu.memory_space<vmem>>, vector<1x1xf32>
    %get3A_712 = vector.extract %get3A_711[0, 0] : f32 from vector<1x1xf32>
    %mul3A_713 = vector.broadcast %get3A_712 : f32 to vector<784x128xf32>
    %mul3A_714 = arith.mulf %add3A_294, %mul3A_713 : vector<784x128xf32>
    %add3A_715 = arith.addf %add3A_708, %mul3A_714 : vector<784x128xf32>
    %get3A_716 = arith.constant 5 : index
    %get3A_717 = arith.constant 6 : index
    %get3A_718 = vector.load %arg6[%get3A_716, %get3A_717] : memref<8x8xf32, #tpu.memory_space<vmem>>, vector<1x1xf32>
    %get3A_719 = vector.extract %get3A_718[0, 0] : f32 from vector<1x1xf32>
    %mul3A_720 = vector.broadcast %get3A_719 : f32 to vector<784x128xf32>
    %mul3A_721 = arith.mulf %add3A_306, %mul3A_720 : vector<784x128xf32>
    %add3A_722 = arith.addf %add3A_715, %mul3A_721 : vector<784x128xf32>
    %get3A_723 = arith.constant 6 : index
    %get3A_724 = arith.constant 6 : index
    %get3A_725 = vector.load %arg6[%get3A_723, %get3A_724] : memref<8x8xf32, #tpu.memory_space<vmem>>, vector<1x1xf32>
    %get3A_726 = vector.extract %get3A_725[0, 0] : f32 from vector<1x1xf32>
    %mul3A_727 = vector.broadcast %get3A_726 : f32 to vector<784x128xf32>
    %mul3A_728 = arith.mulf %add3A_318, %mul3A_727 : vector<784x128xf32>
    %add3A_729 = arith.addf %add3A_722, %mul3A_728 : vector<784x128xf32>
    %get3A_730 = arith.constant 7 : index
    %get3A_731 = arith.constant 6 : index
    %get3A_732 = vector.load %arg6[%get3A_730, %get3A_731] : memref<8x8xf32, #tpu.memory_space<vmem>>, vector<1x1xf32>
    %get3A_733 = vector.extract %get3A_732[0, 0] : f32 from vector<1x1xf32>
    %mul3A_734 = vector.broadcast %get3A_733 : f32 to vector<784x128xf32>
    %mul3A_735 = arith.mulf %add3A_330, %mul3A_734 : vector<784x128xf32>
    %add3A_736 = arith.addf %add3A_729, %mul3A_735 : vector<784x128xf32>
    %get3A_737 = arith.constant 0 : index
    %get3A_738 = arith.constant 7 : index
    %get3A_739 = vector.load %arg6[%get3A_737, %get3A_738] : memref<8x8xf32, #tpu.memory_space<vmem>>, vector<1x1xf32>
    %get3A_740 = vector.extract %get3A_739[0, 0] : f32 from vector<1x1xf32>
    %mul3A_741 = vector.broadcast %get3A_740 : f32 to vector<784x128xf32>
    %mul3A_742 = arith.mulf %add3A_246, %mul3A_741 : vector<784x128xf32>
    %add3A_743 = arith.constant 0.000000e+00 : f32
    %add3A_744 = vector.broadcast %add3A_743 : f32 to vector<784x128xf32>
    %add3A_745 = arith.addf %add3A_744, %mul3A_742 : vector<784x128xf32>
    %get3A_746 = arith.constant 1 : index
    %get3A_747 = arith.constant 7 : index
    %get3A_748 = vector.load %arg6[%get3A_746, %get3A_747] : memref<8x8xf32, #tpu.memory_space<vmem>>, vector<1x1xf32>
    %get3A_749 = vector.extract %get3A_748[0, 0] : f32 from vector<1x1xf32>
    %mul3A_750 = vector.broadcast %get3A_749 : f32 to vector<784x128xf32>
    %mul3A_751 = arith.mulf %add3A_258, %mul3A_750 : vector<784x128xf32>
    %add3A_752 = arith.addf %add3A_745, %mul3A_751 : vector<784x128xf32>
    %get3A_753 = arith.constant 2 : index
    %get3A_754 = arith.constant 7 : index
    %get3A_755 = vector.load %arg6[%get3A_753, %get3A_754] : memref<8x8xf32, #tpu.memory_space<vmem>>, vector<1x1xf32>
    %get3A_756 = vector.extract %get3A_755[0, 0] : f32 from vector<1x1xf32>
    %mul3A_757 = vector.broadcast %get3A_756 : f32 to vector<784x128xf32>
    %mul3A_758 = arith.mulf %add3A_270, %mul3A_757 : vector<784x128xf32>
    %add3A_759 = arith.addf %add3A_752, %mul3A_758 : vector<784x128xf32>
    %get3A_760 = arith.constant 3 : index
    %get3A_761 = arith.constant 7 : index
    %get3A_762 = vector.load %arg6[%get3A_760, %get3A_761] : memref<8x8xf32, #tpu.memory_space<vmem>>, vector<1x1xf32>
    %get3A_763 = vector.extract %get3A_762[0, 0] : f32 from vector<1x1xf32>
    %mul3A_764 = vector.broadcast %get3A_763 : f32 to vector<784x128xf32>
    %mul3A_765 = arith.mulf %add3A_282, %mul3A_764 : vector<784x128xf32>
    %add3A_766 = arith.addf %add3A_759, %mul3A_765 : vector<784x128xf32>
    %get3A_767 = arith.constant 4 : index
    %get3A_768 = arith.constant 7 : index
    %get3A_769 = vector.load %arg6[%get3A_767, %get3A_768] : memref<8x8xf32, #tpu.memory_space<vmem>>, vector<1x1xf32>
    %get3A_770 = vector.extract %get3A_769[0, 0] : f32 from vector<1x1xf32>
    %mul3A_771 = vector.broadcast %get3A_770 : f32 to vector<784x128xf32>
    %mul3A_772 = arith.mulf %add3A_294, %mul3A_771 : vector<784x128xf32>
    %add3A_773 = arith.addf %add3A_766, %mul3A_772 : vector<784x128xf32>
    %get3A_774 = arith.constant 5 : index
    %get3A_775 = arith.constant 7 : index
    %get3A_776 = vector.load %arg6[%get3A_774, %get3A_775] : memref<8x8xf32, #tpu.memory_space<vmem>>, vector<1x1xf32>
    %get3A_777 = vector.extract %get3A_776[0, 0] : f32 from vector<1x1xf32>
    %mul3A_778 = vector.broadcast %get3A_777 : f32 to vector<784x128xf32>
    %mul3A_779 = arith.mulf %add3A_306, %mul3A_778 : vector<784x128xf32>
    %add3A_780 = arith.addf %add3A_773, %mul3A_779 : vector<784x128xf32>
    %get3A_781 = arith.constant 6 : index
    %get3A_782 = arith.constant 7 : index
    %get3A_783 = vector.load %arg6[%get3A_781, %get3A_782] : memref<8x8xf32, #tpu.memory_space<vmem>>, vector<1x1xf32>
    %get3A_784 = vector.extract %get3A_783[0, 0] : f32 from vector<1x1xf32>
    %mul3A_785 = vector.broadcast %get3A_784 : f32 to vector<784x128xf32>
    %mul3A_786 = arith.mulf %add3A_318, %mul3A_785 : vector<784x128xf32>
    %add3A_787 = arith.addf %add3A_780, %mul3A_786 : vector<784x128xf32>
    %get3A_788 = arith.constant 7 : index
    %get3A_789 = arith.constant 7 : index
    %get3A_790 = vector.load %arg6[%get3A_788, %get3A_789] : memref<8x8xf32, #tpu.memory_space<vmem>>, vector<1x1xf32>
    %get3A_791 = vector.extract %get3A_790[0, 0] : f32 from vector<1x1xf32>
    %mul3A_792 = vector.broadcast %get3A_791 : f32 to vector<784x128xf32>
    %mul3A_793 = arith.mulf %add3A_330, %mul3A_792 : vector<784x128xf32>
    %add3A_794 = arith.addf %add3A_787, %mul3A_793 : vector<784x128xf32>
    %get3A_795 = arith.constant 0 : index
    %get3A_796 = arith.constant 0 : index
    %get3A_797 = vector.load %arg7[%get3A_795, %get3A_796] : memref<2x4xf32, #tpu.memory_space<vmem>>, vector<1x1xf32>
    %get3A_798 = vector.extract %get3A_797[0, 0] : f32 from vector<1x1xf32>
    %mul3A_799 = vector.broadcast %get3A_798 : f32 to vector<784x128xf32>
    %mul3A_800 = arith.mulf %add3A_388, %mul3A_799 : vector<784x128xf32>
    %add3A_801 = arith.constant 0.000000e+00 : f32
    %add3A_802 = vector.broadcast %add3A_801 : f32 to vector<784x128xf32>
    %add3A_803 = arith.addf %add3A_802, %mul3A_800 : vector<784x128xf32>
    %get3A_804 = arith.constant 0 : index
    %get3A_805 = arith.constant 1 : index
    %get3A_806 = vector.load %arg7[%get3A_804, %get3A_805] : memref<2x4xf32, #tpu.memory_space<vmem>>, vector<1x1xf32>
    %get3A_807 = vector.extract %get3A_806[0, 0] : f32 from vector<1x1xf32>
    %mul3A_808 = vector.broadcast %get3A_807 : f32 to vector<784x128xf32>
    %mul3A_809 = arith.mulf %add3A_446, %mul3A_808 : vector<784x128xf32>
    %add3A_810 = arith.addf %add3A_803, %mul3A_809 : vector<784x128xf32>
    %get3A_811 = arith.constant 0 : index
    %get3A_812 = arith.constant 2 : index
    %get3A_813 = vector.load %arg7[%get3A_811, %get3A_812] : memref<2x4xf32, #tpu.memory_space<vmem>>, vector<1x1xf32>
    %get3A_814 = vector.extract %get3A_813[0, 0] : f32 from vector<1x1xf32>
    %mul3A_815 = vector.broadcast %get3A_814 : f32 to vector<784x128xf32>
    %mul3A_816 = arith.mulf %add3A_504, %mul3A_815 : vector<784x128xf32>
    %add3A_817 = arith.addf %add3A_810, %mul3A_816 : vector<784x128xf32>
    %get3A_818 = arith.constant 0 : index
    %get3A_819 = arith.constant 3 : index
    %get3A_820 = vector.load %arg7[%get3A_818, %get3A_819] : memref<2x4xf32, #tpu.memory_space<vmem>>, vector<1x1xf32>
    %get3A_821 = vector.extract %get3A_820[0, 0] : f32 from vector<1x1xf32>
    %mul3A_822 = vector.broadcast %get3A_821 : f32 to vector<784x128xf32>
    %mul3A_823 = arith.mulf %add3A_562, %mul3A_822 : vector<784x128xf32>
    %add3A_824 = arith.addf %add3A_817, %mul3A_823 : vector<784x128xf32>
    %get3A_825 = arith.constant 1 : index
    %get3A_826 = arith.constant 0 : index
    %get3A_827 = vector.load %arg7[%get3A_825, %get3A_826] : memref<2x4xf32, #tpu.memory_space<vmem>>, vector<1x1xf32>
    %get3A_828 = vector.extract %get3A_827[0, 0] : f32 from vector<1x1xf32>
    %mul3A_829 = vector.broadcast %get3A_828 : f32 to vector<784x128xf32>
    %mul3A_830 = arith.mulf %add3A_620, %mul3A_829 : vector<784x128xf32>
    %add3A_831 = arith.constant 0.000000e+00 : f32
    %add3A_832 = vector.broadcast %add3A_831 : f32 to vector<784x128xf32>
    %add3A_833 = arith.addf %add3A_832, %mul3A_830 : vector<784x128xf32>
    %get3A_834 = arith.constant 1 : index
    %get3A_835 = arith.constant 1 : index
    %get3A_836 = vector.load %arg7[%get3A_834, %get3A_835] : memref<2x4xf32, #tpu.memory_space<vmem>>, vector<1x1xf32>
    %get3A_837 = vector.extract %get3A_836[0, 0] : f32 from vector<1x1xf32>
    %mul3A_838 = vector.broadcast %get3A_837 : f32 to vector<784x128xf32>
    %mul3A_839 = arith.mulf %add3A_678, %mul3A_838 : vector<784x128xf32>
    %add3A_840 = arith.addf %add3A_833, %mul3A_839 : vector<784x128xf32>
    %get3A_841 = arith.constant 1 : index
    %get3A_842 = arith.constant 2 : index
    %get3A_843 = vector.load %arg7[%get3A_841, %get3A_842] : memref<2x4xf32, #tpu.memory_space<vmem>>, vector<1x1xf32>
    %get3A_844 = vector.extract %get3A_843[0, 0] : f32 from vector<1x1xf32>
    %mul3A_845 = vector.broadcast %get3A_844 : f32 to vector<784x128xf32>
    %mul3A_846 = arith.mulf %add3A_736, %mul3A_845 : vector<784x128xf32>
    %add3A_847 = arith.addf %add3A_840, %mul3A_846 : vector<784x128xf32>
    %get3A_848 = arith.constant 1 : index
    %get3A_849 = arith.constant 3 : index
    %get3A_850 = vector.load %arg7[%get3A_848, %get3A_849] : memref<2x4xf32, #tpu.memory_space<vmem>>, vector<1x1xf32>
    %get3A_851 = vector.extract %get3A_850[0, 0] : f32 from vector<1x1xf32>
    %mul3A_852 = vector.broadcast %get3A_851 : f32 to vector<784x128xf32>
    %mul3A_853 = arith.mulf %add3A_794, %mul3A_852 : vector<784x128xf32>
    %add3A_854 = arith.addf %add3A_847, %mul3A_853 : vector<784x128xf32>
    %iota3A = tpu.iota {dimensions = array<i32: 0>} : vector<784x128xi32>
    %iota3A_855 = tpu.iota {dimensions = array<i32: 1>} : vector<784x128xi32>
    %mul3A_856 = arith.constant 128 : i32
    %mul3A_857 = vector.broadcast %mul3A_856 : i32 to vector<784x128xi32>
    %mul3A_858 = arith.muli %iota3A, %mul3A_857 : vector<784x128xi32>
    %add3A_859 = arith.addi %mul3A_858, %iota3A_855 : vector<784x128xi32>
    %lt3A = arith.constant 100000 : i32
    %lt3A_860 = vector.broadcast %lt3A : i32 to vector<784x128xi32>
    %lt3A_861 = arith.cmpi slt, %add3A_859, %lt3A_860 : vector<784x128xi32>
    %get3A_862 = arith.constant 0 : index
    %get3A_863 = arith.constant 0 : index
    %get3A_864 = vector.load %arg12[%get3A_862, %get3A_863] : memref<1x2xi32, #tpu.memory_space<vmem>>, vector<1x1xi32>
    %get3A_865 = vector.extract %get3A_864[0, 0] : i32 from vector<1x1xi32>
    %slice3A_866 = vector.extract_strided_slice %add3A_180 {offsets = [4, 0, 0], sizes = [1, 784, 128], strides = [1, 1, 1]} : vector<6x784x128xf32> to vector<1x784x128xf32>
    %squeeze3A_867 = vector.shape_cast %slice3A_866 : vector<1x784x128xf32> to vector<784x128xf32>
    %eq3A = vector.broadcast %get3A_865 : i32 to vector<784x128xi32>
    %eq3A_868 = arith.cmpi eq, %add3A_859, %eq3A : vector<784x128xi32>
    %convert_element_type3A = arith.extui %eq3A_868 : vector<784x128xi1> to vector<784x128xi32>
    %convert_element_type3A_869 = arith.sitofp %convert_element_type3A : vector<784x128xi32> to vector<784x128xf32>
    %add3A_870 = arith.addf %squeeze3A_867, %convert_element_type3A_869 : vector<784x128xf32>
    %gt3A = arith.constant 0.000000e+00 : f32
    %gt3A_871 = vector.broadcast %gt3A : f32 to vector<784x128xf32>
    %gt3A_872 = arith.cmpf ogt, %add3A_870, %gt3A_871 : vector<784x128xf32>
    %and3A = arith.andi %gt3A_872, %lt3A_861 : vector<784x128xi1>
    %eq3A_873 = vector.broadcast %get3A_865 : i32 to vector<784x128xi32>
    %eq3A_874 = arith.cmpi eq, %add3A_859, %eq3A_873 : vector<784x128xi32>
    %jit3A = arith.constant 0.000000e+00 : f32
    %broadcast_in_dim3A = vector.broadcast %jit3A : f32 to vector<784x128xf32>
    %select_n3A = arith.select %eq3A_874, %add3A_388, %broadcast_in_dim3A : vector<784x128xi1>, vector<784x128xf32>
    %reduce_sum3A = vector.shape_cast %select_n3A : vector<784x128xf32> to vector<1x784x128xf32>
    %reduce_sum3A_875 = arith.constant dense<0.000000e+00> : vector<1xf32>
    %reduce_sum3A_876 = vector.multi_reduction <add>, %reduce_sum3A, %reduce_sum3A_875 [1, 2] : vector<1x784x128xf32> to vector<1xf32>
    %reduce_sum3A_877 = vector.shape_cast %reduce_sum3A_876 : vector<1xf32> to vector<1x1x1xf32>
    %reduce_sum3A_878 = vector.extract %reduce_sum3A_877[0, 0, 0] : f32 from vector<1x1x1xf32>
    %eq3A_879 = vector.broadcast %get3A_865 : i32 to vector<784x128xi32>
    %eq3A_880 = arith.cmpi eq, %add3A_859, %eq3A_879 : vector<784x128xi32>
    %jit3A_881 = arith.constant 0.000000e+00 : f32
    %broadcast_in_dim3A_882 = vector.broadcast %jit3A_881 : f32 to vector<784x128xf32>
    %select_n3A_883 = arith.select %eq3A_880, %add3A_446, %broadcast_in_dim3A_882 : vector<784x128xi1>, vector<784x128xf32>
    %reduce_sum3A_884 = vector.shape_cast %select_n3A_883 : vector<784x128xf32> to vector<1x784x128xf32>
    %reduce_sum3A_885 = arith.constant dense<0.000000e+00> : vector<1xf32>
    %reduce_sum3A_886 = vector.multi_reduction <add>, %reduce_sum3A_884, %reduce_sum3A_885 [1, 2] : vector<1x784x128xf32> to vector<1xf32>
    %reduce_sum3A_887 = vector.shape_cast %reduce_sum3A_886 : vector<1xf32> to vector<1x1x1xf32>
    %reduce_sum3A_888 = vector.extract %reduce_sum3A_887[0, 0, 0] : f32 from vector<1x1x1xf32>
    %eq3A_889 = vector.broadcast %get3A_865 : i32 to vector<784x128xi32>
    %eq3A_890 = arith.cmpi eq, %add3A_859, %eq3A_889 : vector<784x128xi32>
    %jit3A_891 = arith.constant 0.000000e+00 : f32
    %broadcast_in_dim3A_892 = vector.broadcast %jit3A_891 : f32 to vector<784x128xf32>
    %select_n3A_893 = arith.select %eq3A_890, %add3A_504, %broadcast_in_dim3A_892 : vector<784x128xi1>, vector<784x128xf32>
    %reduce_sum3A_894 = vector.shape_cast %select_n3A_893 : vector<784x128xf32> to vector<1x784x128xf32>
    %reduce_sum3A_895 = arith.constant dense<0.000000e+00> : vector<1xf32>
    %reduce_sum3A_896 = vector.multi_reduction <add>, %reduce_sum3A_894, %reduce_sum3A_895 [1, 2] : vector<1x784x128xf32> to vector<1xf32>
    %reduce_sum3A_897 = vector.shape_cast %reduce_sum3A_896 : vector<1xf32> to vector<1x1x1xf32>
    %reduce_sum3A_898 = vector.extract %reduce_sum3A_897[0, 0, 0] : f32 from vector<1x1x1xf32>
    %eq3A_899 = vector.broadcast %get3A_865 : i32 to vector<784x128xi32>
    %eq3A_900 = arith.cmpi eq, %add3A_859, %eq3A_899 : vector<784x128xi32>
    %jit3A_901 = arith.constant 0.000000e+00 : f32
    %broadcast_in_dim3A_902 = vector.broadcast %jit3A_901 : f32 to vector<784x128xf32>
    %select_n3A_903 = arith.select %eq3A_900, %add3A_562, %broadcast_in_dim3A_902 : vector<784x128xi1>, vector<784x128xf32>
    %reduce_sum3A_904 = vector.shape_cast %select_n3A_903 : vector<784x128xf32> to vector<1x784x128xf32>
    %reduce_sum3A_905 = arith.constant dense<0.000000e+00> : vector<1xf32>
    %reduce_sum3A_906 = vector.multi_reduction <add>, %reduce_sum3A_904, %reduce_sum3A_905 [1, 2] : vector<1x784x128xf32> to vector<1xf32>
    %reduce_sum3A_907 = vector.shape_cast %reduce_sum3A_906 : vector<1xf32> to vector<1x1x1xf32>
    %reduce_sum3A_908 = vector.extract %reduce_sum3A_907[0, 0, 0] : f32 from vector<1x1x1xf32>
    %eq3A_909 = vector.broadcast %get3A_865 : i32 to vector<784x128xi32>
    %eq3A_910 = arith.cmpi eq, %add3A_859, %eq3A_909 : vector<784x128xi32>
    %jit3A_911 = arith.constant 0.000000e+00 : f32
    %broadcast_in_dim3A_912 = vector.broadcast %jit3A_911 : f32 to vector<784x128xf32>
    %select_n3A_913 = arith.select %eq3A_910, %add3A_620, %broadcast_in_dim3A_912 : vector<784x128xi1>, vector<784x128xf32>
    %reduce_sum3A_914 = vector.shape_cast %select_n3A_913 : vector<784x128xf32> to vector<1x784x128xf32>
    %reduce_sum3A_915 = arith.constant dense<0.000000e+00> : vector<1xf32>
    %reduce_sum3A_916 = vector.multi_reduction <add>, %reduce_sum3A_914, %reduce_sum3A_915 [1, 2] : vector<1x784x128xf32> to vector<1xf32>
    %reduce_sum3A_917 = vector.shape_cast %reduce_sum3A_916 : vector<1xf32> to vector<1x1x1xf32>
    %reduce_sum3A_918 = vector.extract %reduce_sum3A_917[0, 0, 0] : f32 from vector<1x1x1xf32>
    %eq3A_919 = vector.broadcast %get3A_865 : i32 to vector<784x128xi32>
    %eq3A_920 = arith.cmpi eq, %add3A_859, %eq3A_919 : vector<784x128xi32>
    %jit3A_921 = arith.constant 0.000000e+00 : f32
    %broadcast_in_dim3A_922 = vector.broadcast %jit3A_921 : f32 to vector<784x128xf32>
    %select_n3A_923 = arith.select %eq3A_920, %add3A_678, %broadcast_in_dim3A_922 : vector<784x128xi1>, vector<784x128xf32>
    %reduce_sum3A_924 = vector.shape_cast %select_n3A_923 : vector<784x128xf32> to vector<1x784x128xf32>
    %reduce_sum3A_925 = arith.constant dense<0.000000e+00> : vector<1xf32>
    %reduce_sum3A_926 = vector.multi_reduction <add>, %reduce_sum3A_924, %reduce_sum3A_925 [1, 2] : vector<1x784x128xf32> to vector<1xf32>
    %reduce_sum3A_927 = vector.shape_cast %reduce_sum3A_926 : vector<1xf32> to vector<1x1x1xf32>
    %reduce_sum3A_928 = vector.extract %reduce_sum3A_927[0, 0, 0] : f32 from vector<1x1x1xf32>
    %eq3A_929 = vector.broadcast %get3A_865 : i32 to vector<784x128xi32>
    %eq3A_930 = arith.cmpi eq, %add3A_859, %eq3A_929 : vector<784x128xi32>
    %jit3A_931 = arith.constant 0.000000e+00 : f32
    %broadcast_in_dim3A_932 = vector.broadcast %jit3A_931 : f32 to vector<784x128xf32>
    %select_n3A_933 = arith.select %eq3A_930, %add3A_736, %broadcast_in_dim3A_932 : vector<784x128xi1>, vector<784x128xf32>
    %reduce_sum3A_934 = vector.shape_cast %select_n3A_933 : vector<784x128xf32> to vector<1x784x128xf32>
    %reduce_sum3A_935 = arith.constant dense<0.000000e+00> : vector<1xf32>
    %reduce_sum3A_936 = vector.multi_reduction <add>, %reduce_sum3A_934, %reduce_sum3A_935 [1, 2] : vector<1x784x128xf32> to vector<1xf32>
    %reduce_sum3A_937 = vector.shape_cast %reduce_sum3A_936 : vector<1xf32> to vector<1x1x1xf32>
    %reduce_sum3A_938 = vector.extract %reduce_sum3A_937[0, 0, 0] : f32 from vector<1x1x1xf32>
    %eq3A_939 = vector.broadcast %get3A_865 : i32 to vector<784x128xi32>
    %eq3A_940 = arith.cmpi eq, %add3A_859, %eq3A_939 : vector<784x128xi32>
    %jit3A_941 = arith.constant 0.000000e+00 : f32
    %broadcast_in_dim3A_942 = vector.broadcast %jit3A_941 : f32 to vector<784x128xf32>
    %select_n3A_943 = arith.select %eq3A_940, %add3A_794, %broadcast_in_dim3A_942 : vector<784x128xi1>, vector<784x128xf32>
    %reduce_sum3A_944 = vector.shape_cast %select_n3A_943 : vector<784x128xf32> to vector<1x784x128xf32>
    %reduce_sum3A_945 = arith.constant dense<0.000000e+00> : vector<1xf32>
    %reduce_sum3A_946 = vector.multi_reduction <add>, %reduce_sum3A_944, %reduce_sum3A_945 [1, 2] : vector<1x784x128xf32> to vector<1xf32>
    %reduce_sum3A_947 = vector.shape_cast %reduce_sum3A_946 : vector<1xf32> to vector<1x1x1xf32>
    %reduce_sum3A_948 = vector.extract %reduce_sum3A_947[0, 0, 0] : f32 from vector<1x1x1xf32>
    %get3A_949 = arith.constant 0 : index
    %get3A_950 = arith.constant 0 : index
    %get3A_951 = vector.load %arg8[%get3A_949, %get3A_950] : memref<2x4xf32, #tpu.memory_space<vmem>>, vector<1x1xf32>
    %get3A_952 = vector.extract %get3A_951[0, 0] : f32 from vector<1x1xf32>
    %mul3A_953 = arith.mulf %reduce_sum3A_878, %get3A_952 : f32
    %add3A_954 = arith.constant 0.000000e+00 : f32
    %add3A_955 = arith.addf %add3A_954, %mul3A_953 : f32
    %get3A_956 = arith.constant 0 : index
    %get3A_957 = arith.constant 1 : index
    %get3A_958 = vector.load %arg8[%get3A_956, %get3A_957] : memref<2x4xf32, #tpu.memory_space<vmem>>, vector<1x1xf32>
    %get3A_959 = vector.extract %get3A_958[0, 0] : f32 from vector<1x1xf32>
    %mul3A_960 = arith.mulf %reduce_sum3A_888, %get3A_959 : f32
    %add3A_961 = arith.addf %add3A_955, %mul3A_960 : f32
    %get3A_962 = arith.constant 0 : index
    %get3A_963 = arith.constant 2 : index
    %get3A_964 = vector.load %arg8[%get3A_962, %get3A_963] : memref<2x4xf32, #tpu.memory_space<vmem>>, vector<1x1xf32>
    %get3A_965 = vector.extract %get3A_964[0, 0] : f32 from vector<1x1xf32>
    %mul3A_966 = arith.mulf %reduce_sum3A_898, %get3A_965 : f32
    %add3A_967 = arith.addf %add3A_961, %mul3A_966 : f32
    %get3A_968 = arith.constant 0 : index
    %get3A_969 = arith.constant 3 : index
    %get3A_970 = vector.load %arg8[%get3A_968, %get3A_969] : memref<2x4xf32, #tpu.memory_space<vmem>>, vector<1x1xf32>
    %get3A_971 = vector.extract %get3A_970[0, 0] : f32 from vector<1x1xf32>
    %mul3A_972 = arith.mulf %reduce_sum3A_908, %get3A_971 : f32
    %add3A_973 = arith.addf %add3A_967, %mul3A_972 : f32
    %add3A_974 = vector.broadcast %add3A_973 : f32 to vector<784x128xf32>
    %add3A_975 = arith.addf %add3A_824, %add3A_974 : vector<784x128xf32>
    %mul3A_976 = arith.constant 2.000000e-01 : f32
    %mul3A_977 = vector.broadcast %mul3A_976 : f32 to vector<784x128xf32>
    %mul3A_978 = arith.mulf %mul3A_977, %add3A_975 : vector<784x128xf32>
    %max3A_979 = arith.maximumf %add3A_975, %mul3A_978 : vector<784x128xf32>
    %jit3A_980 = arith.constant -1.000000e+30 : f32
    %broadcast_in_dim3A_981 = vector.broadcast %jit3A_980 : f32 to vector<784x128xf32>
    %select_n3A_982 = arith.select %and3A, %max3A_979, %broadcast_in_dim3A_981 : vector<784x128xi1>, vector<784x128xf32>
    %reduce_max3A_983 = vector.shape_cast %select_n3A_982 : vector<784x128xf32> to vector<1x784x128xf32>
    %reduce_max3A_984 = arith.constant dense<0xFF800000> : vector<1xf32>
    %reduce_max3A_985 = vector.multi_reduction <maximumf>, %reduce_max3A_983, %reduce_max3A_984 [1, 2] : vector<1x784x128xf32> to vector<1xf32>
    %reduce_max3A_986 = vector.shape_cast %reduce_max3A_985 : vector<1xf32> to vector<1x1x1xf32>
    %reduce_max3A_987 = vector.extract %reduce_max3A_986[0, 0, 0] : f32 from vector<1x1x1xf32>
    %sub3A_988 = vector.broadcast %reduce_max3A_987 : f32 to vector<784x128xf32>
    %sub3A_989 = arith.subf %max3A_979, %sub3A_988 : vector<784x128xf32>
    %exp3A_990 = math.exp %sub3A_989 : vector<784x128xf32>
    %mul3A_991 = arith.mulf %add3A_870, %exp3A_990 : vector<784x128xf32>
    %jit3A_992 = arith.constant 0.000000e+00 : f32
    %broadcast_in_dim3A_993 = vector.broadcast %jit3A_992 : f32 to vector<784x128xf32>
    %select_n3A_994 = arith.select %and3A, %mul3A_991, %broadcast_in_dim3A_993 : vector<784x128xi1>, vector<784x128xf32>
    %reduce_sum3A_995 = vector.shape_cast %select_n3A_994 : vector<784x128xf32> to vector<1x784x128xf32>
    %reduce_sum3A_996 = arith.constant dense<0.000000e+00> : vector<1xf32>
    %reduce_sum3A_997 = vector.multi_reduction <add>, %reduce_sum3A_995, %reduce_sum3A_996 [1, 2] : vector<1x784x128xf32> to vector<1xf32>
    %reduce_sum3A_998 = vector.shape_cast %reduce_sum3A_997 : vector<1xf32> to vector<1x1x1xf32>
    %reduce_sum3A_999 = vector.extract %reduce_sum3A_998[0, 0, 0] : f32 from vector<1x1x1xf32>
    %mul3A_1000 = arith.mulf %select_n3A_994, %add3A_388 : vector<784x128xf32>
    %reduce_sum3A_1001 = vector.shape_cast %mul3A_1000 : vector<784x128xf32> to vector<1x784x128xf32>
    %reduce_sum3A_1002 = arith.constant dense<0.000000e+00> : vector<1xf32>
    %reduce_sum3A_1003 = vector.multi_reduction <add>, %reduce_sum3A_1001, %reduce_sum3A_1002 [1, 2] : vector<1x784x128xf32> to vector<1xf32>
    %reduce_sum3A_1004 = vector.shape_cast %reduce_sum3A_1003 : vector<1xf32> to vector<1x1x1xf32>
    %reduce_sum3A_1005 = vector.extract %reduce_sum3A_1004[0, 0, 0] : f32 from vector<1x1x1xf32>
    %add3A_1006 = arith.constant 1.000000e-16 : f32
    %add3A_1007 = arith.addf %reduce_sum3A_999, %add3A_1006 : f32
    %div3A_1008 = arith.divf %reduce_sum3A_1005, %add3A_1007 : f32
    %get3A_1009 = arith.constant 0 : index
    %get3A_1010 = arith.constant 0 : index
    %get3A_1011 = vector.load %arg9[%get3A_1009, %get3A_1010] : memref<1x8xf32, #tpu.memory_space<vmem>>, vector<1x1xf32>
    %get3A_1012 = vector.extract %get3A_1011[0, 0] : f32 from vector<1x1xf32>
    %add3A_1013 = arith.addf %div3A_1008, %get3A_1012 : f32
    %mul3A_1014 = arith.mulf %select_n3A_994, %add3A_446 : vector<784x128xf32>
    %reduce_sum3A_1015 = vector.shape_cast %mul3A_1014 : vector<784x128xf32> to vector<1x784x128xf32>
    %reduce_sum3A_1016 = arith.constant dense<0.000000e+00> : vector<1xf32>
    %reduce_sum3A_1017 = vector.multi_reduction <add>, %reduce_sum3A_1015, %reduce_sum3A_1016 [1, 2] : vector<1x784x128xf32> to vector<1xf32>
    %reduce_sum3A_1018 = vector.shape_cast %reduce_sum3A_1017 : vector<1xf32> to vector<1x1x1xf32>
    %reduce_sum3A_1019 = vector.extract %reduce_sum3A_1018[0, 0, 0] : f32 from vector<1x1x1xf32>
    %add3A_1020 = arith.constant 1.000000e-16 : f32
    %add3A_1021 = arith.addf %reduce_sum3A_999, %add3A_1020 : f32
    %div3A_1022 = arith.divf %reduce_sum3A_1019, %add3A_1021 : f32
    %get3A_1023 = arith.constant 0 : index
    %get3A_1024 = arith.constant 1 : index
    %get3A_1025 = vector.load %arg9[%get3A_1023, %get3A_1024] : memref<1x8xf32, #tpu.memory_space<vmem>>, vector<1x1xf32>
    %get3A_1026 = vector.extract %get3A_1025[0, 0] : f32 from vector<1x1xf32>
    %add3A_1027 = arith.addf %div3A_1022, %get3A_1026 : f32
    %mul3A_1028 = arith.mulf %select_n3A_994, %add3A_504 : vector<784x128xf32>
    %reduce_sum3A_1029 = vector.shape_cast %mul3A_1028 : vector<784x128xf32> to vector<1x784x128xf32>
    %reduce_sum3A_1030 = arith.constant dense<0.000000e+00> : vector<1xf32>
    %reduce_sum3A_1031 = vector.multi_reduction <add>, %reduce_sum3A_1029, %reduce_sum3A_1030 [1, 2] : vector<1x784x128xf32> to vector<1xf32>
    %reduce_sum3A_1032 = vector.shape_cast %reduce_sum3A_1031 : vector<1xf32> to vector<1x1x1xf32>
    %reduce_sum3A_1033 = vector.extract %reduce_sum3A_1032[0, 0, 0] : f32 from vector<1x1x1xf32>
    %add3A_1034 = arith.constant 1.000000e-16 : f32
    %add3A_1035 = arith.addf %reduce_sum3A_999, %add3A_1034 : f32
    %div3A_1036 = arith.divf %reduce_sum3A_1033, %add3A_1035 : f32
    %get3A_1037 = arith.constant 0 : index
    %get3A_1038 = arith.constant 2 : index
    %get3A_1039 = vector.load %arg9[%get3A_1037, %get3A_1038] : memref<1x8xf32, #tpu.memory_space<vmem>>, vector<1x1xf32>
    %get3A_1040 = vector.extract %get3A_1039[0, 0] : f32 from vector<1x1xf32>
    %add3A_1041 = arith.addf %div3A_1036, %get3A_1040 : f32
    %mul3A_1042 = arith.mulf %select_n3A_994, %add3A_562 : vector<784x128xf32>
    %reduce_sum3A_1043 = vector.shape_cast %mul3A_1042 : vector<784x128xf32> to vector<1x784x128xf32>
    %reduce_sum3A_1044 = arith.constant dense<0.000000e+00> : vector<1xf32>
    %reduce_sum3A_1045 = vector.multi_reduction <add>, %reduce_sum3A_1043, %reduce_sum3A_1044 [1, 2] : vector<1x784x128xf32> to vector<1xf32>
    %reduce_sum3A_1046 = vector.shape_cast %reduce_sum3A_1045 : vector<1xf32> to vector<1x1x1xf32>
    %reduce_sum3A_1047 = vector.extract %reduce_sum3A_1046[0, 0, 0] : f32 from vector<1x1x1xf32>
    %add3A_1048 = arith.constant 1.000000e-16 : f32
    %add3A_1049 = arith.addf %reduce_sum3A_999, %add3A_1048 : f32
    %div3A_1050 = arith.divf %reduce_sum3A_1047, %add3A_1049 : f32
    %get3A_1051 = arith.constant 0 : index
    %get3A_1052 = arith.constant 3 : index
    %get3A_1053 = vector.load %arg9[%get3A_1051, %get3A_1052] : memref<1x8xf32, #tpu.memory_space<vmem>>, vector<1x1xf32>
    %get3A_1054 = vector.extract %get3A_1053[0, 0] : f32 from vector<1x1xf32>
    %add3A_1055 = arith.addf %div3A_1050, %get3A_1054 : f32
    %get3A_1056 = arith.constant 1 : index
    %get3A_1057 = arith.constant 0 : index
    %get3A_1058 = vector.load %arg8[%get3A_1056, %get3A_1057] : memref<2x4xf32, #tpu.memory_space<vmem>>, vector<1x1xf32>
    %get3A_1059 = vector.extract %get3A_1058[0, 0] : f32 from vector<1x1xf32>
    %mul3A_1060 = arith.mulf %reduce_sum3A_918, %get3A_1059 : f32
    %add3A_1061 = arith.constant 0.000000e+00 : f32
    %add3A_1062 = arith.addf %add3A_1061, %mul3A_1060 : f32
    %get3A_1063 = arith.constant 1 : index
    %get3A_1064 = arith.constant 1 : index
    %get3A_1065 = vector.load %arg8[%get3A_1063, %get3A_1064] : memref<2x4xf32, #tpu.memory_space<vmem>>, vector<1x1xf32>
    %get3A_1066 = vector.extract %get3A_1065[0, 0] : f32 from vector<1x1xf32>
    %mul3A_1067 = arith.mulf %reduce_sum3A_928, %get3A_1066 : f32
    %add3A_1068 = arith.addf %add3A_1062, %mul3A_1067 : f32
    %get3A_1069 = arith.constant 1 : index
    %get3A_1070 = arith.constant 2 : index
    %get3A_1071 = vector.load %arg8[%get3A_1069, %get3A_1070] : memref<2x4xf32, #tpu.memory_space<vmem>>, vector<1x1xf32>
    %get3A_1072 = vector.extract %get3A_1071[0, 0] : f32 from vector<1x1xf32>
    %mul3A_1073 = arith.mulf %reduce_sum3A_938, %get3A_1072 : f32
    %add3A_1074 = arith.addf %add3A_1068, %mul3A_1073 : f32
    %get3A_1075 = arith.constant 1 : index
    %get3A_1076 = arith.constant 3 : index
    %get3A_1077 = vector.load %arg8[%get3A_1075, %get3A_1076] : memref<2x4xf32, #tpu.memory_space<vmem>>, vector<1x1xf32>
    %get3A_1078 = vector.extract %get3A_1077[0, 0] : f32 from vector<1x1xf32>
    %mul3A_1079 = arith.mulf %reduce_sum3A_948, %get3A_1078 : f32
    %add3A_1080 = arith.addf %add3A_1074, %mul3A_1079 : f32
    %add3A_1081 = vector.broadcast %add3A_1080 : f32 to vector<784x128xf32>
    %add3A_1082 = arith.addf %add3A_854, %add3A_1081 : vector<784x128xf32>
    %mul3A_1083 = arith.constant 2.000000e-01 : f32
    %mul3A_1084 = vector.broadcast %mul3A_1083 : f32 to vector<784x128xf32>
    %mul3A_1085 = arith.mulf %mul3A_1084, %add3A_1082 : vector<784x128xf32>
    %max3A_1086 = arith.maximumf %add3A_1082, %mul3A_1085 : vector<784x128xf32>
    %jit3A_1087 = arith.constant -1.000000e+30 : f32
    %broadcast_in_dim3A_1088 = vector.broadcast %jit3A_1087 : f32 to vector<784x128xf32>
    %select_n3A_1089 = arith.select %and3A, %max3A_1086, %broadcast_in_dim3A_1088 : vector<784x128xi1>, vector<784x128xf32>
    %reduce_max3A_1090 = vector.shape_cast %select_n3A_1089 : vector<784x128xf32> to vector<1x784x128xf32>
    %reduce_max3A_1091 = arith.constant dense<0xFF800000> : vector<1xf32>
    %reduce_max3A_1092 = vector.multi_reduction <maximumf>, %reduce_max3A_1090, %reduce_max3A_1091 [1, 2] : vector<1x784x128xf32> to vector<1xf32>
    %reduce_max3A_1093 = vector.shape_cast %reduce_max3A_1092 : vector<1xf32> to vector<1x1x1xf32>
    %reduce_max3A_1094 = vector.extract %reduce_max3A_1093[0, 0, 0] : f32 from vector<1x1x1xf32>
    %sub3A_1095 = vector.broadcast %reduce_max3A_1094 : f32 to vector<784x128xf32>
    %sub3A_1096 = arith.subf %max3A_1086, %sub3A_1095 : vector<784x128xf32>
    %exp3A_1097 = math.exp %sub3A_1096 : vector<784x128xf32>
    %mul3A_1098 = arith.mulf %add3A_870, %exp3A_1097 : vector<784x128xf32>
    %jit3A_1099 = arith.constant 0.000000e+00 : f32
    %broadcast_in_dim3A_1100 = vector.broadcast %jit3A_1099 : f32 to vector<784x128xf32>
    %select_n3A_1101 = arith.select %and3A, %mul3A_1098, %broadcast_in_dim3A_1100 : vector<784x128xi1>, vector<784x128xf32>
    %reduce_sum3A_1102 = vector.shape_cast %select_n3A_1101 : vector<784x128xf32> to vector<1x784x128xf32>
    %reduce_sum3A_1103 = arith.constant dense<0.000000e+00> : vector<1xf32>
    %reduce_sum3A_1104 = vector.multi_reduction <add>, %reduce_sum3A_1102, %reduce_sum3A_1103 [1, 2] : vector<1x784x128xf32> to vector<1xf32>
    %reduce_sum3A_1105 = vector.shape_cast %reduce_sum3A_1104 : vector<1xf32> to vector<1x1x1xf32>
    %reduce_sum3A_1106 = vector.extract %reduce_sum3A_1105[0, 0, 0] : f32 from vector<1x1x1xf32>
    %mul3A_1107 = arith.mulf %select_n3A_1101, %add3A_620 : vector<784x128xf32>
    %reduce_sum3A_1108 = vector.shape_cast %mul3A_1107 : vector<784x128xf32> to vector<1x784x128xf32>
    %reduce_sum3A_1109 = arith.constant dense<0.000000e+00> : vector<1xf32>
    %reduce_sum3A_1110 = vector.multi_reduction <add>, %reduce_sum3A_1108, %reduce_sum3A_1109 [1, 2] : vector<1x784x128xf32> to vector<1xf32>
    %reduce_sum3A_1111 = vector.shape_cast %reduce_sum3A_1110 : vector<1xf32> to vector<1x1x1xf32>
    %reduce_sum3A_1112 = vector.extract %reduce_sum3A_1111[0, 0, 0] : f32 from vector<1x1x1xf32>
    %add3A_1113 = arith.constant 1.000000e-16 : f32
    %add3A_1114 = arith.addf %reduce_sum3A_1106, %add3A_1113 : f32
    %div3A_1115 = arith.divf %reduce_sum3A_1112, %add3A_1114 : f32
    %get3A_1116 = arith.constant 0 : index
    %get3A_1117 = arith.constant 4 : index
    %get3A_1118 = vector.load %arg9[%get3A_1116, %get3A_1117] : memref<1x8xf32, #tpu.memory_space<vmem>>, vector<1x1xf32>
    %get3A_1119 = vector.extract %get3A_1118[0, 0] : f32 from vector<1x1xf32>
    %add3A_1120 = arith.addf %div3A_1115, %get3A_1119 : f32
    %mul3A_1121 = arith.mulf %select_n3A_1101, %add3A_678 : vector<784x128xf32>
    %reduce_sum3A_1122 = vector.shape_cast %mul3A_1121 : vector<784x128xf32> to vector<1x784x128xf32>
    %reduce_sum3A_1123 = arith.constant dense<0.000000e+00> : vector<1xf32>
    %reduce_sum3A_1124 = vector.multi_reduction <add>, %reduce_sum3A_1122, %reduce_sum3A_1123 [1, 2] : vector<1x784x128xf32> to vector<1xf32>
    %reduce_sum3A_1125 = vector.shape_cast %reduce_sum3A_1124 : vector<1xf32> to vector<1x1x1xf32>
    %reduce_sum3A_1126 = vector.extract %reduce_sum3A_1125[0, 0, 0] : f32 from vector<1x1x1xf32>
    %add3A_1127 = arith.constant 1.000000e-16 : f32
    %add3A_1128 = arith.addf %reduce_sum3A_1106, %add3A_1127 : f32
    %div3A_1129 = arith.divf %reduce_sum3A_1126, %add3A_1128 : f32
    %get3A_1130 = arith.constant 0 : index
    %get3A_1131 = arith.constant 5 : index
    %get3A_1132 = vector.load %arg9[%get3A_1130, %get3A_1131] : memref<1x8xf32, #tpu.memory_space<vmem>>, vector<1x1xf32>
    %get3A_1133 = vector.extract %get3A_1132[0, 0] : f32 from vector<1x1xf32>
    %add3A_1134 = arith.addf %div3A_1129, %get3A_1133 : f32
    %mul3A_1135 = arith.mulf %select_n3A_1101, %add3A_736 : vector<784x128xf32>
    %reduce_sum3A_1136 = vector.shape_cast %mul3A_1135 : vector<784x128xf32> to vector<1x784x128xf32>
    %reduce_sum3A_1137 = arith.constant dense<0.000000e+00> : vector<1xf32>
    %reduce_sum3A_1138 = vector.multi_reduction <add>, %reduce_sum3A_1136, %reduce_sum3A_1137 [1, 2] : vector<1x784x128xf32> to vector<1xf32>
    %reduce_sum3A_1139 = vector.shape_cast %reduce_sum3A_1138 : vector<1xf32> to vector<1x1x1xf32>
    %reduce_sum3A_1140 = vector.extract %reduce_sum3A_1139[0, 0, 0] : f32 from vector<1x1x1xf32>
    %add3A_1141 = arith.constant 1.000000e-16 : f32
    %add3A_1142 = arith.addf %reduce_sum3A_1106, %add3A_1141 : f32
    %div3A_1143 = arith.divf %reduce_sum3A_1140, %add3A_1142 : f32
    %get3A_1144 = arith.constant 0 : index
    %get3A_1145 = arith.constant 6 : index
    %get3A_1146 = vector.load %arg9[%get3A_1144, %get3A_1145] : memref<1x8xf32, #tpu.memory_space<vmem>>, vector<1x1xf32>
    %get3A_1147 = vector.extract %get3A_1146[0, 0] : f32 from vector<1x1xf32>
    %add3A_1148 = arith.addf %div3A_1143, %get3A_1147 : f32
    %mul3A_1149 = arith.mulf %select_n3A_1101, %add3A_794 : vector<784x128xf32>
    %reduce_sum3A_1150 = vector.shape_cast %mul3A_1149 : vector<784x128xf32> to vector<1x784x128xf32>
    %reduce_sum3A_1151 = arith.constant dense<0.000000e+00> : vector<1xf32>
    %reduce_sum3A_1152 = vector.multi_reduction <add>, %reduce_sum3A_1150, %reduce_sum3A_1151 [1, 2] : vector<1x784x128xf32> to vector<1xf32>
    %reduce_sum3A_1153 = vector.shape_cast %reduce_sum3A_1152 : vector<1xf32> to vector<1x1x1xf32>
    %reduce_sum3A_1154 = vector.extract %reduce_sum3A_1153[0, 0, 0] : f32 from vector<1x1x1xf32>
    %add3A_1155 = arith.constant 1.000000e-16 : f32
    %add3A_1156 = arith.addf %reduce_sum3A_1106, %add3A_1155 : f32
    %div3A_1157 = arith.divf %reduce_sum3A_1154, %add3A_1156 : f32
    %get3A_1158 = arith.constant 0 : index
    %get3A_1159 = arith.constant 7 : index
    %get3A_1160 = vector.load %arg9[%get3A_1158, %get3A_1159] : memref<1x8xf32, #tpu.memory_space<vmem>>, vector<1x1xf32>
    %get3A_1161 = vector.extract %get3A_1160[0, 0] : f32 from vector<1x1xf32>
    %add3A_1162 = arith.addf %div3A_1157, %get3A_1161 : f32
    %get3A_1163 = arith.constant 0 : index
    %get3A_1164 = arith.constant 1 : index
    %get3A_1165 = vector.load %arg12[%get3A_1163, %get3A_1164] : memref<1x2xi32, #tpu.memory_space<vmem>>, vector<1x1xi32>
    %get3A_1166 = vector.extract %get3A_1165[0, 0] : i32 from vector<1x1xi32>
    %slice3A_1167 = vector.extract_strided_slice %add3A_180 {offsets = [5, 0, 0], sizes = [1, 784, 128], strides = [1, 1, 1]} : vector<6x784x128xf32> to vector<1x784x128xf32>
    %squeeze3A_1168 = vector.shape_cast %slice3A_1167 : vector<1x784x128xf32> to vector<784x128xf32>
    %eq3A_1169 = vector.broadcast %get3A_1166 : i32 to vector<784x128xi32>
    %eq3A_1170 = arith.cmpi eq, %add3A_859, %eq3A_1169 : vector<784x128xi32>
    %convert_element_type3A_1171 = arith.extui %eq3A_1170 : vector<784x128xi1> to vector<784x128xi32>
    %convert_element_type3A_1172 = arith.sitofp %convert_element_type3A_1171 : vector<784x128xi32> to vector<784x128xf32>
    %add3A_1173 = arith.addf %squeeze3A_1168, %convert_element_type3A_1172 : vector<784x128xf32>
    %gt3A_1174 = arith.constant 0.000000e+00 : f32
    %gt3A_1175 = vector.broadcast %gt3A_1174 : f32 to vector<784x128xf32>
    %gt3A_1176 = arith.cmpf ogt, %add3A_1173, %gt3A_1175 : vector<784x128xf32>
    %and3A_1177 = arith.andi %gt3A_1176, %lt3A_861 : vector<784x128xi1>
    %eq3A_1178 = vector.broadcast %get3A_1166 : i32 to vector<784x128xi32>
    %eq3A_1179 = arith.cmpi eq, %add3A_859, %eq3A_1178 : vector<784x128xi32>
    %jit3A_1180 = arith.constant 0.000000e+00 : f32
    %broadcast_in_dim3A_1181 = vector.broadcast %jit3A_1180 : f32 to vector<784x128xf32>
    %select_n3A_1182 = arith.select %eq3A_1179, %add3A_388, %broadcast_in_dim3A_1181 : vector<784x128xi1>, vector<784x128xf32>
    %reduce_sum3A_1183 = vector.shape_cast %select_n3A_1182 : vector<784x128xf32> to vector<1x784x128xf32>
    %reduce_sum3A_1184 = arith.constant dense<0.000000e+00> : vector<1xf32>
    %reduce_sum3A_1185 = vector.multi_reduction <add>, %reduce_sum3A_1183, %reduce_sum3A_1184 [1, 2] : vector<1x784x128xf32> to vector<1xf32>
    %reduce_sum3A_1186 = vector.shape_cast %reduce_sum3A_1185 : vector<1xf32> to vector<1x1x1xf32>
    %reduce_sum3A_1187 = vector.extract %reduce_sum3A_1186[0, 0, 0] : f32 from vector<1x1x1xf32>
    %eq3A_1188 = vector.broadcast %get3A_1166 : i32 to vector<784x128xi32>
    %eq3A_1189 = arith.cmpi eq, %add3A_859, %eq3A_1188 : vector<784x128xi32>
    %jit3A_1190 = arith.constant 0.000000e+00 : f32
    %broadcast_in_dim3A_1191 = vector.broadcast %jit3A_1190 : f32 to vector<784x128xf32>
    %select_n3A_1192 = arith.select %eq3A_1189, %add3A_446, %broadcast_in_dim3A_1191 : vector<784x128xi1>, vector<784x128xf32>
    %reduce_sum3A_1193 = vector.shape_cast %select_n3A_1192 : vector<784x128xf32> to vector<1x784x128xf32>
    %reduce_sum3A_1194 = arith.constant dense<0.000000e+00> : vector<1xf32>
    %reduce_sum3A_1195 = vector.multi_reduction <add>, %reduce_sum3A_1193, %reduce_sum3A_1194 [1, 2] : vector<1x784x128xf32> to vector<1xf32>
    %reduce_sum3A_1196 = vector.shape_cast %reduce_sum3A_1195 : vector<1xf32> to vector<1x1x1xf32>
    %reduce_sum3A_1197 = vector.extract %reduce_sum3A_1196[0, 0, 0] : f32 from vector<1x1x1xf32>
    %eq3A_1198 = vector.broadcast %get3A_1166 : i32 to vector<784x128xi32>
    %eq3A_1199 = arith.cmpi eq, %add3A_859, %eq3A_1198 : vector<784x128xi32>
    %jit3A_1200 = arith.constant 0.000000e+00 : f32
    %broadcast_in_dim3A_1201 = vector.broadcast %jit3A_1200 : f32 to vector<784x128xf32>
    %select_n3A_1202 = arith.select %eq3A_1199, %add3A_504, %broadcast_in_dim3A_1201 : vector<784x128xi1>, vector<784x128xf32>
    %reduce_sum3A_1203 = vector.shape_cast %select_n3A_1202 : vector<784x128xf32> to vector<1x784x128xf32>
    %reduce_sum3A_1204 = arith.constant dense<0.000000e+00> : vector<1xf32>
    %reduce_sum3A_1205 = vector.multi_reduction <add>, %reduce_sum3A_1203, %reduce_sum3A_1204 [1, 2] : vector<1x784x128xf32> to vector<1xf32>
    %reduce_sum3A_1206 = vector.shape_cast %reduce_sum3A_1205 : vector<1xf32> to vector<1x1x1xf32>
    %reduce_sum3A_1207 = vector.extract %reduce_sum3A_1206[0, 0, 0] : f32 from vector<1x1x1xf32>
    %eq3A_1208 = vector.broadcast %get3A_1166 : i32 to vector<784x128xi32>
    %eq3A_1209 = arith.cmpi eq, %add3A_859, %eq3A_1208 : vector<784x128xi32>
    %jit3A_1210 = arith.constant 0.000000e+00 : f32
    %broadcast_in_dim3A_1211 = vector.broadcast %jit3A_1210 : f32 to vector<784x128xf32>
    %select_n3A_1212 = arith.select %eq3A_1209, %add3A_562, %broadcast_in_dim3A_1211 : vector<784x128xi1>, vector<784x128xf32>
    %reduce_sum3A_1213 = vector.shape_cast %select_n3A_1212 : vector<784x128xf32> to vector<1x784x128xf32>
    %reduce_sum3A_1214 = arith.constant dense<0.000000e+00> : vector<1xf32>
    %reduce_sum3A_1215 = vector.multi_reduction <add>, %reduce_sum3A_1213, %reduce_sum3A_1214 [1, 2] : vector<1x784x128xf32> to vector<1xf32>
    %reduce_sum3A_1216 = vector.shape_cast %reduce_sum3A_1215 : vector<1xf32> to vector<1x1x1xf32>
    %reduce_sum3A_1217 = vector.extract %reduce_sum3A_1216[0, 0, 0] : f32 from vector<1x1x1xf32>
    %eq3A_1218 = vector.broadcast %get3A_1166 : i32 to vector<784x128xi32>
    %eq3A_1219 = arith.cmpi eq, %add3A_859, %eq3A_1218 : vector<784x128xi32>
    %jit3A_1220 = arith.constant 0.000000e+00 : f32
    %broadcast_in_dim3A_1221 = vector.broadcast %jit3A_1220 : f32 to vector<784x128xf32>
    %select_n3A_1222 = arith.select %eq3A_1219, %add3A_620, %broadcast_in_dim3A_1221 : vector<784x128xi1>, vector<784x128xf32>
    %reduce_sum3A_1223 = vector.shape_cast %select_n3A_1222 : vector<784x128xf32> to vector<1x784x128xf32>
    %reduce_sum3A_1224 = arith.constant dense<0.000000e+00> : vector<1xf32>
    %reduce_sum3A_1225 = vector.multi_reduction <add>, %reduce_sum3A_1223, %reduce_sum3A_1224 [1, 2] : vector<1x784x128xf32> to vector<1xf32>
    %reduce_sum3A_1226 = vector.shape_cast %reduce_sum3A_1225 : vector<1xf32> to vector<1x1x1xf32>
    %reduce_sum3A_1227 = vector.extract %reduce_sum3A_1226[0, 0, 0] : f32 from vector<1x1x1xf32>
    %eq3A_1228 = vector.broadcast %get3A_1166 : i32 to vector<784x128xi32>
    %eq3A_1229 = arith.cmpi eq, %add3A_859, %eq3A_1228 : vector<784x128xi32>
    %jit3A_1230 = arith.constant 0.000000e+00 : f32
    %broadcast_in_dim3A_1231 = vector.broadcast %jit3A_1230 : f32 to vector<784x128xf32>
    %select_n3A_1232 = arith.select %eq3A_1229, %add3A_678, %broadcast_in_dim3A_1231 : vector<784x128xi1>, vector<784x128xf32>
    %reduce_sum3A_1233 = vector.shape_cast %select_n3A_1232 : vector<784x128xf32> to vector<1x784x128xf32>
    %reduce_sum3A_1234 = arith.constant dense<0.000000e+00> : vector<1xf32>
    %reduce_sum3A_1235 = vector.multi_reduction <add>, %reduce_sum3A_1233, %reduce_sum3A_1234 [1, 2] : vector<1x784x128xf32> to vector<1xf32>
    %reduce_sum3A_1236 = vector.shape_cast %reduce_sum3A_1235 : vector<1xf32> to vector<1x1x1xf32>
    %reduce_sum3A_1237 = vector.extract %reduce_sum3A_1236[0, 0, 0] : f32 from vector<1x1x1xf32>
    %eq3A_1238 = vector.broadcast %get3A_1166 : i32 to vector<784x128xi32>
    %eq3A_1239 = arith.cmpi eq, %add3A_859, %eq3A_1238 : vector<784x128xi32>
    %jit3A_1240 = arith.constant 0.000000e+00 : f32
    %broadcast_in_dim3A_1241 = vector.broadcast %jit3A_1240 : f32 to vector<784x128xf32>
    %select_n3A_1242 = arith.select %eq3A_1239, %add3A_736, %broadcast_in_dim3A_1241 : vector<784x128xi1>, vector<784x128xf32>
    %reduce_sum3A_1243 = vector.shape_cast %select_n3A_1242 : vector<784x128xf32> to vector<1x784x128xf32>
    %reduce_sum3A_1244 = arith.constant dense<0.000000e+00> : vector<1xf32>
    %reduce_sum3A_1245 = vector.multi_reduction <add>, %reduce_sum3A_1243, %reduce_sum3A_1244 [1, 2] : vector<1x784x128xf32> to vector<1xf32>
    %reduce_sum3A_1246 = vector.shape_cast %reduce_sum3A_1245 : vector<1xf32> to vector<1x1x1xf32>
    %reduce_sum3A_1247 = vector.extract %reduce_sum3A_1246[0, 0, 0] : f32 from vector<1x1x1xf32>
    %eq3A_1248 = vector.broadcast %get3A_1166 : i32 to vector<784x128xi32>
    %eq3A_1249 = arith.cmpi eq, %add3A_859, %eq3A_1248 : vector<784x128xi32>
    %jit3A_1250 = arith.constant 0.000000e+00 : f32
    %broadcast_in_dim3A_1251 = vector.broadcast %jit3A_1250 : f32 to vector<784x128xf32>
    %select_n3A_1252 = arith.select %eq3A_1249, %add3A_794, %broadcast_in_dim3A_1251 : vector<784x128xi1>, vector<784x128xf32>
    %reduce_sum3A_1253 = vector.shape_cast %select_n3A_1252 : vector<784x128xf32> to vector<1x784x128xf32>
    %reduce_sum3A_1254 = arith.constant dense<0.000000e+00> : vector<1xf32>
    %reduce_sum3A_1255 = vector.multi_reduction <add>, %reduce_sum3A_1253, %reduce_sum3A_1254 [1, 2] : vector<1x784x128xf32> to vector<1xf32>
    %reduce_sum3A_1256 = vector.shape_cast %reduce_sum3A_1255 : vector<1xf32> to vector<1x1x1xf32>
    %reduce_sum3A_1257 = vector.extract %reduce_sum3A_1256[0, 0, 0] : f32 from vector<1x1x1xf32>
    %get3A_1258 = arith.constant 0 : index
    %get3A_1259 = arith.constant 0 : index
    %get3A_1260 = vector.load %arg8[%get3A_1258, %get3A_1259] : memref<2x4xf32, #tpu.memory_space<vmem>>, vector<1x1xf32>
    %get3A_1261 = vector.extract %get3A_1260[0, 0] : f32 from vector<1x1xf32>
    %mul3A_1262 = arith.mulf %reduce_sum3A_1187, %get3A_1261 : f32
    %add3A_1263 = arith.constant 0.000000e+00 : f32
    %add3A_1264 = arith.addf %add3A_1263, %mul3A_1262 : f32
    %get3A_1265 = arith.constant 0 : index
    %get3A_1266 = arith.constant 1 : index
    %get3A_1267 = vector.load %arg8[%get3A_1265, %get3A_1266] : memref<2x4xf32, #tpu.memory_space<vmem>>, vector<1x1xf32>
    %get3A_1268 = vector.extract %get3A_1267[0, 0] : f32 from vector<1x1xf32>
    %mul3A_1269 = arith.mulf %reduce_sum3A_1197, %get3A_1268 : f32
    %add3A_1270 = arith.addf %add3A_1264, %mul3A_1269 : f32
    %get3A_1271 = arith.constant 0 : index
    %get3A_1272 = arith.constant 2 : index
    %get3A_1273 = vector.load %arg8[%get3A_1271, %get3A_1272] : memref<2x4xf32, #tpu.memory_space<vmem>>, vector<1x1xf32>
    %get3A_1274 = vector.extract %get3A_1273[0, 0] : f32 from vector<1x1xf32>
    %mul3A_1275 = arith.mulf %reduce_sum3A_1207, %get3A_1274 : f32
    %add3A_1276 = arith.addf %add3A_1270, %mul3A_1275 : f32
    %get3A_1277 = arith.constant 0 : index
    %get3A_1278 = arith.constant 3 : index
    %get3A_1279 = vector.load %arg8[%get3A_1277, %get3A_1278] : memref<2x4xf32, #tpu.memory_space<vmem>>, vector<1x1xf32>
    %get3A_1280 = vector.extract %get3A_1279[0, 0] : f32 from vector<1x1xf32>
    %mul3A_1281 = arith.mulf %reduce_sum3A_1217, %get3A_1280 : f32
    %add3A_1282 = arith.addf %add3A_1276, %mul3A_1281 : f32
    %add3A_1283 = vector.broadcast %add3A_1282 : f32 to vector<784x128xf32>
    %add3A_1284 = arith.addf %add3A_824, %add3A_1283 : vector<784x128xf32>
    %mul3A_1285 = arith.constant 2.000000e-01 : f32
    %mul3A_1286 = vector.broadcast %mul3A_1285 : f32 to vector<784x128xf32>
    %mul3A_1287 = arith.mulf %mul3A_1286, %add3A_1284 : vector<784x128xf32>
    %max3A_1288 = arith.maximumf %add3A_1284, %mul3A_1287 : vector<784x128xf32>
    %jit3A_1289 = arith.constant -1.000000e+30 : f32
    %broadcast_in_dim3A_1290 = vector.broadcast %jit3A_1289 : f32 to vector<784x128xf32>
    %select_n3A_1291 = arith.select %and3A_1177, %max3A_1288, %broadcast_in_dim3A_1290 : vector<784x128xi1>, vector<784x128xf32>
    %reduce_max3A_1292 = vector.shape_cast %select_n3A_1291 : vector<784x128xf32> to vector<1x784x128xf32>
    %reduce_max3A_1293 = arith.constant dense<0xFF800000> : vector<1xf32>
    %reduce_max3A_1294 = vector.multi_reduction <maximumf>, %reduce_max3A_1292, %reduce_max3A_1293 [1, 2] : vector<1x784x128xf32> to vector<1xf32>
    %reduce_max3A_1295 = vector.shape_cast %reduce_max3A_1294 : vector<1xf32> to vector<1x1x1xf32>
    %reduce_max3A_1296 = vector.extract %reduce_max3A_1295[0, 0, 0] : f32 from vector<1x1x1xf32>
    %sub3A_1297 = vector.broadcast %reduce_max3A_1296 : f32 to vector<784x128xf32>
    %sub3A_1298 = arith.subf %max3A_1288, %sub3A_1297 : vector<784x128xf32>
    %exp3A_1299 = math.exp %sub3A_1298 : vector<784x128xf32>
    %mul3A_1300 = arith.mulf %add3A_1173, %exp3A_1299 : vector<784x128xf32>
    %jit3A_1301 = arith.constant 0.000000e+00 : f32
    %broadcast_in_dim3A_1302 = vector.broadcast %jit3A_1301 : f32 to vector<784x128xf32>
    %select_n3A_1303 = arith.select %and3A_1177, %mul3A_1300, %broadcast_in_dim3A_1302 : vector<784x128xi1>, vector<784x128xf32>
    %reduce_sum3A_1304 = vector.shape_cast %select_n3A_1303 : vector<784x128xf32> to vector<1x784x128xf32>
    %reduce_sum3A_1305 = arith.constant dense<0.000000e+00> : vector<1xf32>
    %reduce_sum3A_1306 = vector.multi_reduction <add>, %reduce_sum3A_1304, %reduce_sum3A_1305 [1, 2] : vector<1x784x128xf32> to vector<1xf32>
    %reduce_sum3A_1307 = vector.shape_cast %reduce_sum3A_1306 : vector<1xf32> to vector<1x1x1xf32>
    %reduce_sum3A_1308 = vector.extract %reduce_sum3A_1307[0, 0, 0] : f32 from vector<1x1x1xf32>
    %mul3A_1309 = arith.mulf %select_n3A_1303, %add3A_388 : vector<784x128xf32>
    %reduce_sum3A_1310 = vector.shape_cast %mul3A_1309 : vector<784x128xf32> to vector<1x784x128xf32>
    %reduce_sum3A_1311 = arith.constant dense<0.000000e+00> : vector<1xf32>
    %reduce_sum3A_1312 = vector.multi_reduction <add>, %reduce_sum3A_1310, %reduce_sum3A_1311 [1, 2] : vector<1x784x128xf32> to vector<1xf32>
    %reduce_sum3A_1313 = vector.shape_cast %reduce_sum3A_1312 : vector<1xf32> to vector<1x1x1xf32>
    %reduce_sum3A_1314 = vector.extract %reduce_sum3A_1313[0, 0, 0] : f32 from vector<1x1x1xf32>
    %add3A_1315 = arith.constant 1.000000e-16 : f32
    %add3A_1316 = arith.addf %reduce_sum3A_1308, %add3A_1315 : f32
    %div3A_1317 = arith.divf %reduce_sum3A_1314, %add3A_1316 : f32
    %get3A_1318 = arith.constant 0 : index
    %get3A_1319 = arith.constant 0 : index
    %get3A_1320 = vector.load %arg9[%get3A_1318, %get3A_1319] : memref<1x8xf32, #tpu.memory_space<vmem>>, vector<1x1xf32>
    %get3A_1321 = vector.extract %get3A_1320[0, 0] : f32 from vector<1x1xf32>
    %add3A_1322 = arith.addf %div3A_1317, %get3A_1321 : f32
    %mul3A_1323 = arith.mulf %select_n3A_1303, %add3A_446 : vector<784x128xf32>
    %reduce_sum3A_1324 = vector.shape_cast %mul3A_1323 : vector<784x128xf32> to vector<1x784x128xf32>
    %reduce_sum3A_1325 = arith.constant dense<0.000000e+00> : vector<1xf32>
    %reduce_sum3A_1326 = vector.multi_reduction <add>, %reduce_sum3A_1324, %reduce_sum3A_1325 [1, 2] : vector<1x784x128xf32> to vector<1xf32>
    %reduce_sum3A_1327 = vector.shape_cast %reduce_sum3A_1326 : vector<1xf32> to vector<1x1x1xf32>
    %reduce_sum3A_1328 = vector.extract %reduce_sum3A_1327[0, 0, 0] : f32 from vector<1x1x1xf32>
    %add3A_1329 = arith.constant 1.000000e-16 : f32
    %add3A_1330 = arith.addf %reduce_sum3A_1308, %add3A_1329 : f32
    %div3A_1331 = arith.divf %reduce_sum3A_1328, %add3A_1330 : f32
    %get3A_1332 = arith.constant 0 : index
    %get3A_1333 = arith.constant 1 : index
    %get3A_1334 = vector.load %arg9[%get3A_1332, %get3A_1333] : memref<1x8xf32, #tpu.memory_space<vmem>>, vector<1x1xf32>
    %get3A_1335 = vector.extract %get3A_1334[0, 0] : f32 from vector<1x1xf32>
    %add3A_1336 = arith.addf %div3A_1331, %get3A_1335 : f32
    %mul3A_1337 = arith.mulf %select_n3A_1303, %add3A_504 : vector<784x128xf32>
    %reduce_sum3A_1338 = vector.shape_cast %mul3A_1337 : vector<784x128xf32> to vector<1x784x128xf32>
    %reduce_sum3A_1339 = arith.constant dense<0.000000e+00> : vector<1xf32>
    %reduce_sum3A_1340 = vector.multi_reduction <add>, %reduce_sum3A_1338, %reduce_sum3A_1339 [1, 2] : vector<1x784x128xf32> to vector<1xf32>
    %reduce_sum3A_1341 = vector.shape_cast %reduce_sum3A_1340 : vector<1xf32> to vector<1x1x1xf32>
    %reduce_sum3A_1342 = vector.extract %reduce_sum3A_1341[0, 0, 0] : f32 from vector<1x1x1xf32>
    %add3A_1343 = arith.constant 1.000000e-16 : f32
    %add3A_1344 = arith.addf %reduce_sum3A_1308, %add3A_1343 : f32
    %div3A_1345 = arith.divf %reduce_sum3A_1342, %add3A_1344 : f32
    %get3A_1346 = arith.constant 0 : index
    %get3A_1347 = arith.constant 2 : index
    %get3A_1348 = vector.load %arg9[%get3A_1346, %get3A_1347] : memref<1x8xf32, #tpu.memory_space<vmem>>, vector<1x1xf32>
    %get3A_1349 = vector.extract %get3A_1348[0, 0] : f32 from vector<1x1xf32>
    %add3A_1350 = arith.addf %div3A_1345, %get3A_1349 : f32
    %mul3A_1351 = arith.mulf %select_n3A_1303, %add3A_562 : vector<784x128xf32>
    %reduce_sum3A_1352 = vector.shape_cast %mul3A_1351 : vector<784x128xf32> to vector<1x784x128xf32>
    %reduce_sum3A_1353 = arith.constant dense<0.000000e+00> : vector<1xf32>
    %reduce_sum3A_1354 = vector.multi_reduction <add>, %reduce_sum3A_1352, %reduce_sum3A_1353 [1, 2] : vector<1x784x128xf32> to vector<1xf32>
    %reduce_sum3A_1355 = vector.shape_cast %reduce_sum3A_1354 : vector<1xf32> to vector<1x1x1xf32>
    %reduce_sum3A_1356 = vector.extract %reduce_sum3A_1355[0, 0, 0] : f32 from vector<1x1x1xf32>
    %add3A_1357 = arith.constant 1.000000e-16 : f32
    %add3A_1358 = arith.addf %reduce_sum3A_1308, %add3A_1357 : f32
    %div3A_1359 = arith.divf %reduce_sum3A_1356, %add3A_1358 : f32
    %get3A_1360 = arith.constant 0 : index
    %get3A_1361 = arith.constant 3 : index
    %get3A_1362 = vector.load %arg9[%get3A_1360, %get3A_1361] : memref<1x8xf32, #tpu.memory_space<vmem>>, vector<1x1xf32>
    %get3A_1363 = vector.extract %get3A_1362[0, 0] : f32 from vector<1x1xf32>
    %add3A_1364 = arith.addf %div3A_1359, %get3A_1363 : f32
    %get3A_1365 = arith.constant 1 : index
    %get3A_1366 = arith.constant 0 : index
    %get3A_1367 = vector.load %arg8[%get3A_1365, %get3A_1366] : memref<2x4xf32, #tpu.memory_space<vmem>>, vector<1x1xf32>
    %get3A_1368 = vector.extract %get3A_1367[0, 0] : f32 from vector<1x1xf32>
    %mul3A_1369 = arith.mulf %reduce_sum3A_1227, %get3A_1368 : f32
    %add3A_1370 = arith.constant 0.000000e+00 : f32
    %add3A_1371 = arith.addf %add3A_1370, %mul3A_1369 : f32
    %get3A_1372 = arith.constant 1 : index
    %get3A_1373 = arith.constant 1 : index
    %get3A_1374 = vector.load %arg8[%get3A_1372, %get3A_1373] : memref<2x4xf32, #tpu.memory_space<vmem>>, vector<1x1xf32>
    %get3A_1375 = vector.extract %get3A_1374[0, 0] : f32 from vector<1x1xf32>
    %mul3A_1376 = arith.mulf %reduce_sum3A_1237, %get3A_1375 : f32
    %add3A_1377 = arith.addf %add3A_1371, %mul3A_1376 : f32
    %get3A_1378 = arith.constant 1 : index
    %get3A_1379 = arith.constant 2 : index
    %get3A_1380 = vector.load %arg8[%get3A_1378, %get3A_1379] : memref<2x4xf32, #tpu.memory_space<vmem>>, vector<1x1xf32>
    %get3A_1381 = vector.extract %get3A_1380[0, 0] : f32 from vector<1x1xf32>
    %mul3A_1382 = arith.mulf %reduce_sum3A_1247, %get3A_1381 : f32
    %add3A_1383 = arith.addf %add3A_1377, %mul3A_1382 : f32
    %get3A_1384 = arith.constant 1 : index
    %get3A_1385 = arith.constant 3 : index
    %get3A_1386 = vector.load %arg8[%get3A_1384, %get3A_1385] : memref<2x4xf32, #tpu.memory_space<vmem>>, vector<1x1xf32>
    %get3A_1387 = vector.extract %get3A_1386[0, 0] : f32 from vector<1x1xf32>
    %mul3A_1388 = arith.mulf %reduce_sum3A_1257, %get3A_1387 : f32
    %add3A_1389 = arith.addf %add3A_1383, %mul3A_1388 : f32
    %add3A_1390 = vector.broadcast %add3A_1389 : f32 to vector<784x128xf32>
    %add3A_1391 = arith.addf %add3A_854, %add3A_1390 : vector<784x128xf32>
    %mul3A_1392 = arith.constant 2.000000e-01 : f32
    %mul3A_1393 = vector.broadcast %mul3A_1392 : f32 to vector<784x128xf32>
    %mul3A_1394 = arith.mulf %mul3A_1393, %add3A_1391 : vector<784x128xf32>
    %max3A_1395 = arith.maximumf %add3A_1391, %mul3A_1394 : vector<784x128xf32>
    %jit3A_1396 = arith.constant -1.000000e+30 : f32
    %broadcast_in_dim3A_1397 = vector.broadcast %jit3A_1396 : f32 to vector<784x128xf32>
    %select_n3A_1398 = arith.select %and3A_1177, %max3A_1395, %broadcast_in_dim3A_1397 : vector<784x128xi1>, vector<784x128xf32>
    %reduce_max3A_1399 = vector.shape_cast %select_n3A_1398 : vector<784x128xf32> to vector<1x784x128xf32>
    %reduce_max3A_1400 = arith.constant dense<0xFF800000> : vector<1xf32>
    %reduce_max3A_1401 = vector.multi_reduction <maximumf>, %reduce_max3A_1399, %reduce_max3A_1400 [1, 2] : vector<1x784x128xf32> to vector<1xf32>
    %reduce_max3A_1402 = vector.shape_cast %reduce_max3A_1401 : vector<1xf32> to vector<1x1x1xf32>
    %reduce_max3A_1403 = vector.extract %reduce_max3A_1402[0, 0, 0] : f32 from vector<1x1x1xf32>
    %sub3A_1404 = vector.broadcast %reduce_max3A_1403 : f32 to vector<784x128xf32>
    %sub3A_1405 = arith.subf %max3A_1395, %sub3A_1404 : vector<784x128xf32>
    %exp3A_1406 = math.exp %sub3A_1405 : vector<784x128xf32>
    %mul3A_1407 = arith.mulf %add3A_1173, %exp3A_1406 : vector<784x128xf32>
    %jit3A_1408 = arith.constant 0.000000e+00 : f32
    %broadcast_in_dim3A_1409 = vector.broadcast %jit3A_1408 : f32 to vector<784x128xf32>
    %select_n3A_1410 = arith.select %and3A_1177, %mul3A_1407, %broadcast_in_dim3A_1409 : vector<784x128xi1>, vector<784x128xf32>
    %reduce_sum3A_1411 = vector.shape_cast %select_n3A_1410 : vector<784x128xf32> to vector<1x784x128xf32>
    %reduce_sum3A_1412 = arith.constant dense<0.000000e+00> : vector<1xf32>
    %reduce_sum3A_1413 = vector.multi_reduction <add>, %reduce_sum3A_1411, %reduce_sum3A_1412 [1, 2] : vector<1x784x128xf32> to vector<1xf32>
    %reduce_sum3A_1414 = vector.shape_cast %reduce_sum3A_1413 : vector<1xf32> to vector<1x1x1xf32>
    %reduce_sum3A_1415 = vector.extract %reduce_sum3A_1414[0, 0, 0] : f32 from vector<1x1x1xf32>
    %mul3A_1416 = arith.mulf %select_n3A_1410, %add3A_620 : vector<784x128xf32>
    %reduce_sum3A_1417 = vector.shape_cast %mul3A_1416 : vector<784x128xf32> to vector<1x784x128xf32>
    %reduce_sum3A_1418 = arith.constant dense<0.000000e+00> : vector<1xf32>
    %reduce_sum3A_1419 = vector.multi_reduction <add>, %reduce_sum3A_1417, %reduce_sum3A_1418 [1, 2] : vector<1x784x128xf32> to vector<1xf32>
    %reduce_sum3A_1420 = vector.shape_cast %reduce_sum3A_1419 : vector<1xf32> to vector<1x1x1xf32>
    %reduce_sum3A_1421 = vector.extract %reduce_sum3A_1420[0, 0, 0] : f32 from vector<1x1x1xf32>
    %add3A_1422 = arith.constant 1.000000e-16 : f32
    %add3A_1423 = arith.addf %reduce_sum3A_1415, %add3A_1422 : f32
    %div3A_1424 = arith.divf %reduce_sum3A_1421, %add3A_1423 : f32
    %get3A_1425 = arith.constant 0 : index
    %get3A_1426 = arith.constant 4 : index
    %get3A_1427 = vector.load %arg9[%get3A_1425, %get3A_1426] : memref<1x8xf32, #tpu.memory_space<vmem>>, vector<1x1xf32>
    %get3A_1428 = vector.extract %get3A_1427[0, 0] : f32 from vector<1x1xf32>
    %add3A_1429 = arith.addf %div3A_1424, %get3A_1428 : f32
    %mul3A_1430 = arith.mulf %select_n3A_1410, %add3A_678 : vector<784x128xf32>
    %reduce_sum3A_1431 = vector.shape_cast %mul3A_1430 : vector<784x128xf32> to vector<1x784x128xf32>
    %reduce_sum3A_1432 = arith.constant dense<0.000000e+00> : vector<1xf32>
    %reduce_sum3A_1433 = vector.multi_reduction <add>, %reduce_sum3A_1431, %reduce_sum3A_1432 [1, 2] : vector<1x784x128xf32> to vector<1xf32>
    %reduce_sum3A_1434 = vector.shape_cast %reduce_sum3A_1433 : vector<1xf32> to vector<1x1x1xf32>
    %reduce_sum3A_1435 = vector.extract %reduce_sum3A_1434[0, 0, 0] : f32 from vector<1x1x1xf32>
    %add3A_1436 = arith.constant 1.000000e-16 : f32
    %add3A_1437 = arith.addf %reduce_sum3A_1415, %add3A_1436 : f32
    %div3A_1438 = arith.divf %reduce_sum3A_1435, %add3A_1437 : f32
    %get3A_1439 = arith.constant 0 : index
    %get3A_1440 = arith.constant 5 : index
    %get3A_1441 = vector.load %arg9[%get3A_1439, %get3A_1440] : memref<1x8xf32, #tpu.memory_space<vmem>>, vector<1x1xf32>
    %get3A_1442 = vector.extract %get3A_1441[0, 0] : f32 from vector<1x1xf32>
    %add3A_1443 = arith.addf %div3A_1438, %get3A_1442 : f32
    %mul3A_1444 = arith.mulf %select_n3A_1410, %add3A_736 : vector<784x128xf32>
    %reduce_sum3A_1445 = vector.shape_cast %mul3A_1444 : vector<784x128xf32> to vector<1x784x128xf32>
    %reduce_sum3A_1446 = arith.constant dense<0.000000e+00> : vector<1xf32>
    %reduce_sum3A_1447 = vector.multi_reduction <add>, %reduce_sum3A_1445, %reduce_sum3A_1446 [1, 2] : vector<1x784x128xf32> to vector<1xf32>
    %reduce_sum3A_1448 = vector.shape_cast %reduce_sum3A_1447 : vector<1xf32> to vector<1x1x1xf32>
    %reduce_sum3A_1449 = vector.extract %reduce_sum3A_1448[0, 0, 0] : f32 from vector<1x1x1xf32>
    %add3A_1450 = arith.constant 1.000000e-16 : f32
    %add3A_1451 = arith.addf %reduce_sum3A_1415, %add3A_1450 : f32
    %div3A_1452 = arith.divf %reduce_sum3A_1449, %add3A_1451 : f32
    %get3A_1453 = arith.constant 0 : index
    %get3A_1454 = arith.constant 6 : index
    %get3A_1455 = vector.load %arg9[%get3A_1453, %get3A_1454] : memref<1x8xf32, #tpu.memory_space<vmem>>, vector<1x1xf32>
    %get3A_1456 = vector.extract %get3A_1455[0, 0] : f32 from vector<1x1xf32>
    %add3A_1457 = arith.addf %div3A_1452, %get3A_1456 : f32
    %mul3A_1458 = arith.mulf %select_n3A_1410, %add3A_794 : vector<784x128xf32>
    %reduce_sum3A_1459 = vector.shape_cast %mul3A_1458 : vector<784x128xf32> to vector<1x784x128xf32>
    %reduce_sum3A_1460 = arith.constant dense<0.000000e+00> : vector<1xf32>
    %reduce_sum3A_1461 = vector.multi_reduction <add>, %reduce_sum3A_1459, %reduce_sum3A_1460 [1, 2] : vector<1x784x128xf32> to vector<1xf32>
    %reduce_sum3A_1462 = vector.shape_cast %reduce_sum3A_1461 : vector<1xf32> to vector<1x1x1xf32>
    %reduce_sum3A_1463 = vector.extract %reduce_sum3A_1462[0, 0, 0] : f32 from vector<1x1x1xf32>
    %add3A_1464 = arith.constant 1.000000e-16 : f32
    %add3A_1465 = arith.addf %reduce_sum3A_1415, %add3A_1464 : f32
    %div3A_1466 = arith.divf %reduce_sum3A_1463, %add3A_1465 : f32
    %get3A_1467 = arith.constant 0 : index
    %get3A_1468 = arith.constant 7 : index
    %get3A_1469 = vector.load %arg9[%get3A_1467, %get3A_1468] : memref<1x8xf32, #tpu.memory_space<vmem>>, vector<1x1xf32>
    %get3A_1470 = vector.extract %get3A_1469[0, 0] : f32 from vector<1x1xf32>
    %add3A_1471 = arith.addf %div3A_1466, %get3A_1470 : f32
    %get3A_1472 = arith.constant 0 : index
    %get3A_1473 = arith.constant 0 : index
    %get3A_1474 = vector.load %arg10[%get3A_1472, %get3A_1473] : memref<16x2xf32, #tpu.memory_space<vmem>>, vector<1x1xf32>
    %get3A_1475 = vector.extract %get3A_1474[0, 0] : f32 from vector<1x1xf32>
    %mul3A_1476 = arith.mulf %add3A_1013, %get3A_1475 : f32
    %add3A_1477 = arith.constant 0.000000e+00 : f32
    %add3A_1478 = arith.addf %add3A_1477, %mul3A_1476 : f32
    %get3A_1479 = arith.constant 1 : index
    %get3A_1480 = arith.constant 0 : index
    %get3A_1481 = vector.load %arg10[%get3A_1479, %get3A_1480] : memref<16x2xf32, #tpu.memory_space<vmem>>, vector<1x1xf32>
    %get3A_1482 = vector.extract %get3A_1481[0, 0] : f32 from vector<1x1xf32>
    %mul3A_1483 = arith.mulf %add3A_1027, %get3A_1482 : f32
    %add3A_1484 = arith.addf %add3A_1478, %mul3A_1483 : f32
    %get3A_1485 = arith.constant 2 : index
    %get3A_1486 = arith.constant 0 : index
    %get3A_1487 = vector.load %arg10[%get3A_1485, %get3A_1486] : memref<16x2xf32, #tpu.memory_space<vmem>>, vector<1x1xf32>
    %get3A_1488 = vector.extract %get3A_1487[0, 0] : f32 from vector<1x1xf32>
    %mul3A_1489 = arith.mulf %add3A_1041, %get3A_1488 : f32
    %add3A_1490 = arith.addf %add3A_1484, %mul3A_1489 : f32
    %get3A_1491 = arith.constant 3 : index
    %get3A_1492 = arith.constant 0 : index
    %get3A_1493 = vector.load %arg10[%get3A_1491, %get3A_1492] : memref<16x2xf32, #tpu.memory_space<vmem>>, vector<1x1xf32>
    %get3A_1494 = vector.extract %get3A_1493[0, 0] : f32 from vector<1x1xf32>
    %mul3A_1495 = arith.mulf %add3A_1055, %get3A_1494 : f32
    %add3A_1496 = arith.addf %add3A_1490, %mul3A_1495 : f32
    %get3A_1497 = arith.constant 4 : index
    %get3A_1498 = arith.constant 0 : index
    %get3A_1499 = vector.load %arg10[%get3A_1497, %get3A_1498] : memref<16x2xf32, #tpu.memory_space<vmem>>, vector<1x1xf32>
    %get3A_1500 = vector.extract %get3A_1499[0, 0] : f32 from vector<1x1xf32>
    %mul3A_1501 = arith.mulf %add3A_1120, %get3A_1500 : f32
    %add3A_1502 = arith.addf %add3A_1496, %mul3A_1501 : f32
    %get3A_1503 = arith.constant 5 : index
    %get3A_1504 = arith.constant 0 : index
    %get3A_1505 = vector.load %arg10[%get3A_1503, %get3A_1504] : memref<16x2xf32, #tpu.memory_space<vmem>>, vector<1x1xf32>
    %get3A_1506 = vector.extract %get3A_1505[0, 0] : f32 from vector<1x1xf32>
    %mul3A_1507 = arith.mulf %add3A_1134, %get3A_1506 : f32
    %add3A_1508 = arith.addf %add3A_1502, %mul3A_1507 : f32
    %get3A_1509 = arith.constant 6 : index
    %get3A_1510 = arith.constant 0 : index
    %get3A_1511 = vector.load %arg10[%get3A_1509, %get3A_1510] : memref<16x2xf32, #tpu.memory_space<vmem>>, vector<1x1xf32>
    %get3A_1512 = vector.extract %get3A_1511[0, 0] : f32 from vector<1x1xf32>
    %mul3A_1513 = arith.mulf %add3A_1148, %get3A_1512 : f32
    %add3A_1514 = arith.addf %add3A_1508, %mul3A_1513 : f32
    %get3A_1515 = arith.constant 7 : index
    %get3A_1516 = arith.constant 0 : index
    %get3A_1517 = vector.load %arg10[%get3A_1515, %get3A_1516] : memref<16x2xf32, #tpu.memory_space<vmem>>, vector<1x1xf32>
    %get3A_1518 = vector.extract %get3A_1517[0, 0] : f32 from vector<1x1xf32>
    %mul3A_1519 = arith.mulf %add3A_1162, %get3A_1518 : f32
    %add3A_1520 = arith.addf %add3A_1514, %mul3A_1519 : f32
    %get3A_1521 = arith.constant 8 : index
    %get3A_1522 = arith.constant 0 : index
    %get3A_1523 = vector.load %arg10[%get3A_1521, %get3A_1522] : memref<16x2xf32, #tpu.memory_space<vmem>>, vector<1x1xf32>
    %get3A_1524 = vector.extract %get3A_1523[0, 0] : f32 from vector<1x1xf32>
    %mul3A_1525 = arith.mulf %add3A_1322, %get3A_1524 : f32
    %add3A_1526 = arith.addf %add3A_1520, %mul3A_1525 : f32
    %get3A_1527 = arith.constant 9 : index
    %get3A_1528 = arith.constant 0 : index
    %get3A_1529 = vector.load %arg10[%get3A_1527, %get3A_1528] : memref<16x2xf32, #tpu.memory_space<vmem>>, vector<1x1xf32>
    %get3A_1530 = vector.extract %get3A_1529[0, 0] : f32 from vector<1x1xf32>
    %mul3A_1531 = arith.mulf %add3A_1336, %get3A_1530 : f32
    %add3A_1532 = arith.addf %add3A_1526, %mul3A_1531 : f32
    %get3A_1533 = arith.constant 10 : index
    %get3A_1534 = arith.constant 0 : index
    %get3A_1535 = vector.load %arg10[%get3A_1533, %get3A_1534] : memref<16x2xf32, #tpu.memory_space<vmem>>, vector<1x1xf32>
    %get3A_1536 = vector.extract %get3A_1535[0, 0] : f32 from vector<1x1xf32>
    %mul3A_1537 = arith.mulf %add3A_1350, %get3A_1536 : f32
    %add3A_1538 = arith.addf %add3A_1532, %mul3A_1537 : f32
    %get3A_1539 = arith.constant 11 : index
    %get3A_1540 = arith.constant 0 : index
    %get3A_1541 = vector.load %arg10[%get3A_1539, %get3A_1540] : memref<16x2xf32, #tpu.memory_space<vmem>>, vector<1x1xf32>
    %get3A_1542 = vector.extract %get3A_1541[0, 0] : f32 from vector<1x1xf32>
    %mul3A_1543 = arith.mulf %add3A_1364, %get3A_1542 : f32
    %add3A_1544 = arith.addf %add3A_1538, %mul3A_1543 : f32
    %get3A_1545 = arith.constant 12 : index
    %get3A_1546 = arith.constant 0 : index
    %get3A_1547 = vector.load %arg10[%get3A_1545, %get3A_1546] : memref<16x2xf32, #tpu.memory_space<vmem>>, vector<1x1xf32>
    %get3A_1548 = vector.extract %get3A_1547[0, 0] : f32 from vector<1x1xf32>
    %mul3A_1549 = arith.mulf %add3A_1429, %get3A_1548 : f32
    %add3A_1550 = arith.addf %add3A_1544, %mul3A_1549 : f32
    %get3A_1551 = arith.constant 13 : index
    %get3A_1552 = arith.constant 0 : index
    %get3A_1553 = vector.load %arg10[%get3A_1551, %get3A_1552] : memref<16x2xf32, #tpu.memory_space<vmem>>, vector<1x1xf32>
    %get3A_1554 = vector.extract %get3A_1553[0, 0] : f32 from vector<1x1xf32>
    %mul3A_1555 = arith.mulf %add3A_1443, %get3A_1554 : f32
    %add3A_1556 = arith.addf %add3A_1550, %mul3A_1555 : f32
    %get3A_1557 = arith.constant 14 : index
    %get3A_1558 = arith.constant 0 : index
    %get3A_1559 = vector.load %arg10[%get3A_1557, %get3A_1558] : memref<16x2xf32, #tpu.memory_space<vmem>>, vector<1x1xf32>
    %get3A_1560 = vector.extract %get3A_1559[0, 0] : f32 from vector<1x1xf32>
    %mul3A_1561 = arith.mulf %add3A_1457, %get3A_1560 : f32
    %add3A_1562 = arith.addf %add3A_1556, %mul3A_1561 : f32
    %get3A_1563 = arith.constant 15 : index
    %get3A_1564 = arith.constant 0 : index
    %get3A_1565 = vector.load %arg10[%get3A_1563, %get3A_1564] : memref<16x2xf32, #tpu.memory_space<vmem>>, vector<1x1xf32>
    %get3A_1566 = vector.extract %get3A_1565[0, 0] : f32 from vector<1x1xf32>
    %mul3A_1567 = arith.mulf %add3A_1471, %get3A_1566 : f32
    %add3A_1568 = arith.addf %add3A_1562, %mul3A_1567 : f32
    %get3A_1569 = arith.constant 0 : index
    %get3A_1570 = arith.constant 0 : index
    %get3A_1571 = vector.load %arg11[%get3A_1569, %get3A_1570] : memref<1x2xf32, #tpu.memory_space<vmem>>, vector<1x1xf32>
    %get3A_1572 = vector.extract %get3A_1571[0, 0] : f32 from vector<1x1xf32>
    %add3A_1573 = arith.addf %add3A_1568, %get3A_1572 : f32
    %get3A_1574 = arith.constant 0 : index
    %get3A_1575 = arith.constant 1 : index
    %get3A_1576 = vector.load %arg10[%get3A_1574, %get3A_1575] : memref<16x2xf32, #tpu.memory_space<vmem>>, vector<1x1xf32>
    %get3A_1577 = vector.extract %get3A_1576[0, 0] : f32 from vector<1x1xf32>
    %mul3A_1578 = arith.mulf %add3A_1013, %get3A_1577 : f32
    %add3A_1579 = arith.constant 0.000000e+00 : f32
    %add3A_1580 = arith.addf %add3A_1579, %mul3A_1578 : f32
    %get3A_1581 = arith.constant 1 : index
    %get3A_1582 = arith.constant 1 : index
    %get3A_1583 = vector.load %arg10[%get3A_1581, %get3A_1582] : memref<16x2xf32, #tpu.memory_space<vmem>>, vector<1x1xf32>
    %get3A_1584 = vector.extract %get3A_1583[0, 0] : f32 from vector<1x1xf32>
    %mul3A_1585 = arith.mulf %add3A_1027, %get3A_1584 : f32
    %add3A_1586 = arith.addf %add3A_1580, %mul3A_1585 : f32
    %get3A_1587 = arith.constant 2 : index
    %get3A_1588 = arith.constant 1 : index
    %get3A_1589 = vector.load %arg10[%get3A_1587, %get3A_1588] : memref<16x2xf32, #tpu.memory_space<vmem>>, vector<1x1xf32>
    %get3A_1590 = vector.extract %get3A_1589[0, 0] : f32 from vector<1x1xf32>
    %mul3A_1591 = arith.mulf %add3A_1041, %get3A_1590 : f32
    %add3A_1592 = arith.addf %add3A_1586, %mul3A_1591 : f32
    %get3A_1593 = arith.constant 3 : index
    %get3A_1594 = arith.constant 1 : index
    %get3A_1595 = vector.load %arg10[%get3A_1593, %get3A_1594] : memref<16x2xf32, #tpu.memory_space<vmem>>, vector<1x1xf32>
    %get3A_1596 = vector.extract %get3A_1595[0, 0] : f32 from vector<1x1xf32>
    %mul3A_1597 = arith.mulf %add3A_1055, %get3A_1596 : f32
    %add3A_1598 = arith.addf %add3A_1592, %mul3A_1597 : f32
    %get3A_1599 = arith.constant 4 : index
    %get3A_1600 = arith.constant 1 : index
    %get3A_1601 = vector.load %arg10[%get3A_1599, %get3A_1600] : memref<16x2xf32, #tpu.memory_space<vmem>>, vector<1x1xf32>
    %get3A_1602 = vector.extract %get3A_1601[0, 0] : f32 from vector<1x1xf32>
    %mul3A_1603 = arith.mulf %add3A_1120, %get3A_1602 : f32
    %add3A_1604 = arith.addf %add3A_1598, %mul3A_1603 : f32
    %get3A_1605 = arith.constant 5 : index
    %get3A_1606 = arith.constant 1 : index
    %get3A_1607 = vector.load %arg10[%get3A_1605, %get3A_1606] : memref<16x2xf32, #tpu.memory_space<vmem>>, vector<1x1xf32>
    %get3A_1608 = vector.extract %get3A_1607[0, 0] : f32 from vector<1x1xf32>
    %mul3A_1609 = arith.mulf %add3A_1134, %get3A_1608 : f32
    %add3A_1610 = arith.addf %add3A_1604, %mul3A_1609 : f32
    %get3A_1611 = arith.constant 6 : index
    %get3A_1612 = arith.constant 1 : index
    %get3A_1613 = vector.load %arg10[%get3A_1611, %get3A_1612] : memref<16x2xf32, #tpu.memory_space<vmem>>, vector<1x1xf32>
    %get3A_1614 = vector.extract %get3A_1613[0, 0] : f32 from vector<1x1xf32>
    %mul3A_1615 = arith.mulf %add3A_1148, %get3A_1614 : f32
    %add3A_1616 = arith.addf %add3A_1610, %mul3A_1615 : f32
    %get3A_1617 = arith.constant 7 : index
    %get3A_1618 = arith.constant 1 : index
    %get3A_1619 = vector.load %arg10[%get3A_1617, %get3A_1618] : memref<16x2xf32, #tpu.memory_space<vmem>>, vector<1x1xf32>
    %get3A_1620 = vector.extract %get3A_1619[0, 0] : f32 from vector<1x1xf32>
    %mul3A_1621 = arith.mulf %add3A_1162, %get3A_1620 : f32
    %add3A_1622 = arith.addf %add3A_1616, %mul3A_1621 : f32
    %get3A_1623 = arith.constant 8 : index
    %get3A_1624 = arith.constant 1 : index
    %get3A_1625 = vector.load %arg10[%get3A_1623, %get3A_1624] : memref<16x2xf32, #tpu.memory_space<vmem>>, vector<1x1xf32>
    %get3A_1626 = vector.extract %get3A_1625[0, 0] : f32 from vector<1x1xf32>
    %mul3A_1627 = arith.mulf %add3A_1322, %get3A_1626 : f32
    %add3A_1628 = arith.addf %add3A_1622, %mul3A_1627 : f32
    %get3A_1629 = arith.constant 9 : index
    %get3A_1630 = arith.constant 1 : index
    %get3A_1631 = vector.load %arg10[%get3A_1629, %get3A_1630] : memref<16x2xf32, #tpu.memory_space<vmem>>, vector<1x1xf32>
    %get3A_1632 = vector.extract %get3A_1631[0, 0] : f32 from vector<1x1xf32>
    %mul3A_1633 = arith.mulf %add3A_1336, %get3A_1632 : f32
    %add3A_1634 = arith.addf %add3A_1628, %mul3A_1633 : f32
    %get3A_1635 = arith.constant 10 : index
    %get3A_1636 = arith.constant 1 : index
    %get3A_1637 = vector.load %arg10[%get3A_1635, %get3A_1636] : memref<16x2xf32, #tpu.memory_space<vmem>>, vector<1x1xf32>
    %get3A_1638 = vector.extract %get3A_1637[0, 0] : f32 from vector<1x1xf32>
    %mul3A_1639 = arith.mulf %add3A_1350, %get3A_1638 : f32
    %add3A_1640 = arith.addf %add3A_1634, %mul3A_1639 : f32
    %get3A_1641 = arith.constant 11 : index
    %get3A_1642 = arith.constant 1 : index
    %get3A_1643 = vector.load %arg10[%get3A_1641, %get3A_1642] : memref<16x2xf32, #tpu.memory_space<vmem>>, vector<1x1xf32>
    %get3A_1644 = vector.extract %get3A_1643[0, 0] : f32 from vector<1x1xf32>
    %mul3A_1645 = arith.mulf %add3A_1364, %get3A_1644 : f32
    %add3A_1646 = arith.addf %add3A_1640, %mul3A_1645 : f32
    %get3A_1647 = arith.constant 12 : index
    %get3A_1648 = arith.constant 1 : index
    %get3A_1649 = vector.load %arg10[%get3A_1647, %get3A_1648] : memref<16x2xf32, #tpu.memory_space<vmem>>, vector<1x1xf32>
    %get3A_1650 = vector.extract %get3A_1649[0, 0] : f32 from vector<1x1xf32>
    %mul3A_1651 = arith.mulf %add3A_1429, %get3A_1650 : f32
    %add3A_1652 = arith.addf %add3A_1646, %mul3A_1651 : f32
    %get3A_1653 = arith.constant 13 : index
    %get3A_1654 = arith.constant 1 : index
    %get3A_1655 = vector.load %arg10[%get3A_1653, %get3A_1654] : memref<16x2xf32, #tpu.memory_space<vmem>>, vector<1x1xf32>
    %get3A_1656 = vector.extract %get3A_1655[0, 0] : f32 from vector<1x1xf32>
    %mul3A_1657 = arith.mulf %add3A_1443, %get3A_1656 : f32
    %add3A_1658 = arith.addf %add3A_1652, %mul3A_1657 : f32
    %get3A_1659 = arith.constant 14 : index
    %get3A_1660 = arith.constant 1 : index
    %get3A_1661 = vector.load %arg10[%get3A_1659, %get3A_1660] : memref<16x2xf32, #tpu.memory_space<vmem>>, vector<1x1xf32>
    %get3A_1662 = vector.extract %get3A_1661[0, 0] : f32 from vector<1x1xf32>
    %mul3A_1663 = arith.mulf %add3A_1457, %get3A_1662 : f32
    %add3A_1664 = arith.addf %add3A_1658, %mul3A_1663 : f32
    %get3A_1665 = arith.constant 15 : index
    %get3A_1666 = arith.constant 1 : index
    %get3A_1667 = vector.load %arg10[%get3A_1665, %get3A_1666] : memref<16x2xf32, #tpu.memory_space<vmem>>, vector<1x1xf32>
    %get3A_1668 = vector.extract %get3A_1667[0, 0] : f32 from vector<1x1xf32>
    %mul3A_1669 = arith.mulf %add3A_1471, %get3A_1668 : f32
    %add3A_1670 = arith.addf %add3A_1664, %mul3A_1669 : f32
    %get3A_1671 = arith.constant 0 : index
    %get3A_1672 = arith.constant 1 : index
    %get3A_1673 = vector.load %arg11[%get3A_1671, %get3A_1672] : memref<1x2xf32, #tpu.memory_space<vmem>>, vector<1x1xf32>
    %get3A_1674 = vector.extract %get3A_1673[0, 0] : f32 from vector<1x1xf32>
    %add3A_1675 = arith.addf %add3A_1670, %get3A_1674 : f32
    %stack3A = vector.broadcast %add3A_1573 : f32 to vector<1xf32>
    %stack3A_1676 = vector.broadcast %add3A_1675 : f32 to vector<1xf32>
    %stack3A_1677 = tpu.concatenate %stack3A, %stack3A_1676 in 0 : vector<1xf32>, vector<1xf32> -> vector<2xf32>
    %reshape3A = vector.shape_cast %stack3A_1677 : vector<2xf32> to vector<1x2xf32>
    %swap3A = arith.constant 0 : index
    %swap3A_1678 = arith.constant 0 : index
    %swap3A_1679 = vector.load %arg13[%swap3A, %swap3A_1678] : memref<1x2xf32, #tpu.memory_space<vmem>>, vector<1x2xf32>
    tpu.vector_store %arg13[%swap3A, %swap3A_1678], %reshape3A {strides = array<i32>} : memref<1x2xf32, #tpu.memory_space<vmem>>, vector<1x2xf32>,
    return
  }
}

</mosaic_0001>

<sc_bundles>
// kernel: kernel.5.cloned.1.call-start
scs
__scs_entry_jumppad:
0x0: {  	(pc) =	sbr.rel $0x88, $3  }
0x1: {  	(tag) =	ssettag $0x0;
	lr =	simm.s32 $0x1  }
0x2: {  	[smem:$0x3F93] =	sst lr;
	_ =	strace $0xD0000000  }
0x3: {  	_ = 	snop  }
0x4: {  	_ = 	snop  }
0x5: {  	_ = 	snop  }
0x6: {  	_ = 	snop  }
0x7: {  	_ = 	snop  }
__scs_overlays_trampoline_lowered:
0x8: {  	[smem:$0x3FA2] =	sst s0  }
0x9: {  	[smem:$0x3FA3] =	sst s1  }
0xa: {  	[smem:$0x3FA4] =	sst s2  }
0xb: {  	[smem:$0x3FA5] =	sst s3  }
0xc: {  	[smem:$0x3FA6] =	sst s4  }
0xd: {  	[smem:$0x3FA7] =	sst s5  }
0xe: {  	[smem:$0x3FA8] =	sst s6  }
0xf: {  	[smem:$0x3FA9] =	sst s7  }
0x10: {  	[smem:$0x3FAA] =	sst s8  }
0x11: {  	[smem:$0x3FAB] =	sst s9;
	s0 =	simm.s32 @!p0 $0x0  }
0x12: {  	s1 =	sld [smem:$0x3F91];
	s0 =	simm.s32 @p0 $0x1  }
0x13: {  	[smem:$0x3FAC] =	sst s0;
	s0 =	simm.s32 @!p1 $0x0  }
0x14: {  	s2 =	sld [smem:$0x3F90];
	s0 =	simm.s32 @p1 $0x1  }
0x15: {  	[smem:$0x3FAD] =	sst s0;
	s0 =	simm.s32 @!p2 $0x0  }
0x16: {  	s3 =	sld [smem:$0x3FDB];
	s0 =	simm.s32 @p2 $0x1  }
0x17: {  	s4 =	simm.s32 $0x1BF5;
	[smem:$0x3FAF] =	sst s0  }
0x18: {  	s0 =	sld [smem:$0x3F92];
	_ =	swait.ge [sflag:s4], $0x0  }
0x19: {  	s7 =	sld [smem:$0x3F93]  }
0x1a: {  	s8 =	sadd.s32 $0xFFFFE003, lr  }
0x1b: {  	s9 =	sadd.s32 $0xFFFFFEF7, lr;
	s5 =	simm.s32 $0xFFFFFFFF;
	p2 =	slt.u32 s8, $0xFFFFF086  }
0x1c: {  	p1 =	slt.u32 s9, $0xF7A;
	s5 =	simm.s32 @!p2 $0x0  }
0x1d: {  	s5 =	simm.s32 @p1 $0x1;
	p0 =	seq.s32 s7, s2  }
0x1e: {  	s7 =	smul.u32 @!p0 $0xF7A, s2;
	p2 =	seq.s32 @!p0 s5, $0x0  }
0x1f: {  	s9 =	smul.u32 $0xF7A, s1;
	s8 =	simm.s32 @!p0 $0x1BF5;
	p2 =	por !p2, p0  }
0x20: {  	[sflag:s8] =	ssyncset.s32 @!p0 $0xFFFFF086;
	s6 =	sadd.s32 @!p0 s3, s7;
	s7 =	simm.s32 @!p0 $0x108  }
0x21: {  	s3 =	sadd.s32 s3, s9;
	s6 =	sadd.s32 @!p0 $0x88, s6;
	s7 =	simm.s32 @p2 $0x1082  }
0x22: {  	[simem:s7], [sflag:s8] =	dma.local @!p0 [hbm:s6], $0xF7A  }
0x23: {  	s9 =	sor.u32 $0xD0000000, s2;
	s6 =	simm.s32 $0x108;
	_ =	swait.ge @!p0 [sflag:s8], $0x0  }
0x24: {  	s3 =	sadd.s32 $0x88, s3;
	s6 =	simm.s32 @!p1 $0x1082;
	[sflag:s4] =	ssyncset.s32 $0xFFFFF086  }
0x25: {  	[simem:s6], [sflag:s4] =	dma.local [hbm:s3], $0xF7A  }
0x26: {  	[smem:$0x3F93] =	sst s1;
	(tag) =	ssettag s2;
	_ =	strace s9  }
0x27: {  	s1 =	sld [smem:$0x3FA3]  }
0x28: {  	s2 =	sld [smem:$0x3FA4]  }
0x29: {  	s4 =	sld [smem:$0x3FA6]  }
0x2a: {  	p0 =	seq.s32 s5, $0x0;
	s5 =	sld [smem:$0x3FA7]  }
0x2b: {  	s6 =	sld [smem:$0x3FA8]  }
0x2c: {  	s7 =	sld [smem:$0x3FA9]  }
0x2d: {  	s3 =	simm.s32 $0x108;
	s8 =	sld [smem:$0x3FAA]  }
0x2e: {  	s3 =	simm.s32 @!p0 $0x1082;
	s9 =	sld [smem:$0x3FAB]  }
0x2f: {  	lr =	sadd.s32 s0, s3;
	s0 =	sld [smem:$0x3FA2]  }
0x30: {  	s3 =	sld [smem:$0x3FA5]  }
0x31: {  	[smem:$0x3FAE] =	sst s10  }
0x32: {  	s10 =	sld [smem:$0x3FAC];
	_ =	sdelay $0x3  }
0x33: {  	p0 =	seq.s32 s10, $0x1;
	s10 =	sld [smem:$0x3FAE];
	_ =	sdelay $0x3  }
0x34: {  	[smem:$0x3FAE] =	sst s10  }
0x35: {  	s10 =	sld [smem:$0x3FAD];
	_ =	sdelay $0x3  }
0x36: {  	p1 =	seq.s32 s10, $0x1;
	s10 =	sld [smem:$0x3FAE];
	_ =	sdelay $0x3  }
0x37: {  	[smem:$0x3FAE] =	sst s10  }
0x38: {  	s10 =	sld [smem:$0x3FAF]  }
0x39: {  	_ = 	snop;
	(pc) =	sbr.ind lr, $3  }
0x3a: {  	_ = 	snop  }
0x3b: {  	_ = 	snop  }
0x3c: {  	p2 =	seq.s32 s10, $0x1;
	s10 =	sld [smem:$0x3FAE]  }
0x3d: {  	_ =	shalt  }
0x3e: {  	_ =	shalt  }
0x3f: {  	_ =	shalt  }
0x40: {  	_ =	shalt  }
0x41: {  	_ =	shalt  }
0x42: {  	_ =	shalt  }
0x43: {  	_ =	shalt  }
0x44: {  	_ =	shalt  }
0x45: {  	_ =	shalt  }
0x46: {  	_ =	shalt  }
0x47: {  	_ =	shalt  }
0x48: {  	_ =	shalt  }
0x49: {  	_ =	shalt  }
0x4a: {  	_ =	shalt  }
0x4b: {  	_ =	shalt  }
0x4c: {  	_ =	shalt  }
0x4d: {  	_ =	shalt  }
0x4e: {  	_ =	shalt  }
0x4f: {  	_ =	shalt  }
0x50: {  	_ =	shalt  }
0x51: {  	_ =	shalt  }
0x52: {  	_ =	shalt  }
0x53: {  	_ =	shalt  }
0x54: {  	_ =	shalt  }
0x55: {  	_ =	shalt  }
0x56: {  	_ =	shalt  }
0x57: {  	_ =	shalt  }
0x58: {  	_ =	shalt  }
0x59: {  	_ =	shalt  }
0x5a: {  	_ =	shalt  }
0x5b: {  	_ =	shalt  }
0x5c: {  	_ =	shalt  }
0x5d: {  	_ =	shalt  }
0x5e: {  	_ =	shalt  }
0x5f: {  	_ =	shalt  }
0x60: {  	_ =	shalt  }
0x61: {  	_ =	shalt  }
0x62: {  	_ =	shalt  }
0x63: {  	_ =	shalt  }
0x64: {  	_ =	shalt  }
0x65: {  	_ =	shalt  }
0x66: {  	_ =	shalt  }
0x67: {  	_ =	shalt  }
0x68: {  	_ =	shalt  }
0x69: {  	_ =	shalt  }
0x6a: {  	_ =	shalt  }
0x6b: {  	_ =	shalt  }
0x6c: {  	_ =	shalt  }
0x6d: {  	_ =	shalt  }
0x6e: {  	_ =	shalt  }
0x6f: {  	_ =	shalt  }
0x70: {  	_ =	shalt  }
0x71: {  	_ =	shalt  }
0x72: {  	_ =	shalt  }
0x73: {  	_ =	shalt  }
0x74: {  	_ =	shalt  }
0x75: {  	_ =	shalt  }
0x76: {  	_ =	shalt  }
0x77: {  	_ =	shalt  }
0x78: {  	_ =	shalt  }
0x79: {  	_ =	shalt  }
0x7a: {  	_ =	shalt  }
0x7b: {  	_ =	shalt  }
0x7c: {  	_ =	shalt  }
0x7d: {  	_ =	shalt  }
0x7e: {  	_ =	shalt  }
0x7f: {  	_ =	shalt  }
0x80: {  	_ =	shalt  }
0x81: {  	_ =	shalt  }
0x82: {  	_ =	shalt  }
0x83: {  	_ =	shalt  }
0x84: {  	_ =	shalt  }
0x85: {  	_ =	shalt  }
0x86: {  	_ =	shalt  }
0x87: {  	_ =	shalt  }
.Lfunc_end0:
.L_simem_size_0:
called_computation_lowered:
.L_overlay_start_0:
0x88: {  	s2 =	sld [smem:$0x3FD9]  }
0x89: {  	s3 =	sld [smem:$0x3FFE];
	_ =	sdelay $0x1  }
0x8a: {  	s1 =	srdreg.scid  }
0x8b: {  	s0 =	sand.u32 $0x1, s1  }
0x8c: {  	s16 =	sshll.u32 s0, $0xA;
	s2 =	sadd.s32 s3, s2  }
0x8d: {  	s2 =	sadd.s32 s2, s16  }
0x8e: {  	[smem:$0x3FBA] =	sst s2  }
0x8f: {  	_ = 	snop  }
0x90: {  	(tm) =	ssettm $0x1  }
0x91: {  	s17 =	sld [smem:$0x3FFB];
	_ =	sdelay $0x3  }
0x92: {  	_ =	strace s17  }
0x93: {  	s2 =	sld [smem:$0x3FFC];
	_ =	sdelay $0x3  }
0x94: {  	_ =	strace s2  }
0x95: {  	s2 =	sld [smem:$0x3FFD];
	_ =	sdelay $0x3  }
0x96: {  	_ =	strace s2  }
0x97: {  	_ =	strace $0x8FFFFFFF  }
0x98: {  	s18 =	sld [smem:$0x3FDB];
	_ =	sdelay $0x1  }
0x99: {  	s19 =	simm.s32 $_scs_section_size  }
0x9a: {  	s4 =	simm.s32 $_size__tile_overlayer_lowered;
	s5 =	simm.s32 $_tile_overlayer_lowered  }
0x9b: {  	s22 =	simm.s32 $0x1BFF;
	s21 =	sshll.u32 s5, $0x1;
	s2 =	sadd.s32 s19, s18  }
0x9c: {  	s6 =	simm.s32 $0x0;
	s20 =	sshll.u32 s4, $0x1;
	s4 =	sadd.s32 s21, s2  }
0x9d: {  	[timem:s6], [sflag:s22] =	dma.local [hbm:s4], s20  }
0x9e: {  	_ =	swait.ge [sflag:s22], s20  }
0x9f: {  	s3 =	ssub.s32 $0x0, s20;
	[sflag:s22] =	ssyncset.done $0x0  }
0xa0: {  	[sflag:s22] =	ssyncadd.s32 s3;
	_ =	sdelay $0x1  }
0xa1: {  	s23 =	simm.s32 $0x1B8B  }
0xa2: {  	_ =	swait.ge [sflag:s23], $0x1  }
0xa3: {  	[sflag:s23] =	ssyncset.done $0x0  }
0xa4: {  	s25 =	simm.s32 $0x1B8E;
	s24 =	sld [smem:$0x3FFE];
	[sflag:s23] =	ssyncadd.s32 $0xFFFFFFFF  }
0xa5: {  	s26 =	simm.s32 $execute0_lowered;
	[smem:$0x3FD2] =	sst s25  }
0xa6: {  	s4 =	sshll.u32 s26, $0x1;
	_ =	strace $0x80000046;
	[dreg:$0x1] =	wrdreg $0xFFFFFFFF  }
0xa7: {  	s28 =	simm.s32 $_size_execute0_lowered;
	s2 =	sadd.s32 s2, s4;
	[dreg:$0x0] =	wrdreg $0x0  }
0xa8: {  	s4 =	sshll.u32 s28, $0x1;
	[dreg:$0x2] =	wrdreg s2  }
0xa9: {  	[dreg:$0x3] =	wrdreg s4  }
0xaa: {  	[dreg:$0x4] =	wrdreg $0xC0  }
0xab: {  	_ =	task [dreg:s6], $0x5FFFF  }
0xac: {  	[dreg:$0x1] =	wrdreg $0xFFFFFFFF  }
0xad: {  	[dreg:$0x0] =	wrdreg $0x60  }
0xae: {  	[dreg:$0x2] =	wrdreg s24  }
0xaf: {  	[dreg:$0x3] =	wrdreg $0x0  }
0xb0: {  	[dreg:$0x4] =	wrdreg $0x9  }
0xb1: {  	_ =	task.clear_ibuf [dreg:s6], $0x5FFFF;
	_ =	strace $0x90000046  }
0xb2: {  	s29 =	simm.s32 $0x9;
	_ =	strace $0x80000048  }
0xb3: {  	_ =	swait.ge [sflag:s29], $0x1  }
0xb4: {  	[sflag:s29] =	ssyncadd.s32 $0xFFFFFFFF  }
0xb5: {  	_ =	strace $0x90000048  }
0xb6: {  	_ =	sfence  }
0xb7: {  	s30 =	sld [smem:$0x0];
	_ =	sdelay $0x2  }
0xb8: {  	s31 =	sshll.u32 s1, $0xD;
	s1 =	sshrl.u32 s1, $0x2  }
0xb9: {  	s3 =	sand.u32 $0x4000, s31;
	s1 =	sadd.s32 s1, s30  }
0xba: {  	s0 =	sor.u32 s3, s0;
	s1 =	sshll.u32 s1, $0x11  }
0xbb: {  	s0 =	sor.u32 s1, s0  }
0xbc: {  	s0 =	sadd.s32 $0x8F2B, s0  }
0xbd: {  	[sflag:s0] =	ssyncadd.remote.s32 $0x1  }
0xbe: {  	_ =	sfence.sel $0xFFFF  }
0xbf: {  	[dreg:$0x0] =	wrdreg $0xFFFFFFFF;
	(pc) =	sbr.abs _section_cstart, $3  }
0xc0: {  	[dreg:$0x1] =	wrdreg $0xFFFFFFFF  }
0xc1: {  	_ =	task.clear_ibuf [dreg:s6], $0x2FFFF;
	_ =	strace $0x9FFFFFFF  }
0xc2: {  	(tm) =	ssettm $0x7FFFFFFF  }
0xc3: {  	_ =	shalt  }
tec
execute0_lowered:
.L_overlay_start_1:
0x0: {  	(tag) =	ssettag $0x1  }
0x1: {  	s0 =	rddreg [dreg:$0x0]  }
0x2: {  	s1 =	rddreg [dreg:$0x1];
	s2 =	simm.s32 $0x0  }
0x3: {  	s5 =	srdreg.scid;
	s26 =	stileid.u32;
	s17 =	simm.s32 $0x18F00  }
0x4: {  	s18 =	simm.s32 $0x2;
	s21 =	simm.s32 $0x9300;
	s22 =	simm.s32 $0xA300  }
0x5: {  	s23 =	simm.s32 $0xFA0;
	s24 =	simm.s32 $0xB300;
	s28 =	simm.s32 $0x5DC0  }
0x6: {  	s29 =	simm.s32 $0xD300;
	s30 =	simm.s32 $0x13100;
	s31 =	simm.s32 $0x0  }
0x7: {  	[smem:$0x7FF] =	sst s2;
	s3 =	sadd.s32 $0x66C00, s0;
	s4 =	sadd.s32 $0x5000, s0  }
0x8: {  	s6 =	sadd.s32 $0x1C00, s0;
	s7 =	sadd.s32 $0xC8800, s0;
	s5 =	sand.u32 $0x1, s5  }
0x9: {  	s25 =	sadd.s32 $0xC8A00, s0;
	_ =	strace $0x80000047;
	[dreg:$0x3] =	wrdreg s7  }
0xa: {  	s13 =	smul.u32 $0x9300, s26;
	s0 =	sadd.s32 $0xC8C00, s0;
	[dreg:$0x4] =	wrdreg s25  }
0xb: {  	s9 =	ssub.s32 $0x2, s5;
	s11 =	sshll.u32 s5, $0x4;
	s5 =	smul.u32 $0x93000, s5  }
0xc: {  	s25 =	simm.s32 $0x1;
	s10 =	sshrl.u32 s9, $0x1;
	s12 =	sor.u32 s26, s11  }
0xd: {  	s14 =	sadd.s32 $0x3100, s13;
	s15 =	sadd.s32 $0x6200, s13;
	s26 =	simm.s32 $0xC300  }
0xe: {  	s16 =	ssub.s32 s9, s10;
	s9 =	sadd.s32 s13, s1;
	s10 =	sadd.s32 s14, s1  }
0xf: {  	s11 =	sadd.s32 s15, s1;
	s12 =	smul.u32 $0x186A0, s12;
	s13 =	sadd.s32 s13, s5  }
0x10: {  	s14 =	sadd.s32 s5, s14;
	s5 =	sadd.s32 s5, s15;
	s13 =	sshrl.u32 s13, $0x3  }
0x11: {  	s14 =	sshrl.u32 s14, $0x3;
	s5 =	sshrl.u32 s5, $0x3;
	s16 =	smax.u32 s16, $0x1  }
0x12: {  	v0 =	vimm.f32 $0.0e+00;
	s13 =	sadd.s32 s0, s13;
	s14 =	sadd.s32 s0, s14;
	s15 =	sadd.s32 s0, s5  }
.LBB2_1:
0x13: {  	s0 =	simm.s32 $0x40;
	s5 =	simm.s32 $0x0  }
.LBB2_2:
0x14: {  	p0 =	sne.s32 s0, $0xC3C0;
	[tilespmem:s5+$0x18F00] =	vst v0;
	s5 =	smov.u32 s0;
	s0 =	sadd.s32 $0x40, s0  }
.Ltmp0:
0x15: {  	(pc) =	sbr.rel @p0 .LBB2_2-.Ltmp0, $2  }
0x16: {  	_ =	sdelay $0x2  }
0x17: {  	s5 =	sshra.s32 s5, $0x2  }
0x18: {  	[tilespmem:s5+$0x18F00] =	vst v0  }
0x19: {  	[spmem:s9] =	stream.linear.scatter [tilespmem:s17], [sflag:$0x2], $0x3100, $0x38;
	[tilespmem:$0x1C500] =	vst v63  }
0x1a: {  	_ =	swait.ge [sflag:s18], $0x3100  }
0x1b: {  	[sflag:s18] =	ssyncset.done $0x0  }
0x1c: {  	[sflag:s18] =	ssyncadd.s32 $0xFFFFCF00  }
0x1d: {  	[spmem:s10] =	stream.linear.scatter [tilespmem:s17], [sflag:$0x2], $0x3100, $0x38;
	[tilespmem:$0x1C500] =	vst v63  }
0x1e: {  	_ =	swait.ge [sflag:s18], $0x3100  }
0x1f: {  	[sflag:s18] =	ssyncset.done $0x0  }
0x20: {  	[sflag:s18] =	ssyncadd.s32 $0xFFFFCF00  }
0x21: {  	[spmem:s11] =	stream.linear.scatter [tilespmem:s17], [sflag:$0x2], $0x3100, $0x38;
	[tilespmem:$0x1C500] =	vst v63  }
0x22: {  	_ =	swait.ge [sflag:s18], $0x3100  }
0x23: {  	[sflag:s18] =	ssyncset.done $0x0  }
0x24: {  	s8 =	simm.s32 $0x1C000;
	s0 =	rddreg [dreg:$0x3];
	[sflag:s18] =	ssyncadd.s32 $0xFFFFCF00  }
0x25: {  	[tilespmem:s8], [sflag:$0x2] =	stream.linear.gather [hbm4b:s0+s31], $0x400, $0x38;
	[tilespmem:$0x1C500] =	vst v63  }
0x26: {  	_ =	swait.ge [sflag:s18], $0x400  }
0x27: {  	[sflag:s18] =	ssyncset.done $0x0  }
0x28: {  	s20 =	simm.s32 $0x1C400;
	s19 =	rddreg [dreg:$0x4];
	[sflag:s18] =	ssyncadd.s32 $0xFFFFFC00  }
0x29: {  	[tilespmem:s20], [sflag:$0x2] =	stream.linear.gather [hbm4b:s19+s31], $0x100, $0x38;
	[tilespmem:$0x1C500] =	vst v63  }
0x2a: {  	_ =	swait.ge [sflag:s18], $0x100  }
0x2b: {  	[sflag:s18] =	ssyncset.done $0x0  }
0x2c: {  	[sflag:s18] =	ssyncadd.s32 $0xFFFFFF00  }
0x2d: {  	[bflag:$0x0] =	sbarrier.arrive $0xFFFF  }
0x2e: {  	v1 =	vld [tilespmem:$0x1C000]  }
0x2f: {  	v2 =	vld [tilespmem:$0x1C080]  }
0x30: {  	v3 =	vld [tilespmem:$0x1C100]  }
0x31: {  	v4 =	vld [tilespmem:$0x1C180]  }
0x32: {  	v5 =	vld [tilespmem:$0x1C200]  }
0x33: {  	v6 =	vld [tilespmem:$0x1C280]  }
0x34: {  	v7 =	vld [tilespmem:$0x1C400]  }
0x35: {  	s0 =	simm.s32 $0x0;
	v8 =	vld [tilespmem:$0x1C480]  }
.LBB2_4:
0x36: {  	s5 =	smul.u32 $0xFA0, s0;
	_ =	sdelay $0x1  }
0x37: {  	s5 =	sadd.s32 s12, s5  }
0x38: {  	s5 =	sshrl.u32 s5, $0x3  }
0x39: {  	s19 =	sadd.s32 s3, s5  }
0x3a: {  	[tilespmem:s21], [sflag:$0x2] =	stream.linear.gather [hbm4b:s19+s31], $0xFA0, $0x38;
	[tilespmem:$0x1C500] =	vst v63  }
0x3b: {  	_ =	swait.ge [sflag:s18], $0xFA0  }
0x3c: {  	[sflag:s18] =	ssyncset.done $0x0  }
0x3d: {  	s5 =	sadd.s32 s4, s5;
	[sflag:s18] =	ssyncadd.s32 $0xFFFFF060  }
0x3e: {  	[tilespmem:s22], [sflag:$0x2] =	stream.linear.gather [hbm4b:s5+s31], $0xFA0, $0x38;
	[tilespmem:$0x1C500] =	vst v63  }
0x3f: {  	_ =	swait.ge [sflag:s18], $0xFA0  }
0x40: {  	[sflag:s18] =	ssyncset.done $0x0  }
0x41: {  	[sflag:s18] =	ssyncadd.s32 $0xFFFFF060  }
0x42: {  	[tilespmem:s24], [sflag:$0x1] =	stream.indirect.gather [hbm4b:s6+s23], $0x1, s21, s23, $0xb8;
	[tilespmem:$0x1C500] =	vst v63  }
0x43: {  	_ =	swait.ge [sflag:s25], $0xFA0  }
0x44: {  	[sflag:s25] =	ssyncset.done $0x0  }
0x45: {  	[sflag:s25] =	ssyncadd.s32 $0xFFFFF060  }
0x46: {  	[tilespmem:s26], [sflag:$0x1] =	stream.indirect.gather [hbm4b:s6+s23], $0x1, s22, s23, $0xb8;
	[tilespmem:$0x1C500] =	vst v63  }
0x47: {  	_ =	swait.ge [sflag:s25], $0xFA0  }
0x48: {  	[sflag:s25] =	ssyncset.done $0x0  }
0x49: {  	s8 =	simm.s32 $0x0;
	[sflag:s25] =	ssyncadd.s32 $0xFFFFF060  }
0x4a: {  	v9 =	vld [tilespmem:s8+$0xB300]  }
0x4b: {  	v10 =	vld [tilespmem:s8+$0xC300];
	_ =	sdelay $0x4  }
0x4c: {  	v11 =	vmul.f32 v10, v3;
	v12 =	vmul.f32 v9, v1  }
0x4d: {  	v10 =	vmul.f32 v10, v4;
	v13 =	vmul.f32 v9, v2  }
0x4e: {  	v12 =	vadd.f32 v11, v12;
	v11 =	vadd.f32 v11, v5  }
0x4f: {  	v13 =	vadd.f32 v10, v13  }
0x50: {  	v10 =	vadd.f32 v10, v6;
	v14 =	vmul.f32 $2.000000030e-01, v12;
	v15 =	vmul.f32 $2.000000030e-01, v11  }
0x51: {  	v16 =	vmul.f32 $2.000000030e-01, v13  }
0x52: {  	v17 =	vmul.f32 $2.000000030e-01, v10;
	v12 =	vmax.f32 v12, v14;
	v11 =	vmax.f32 v11, v15  }
0x53: {  	v11 =	vsub.f32 v12, v11  }
0x54: {  	v61 =	vmax.f32 v13, v16;
	v10 =	vmax.f32 v10, v17  }
0x55: {  	v10 =	vsub.f32 v61, v10;
	v11 =	vmul.f32 $1.442695020e+00, v11;
	_ =	sdelay $0x1  }
0x56: {  	v10 =	vmul.f32 $1.442695020e+00, v10;
	(erf) = vpow2.f32 v11;
	v11 =	vld [tilespmem:s8+$0xA300];
	_ =	sdelay $0x1  }
0x57: {  	(erf) = vpow2.f32 v10;
	_ =	sdelay $0x2  }
0x58: {  	v10 =	vadd.s32 $0x31000, v11  }
0x59: {  	[tilespmem:s8+$0xF240] =	vst v10;
	v10 =	vadd.s32 $0x18800, v11  }
0x5a: {  	[tilespmem:s8+$0xE2A0] =	vst v10;
	v10 =	vadd.s32 $0x49800, v11;
	_ =	sdelay $0x1  }
0x5b: {  	[tilespmem:s8+$0xD300] =	vst v11  }
0x5c: {  	v62 =	vld [tilespmem:s8+$0x9300];
	[tilespmem:s8+$0x101E0] =	vst v10;
	v10 =	vpop (erf)  }
0x5d: {  	[tilespmem:s8+$0x13100] =	vst v10;
	v10 =	vmul.f32 v10, v9;
	v63 =	vpop (erf)  }
0x5e: {  	[tilespmem:s8+$0x140A0] =	vst v63;
	v9 =	vmul.f32 v63, v9  }
0x5f: {  	vm0 =	veq.s32 v11, v7;
	[tilespmem:s8+$0x15040] =	vst v10  }
0x60: {  	s20 =	sand.u32 $0xFF0, s31;
	[tilespmem:s8+$0x15FE0] =	vst v9;
	v9 =	vsel vm0, $0x3F800000, v0  }
0x61: {  	vm15 =	veq.s32 v11, v8;
	v10 =	vadd.s32 $0x62000, v62;
	[tilespmem:s20+$0x16F80] =	vst v9  }
0x62: {  	s19 =	simm.s32 $0x10;
	[tilespmem:s20+$0x11180] =	vst v10;
	v10 =	vsel vm15, $0x3F800000, v0  }
0x63: {  	v9 =	vld [tilespmem:s19+$0xB300];
	[tilespmem:s8+$0x17F20] =	vst v10;
	v10 =	vadd.s32 $0x7A800, v62  }
0x64: {  	v11 =	vld [tilespmem:s19+$0xC300];
	[tilespmem:s8+$0x12120] =	vst v10  }
0x65: {  	s5 =	simm.s32 $0x0;
	s20 =	simm.s32 $0x80;
	v10 =	vld [tilespmem:s19+$0x9300]  }
.LBB2_5:
0x66: {  	p0 =	sne.s32 s20, $0x3E40;
	_ =	sdelay $0x2  }
0x67: {  	v13 =	vmul.f32 v9, v1;
	v12 =	vmul.f32 v11, v3  }
0x68: {  	v14 =	vmul.f32 v9, v2;
	v11 =	vmul.f32 v11, v4;
	v15 =	vadd.s32 $0x7A800, v10  }
0x69: {  	v10 =	vadd.s32 $0x62000, v10;
	v13 =	vadd.f32 v12, v13;
	v12 =	vadd.f32 v12, v5  }
0x6a: {  	v14 =	vadd.f32 v11, v14;
	v11 =	vadd.f32 v11, v6  }
0x6b: {  	v16 =	vmul.f32 $2.000000030e-01, v13;
	v17 =	vmul.f32 $2.000000030e-01, v12  }
0x6c: {  	v18 =	vmul.f32 $2.000000030e-01, v14;
	v19 =	vmul.f32 $2.000000030e-01, v11  }
0x6d: {  	v13 =	vmax.f32 v13, v16;
	v12 =	vmax.f32 v12, v17  }
0x6e: {  	v11 =	vmax.f32 v11, v19;
	v12 =	vsub.f32 v13, v12;
	v13 =	vmax.f32 v14, v18  }
0x6f: {  	v11 =	vsub.f32 v13, v11  }
0x70: {  	v12 =	vmul.f32 $1.442695020e+00, v12  }
0x71: {  	v11 =	vmul.f32 $1.442695020e+00, v11  }
0x72: {  	(erf) = vpow2.f32 v12  }
0x73: {  	v12 =	vld [tilespmem:s19+$0xA300];
	(erf) = vpow2.f32 v11;
	_ =	sdelay $0x4  }
0x74: {  	[tilespmem:s19+$0xD300] =	vst v12;
	v11 =	vadd.s32 $0x31000, v12;
	vm0 =	veq.s32 v12, v8  }
0x75: {  	v16 =	vadd.s32 $0x18800, v12;
	[tilespmem:s19+$0xF240] =	vst v11;
	v13 =	vsel vm0, $0x3F800000, v0  }
0x76: {  	[tilespmem:s19+$0xE2A0] =	vst v16;
	v16 =	vadd.s32 $0x49800, v12  }
0x77: {  	[tilespmem:s19+$0x101E0] =	vst v16;
	v11 =	vpop (erf)  }
0x78: {  	[tilespmem:s19+$0x13100] =	vst v11;
	v11 =	vmul.f32 v11, v9;
	v14 =	vpop (erf)  }
0x79: {  	[tilespmem:s19+$0x140A0] =	vst v14;
	v9 =	vmul.f32 v14, v9  }
0x7a: {  	s5 =	sadd.s32 $0x10, s5;
	vm0 =	veq.s32 v12, v7;
	[tilespmem:s19+$0x15040] =	vst v11  }
0x7b: {  	s7 =	sand.u32 $0xFF0, s5;
	[tilespmem:s19+$0x15FE0] =	vst v9;
	v9 =	vsel vm0, $0x3F800000, v0  }
.Ltmp1:
0x7c: {  	[tilespmem:s7+$0x16F80] =	vst v9;
	(pc) =	sbr.rel @p0 .LBB2_5-.Ltmp1, $4  }
0x7d: {  	s8 =	sshra.s32 s20, $0x2;
	[tilespmem:s7+$0x11180] =	vst v10  }
0x7e: {  	v9 =	vld [tilespmem:s8+$0xB300];
	[tilespmem:s19+$0x17F20] =	vst v13  }
0x7f: {  	v11 =	vld [tilespmem:s8+$0xC300];
	[tilespmem:s19+$0x12120] =	vst v15;
	s19 =	smov.u32 s8  }
0x80: {  	s20 =	sadd.s32 $0x40, s20;
	v10 =	vld [tilespmem:s19+$0x9300]  }
0x81: {  	_ =	sdelay $0x2  }
0x82: {  	v13 =	vmul.f32 v9, v1;
	v12 =	vmul.f32 v11, v3  }
0x83: {  	v14 =	vmul.f32 v9, v2;
	v11 =	vmul.f32 v11, v4  }
0x84: {  	v13 =	vadd.f32 v12, v13;
	v12 =	vadd.f32 v12, v5  }
0x85: {  	v14 =	vadd.f32 v11, v14;
	v11 =	vadd.f32 v11, v6  }
0x86: {  	v15 =	vmul.f32 $2.000000030e-01, v13;
	v16 =	vmul.f32 $2.000000030e-01, v12  }
0x87: {  	v17 =	vmul.f32 $2.000000030e-01, v14;
	v18 =	vmul.f32 $2.000000030e-01, v11  }
0x88: {  	v13 =	vmax.f32 v13, v15;
	v12 =	vmax.f32 v12, v16  }
0x89: {  	v61 =	vmax.f32 v14, v17;
	v11 =	vmax.f32 v11, v18;
	v12 =	vsub.f32 v13, v12  }
0x8a: {  	v11 =	vsub.f32 v61, v11  }
0x8b: {  	v12 =	vmul.f32 $1.442695020e+00, v12  }
0x8c: {  	v62 =	vld [tilespmem:s19+$0xA300];
	v11 =	vmul.f32 $1.442695020e+00, v11  }
0x8d: {  	(erf) = vpow2.f32 v12  }
0x8e: {  	(erf) = vpow2.f32 v11;
	_ =	sdelay $0x2  }
0x8f: {  	v11 =	vadd.s32 $0x31000, v62  }
0x90: {  	[tilespmem:s19+$0xF240] =	vst v11;
	v11 =	vadd.s32 $0x18800, v62  }
0x91: {  	[tilespmem:s19+$0xE2A0] =	vst v11;
	v11 =	vadd.s32 $0x49800, v62;
	_ =	sdelay $0x1  }
0x92: {  	[tilespmem:s19+$0xD300] =	vst v62  }
0x93: {  	[tilespmem:s19+$0x101E0] =	vst v11;
	v11 =	vpop (erf)  }
0x94: {  	[tilespmem:s19+$0x13100] =	vst v11;
	v11 =	vmul.f32 v11, v9;
	v63 =	vpop (erf)  }
0x95: {  	[tilespmem:s19+$0x140A0] =	vst v63;
	v9 =	vmul.f32 v63, v9  }
0x96: {  	s5 =	sadd.s32 $0x10, s5;
	vm0 =	veq.s32 v62, v7;
	[tilespmem:s19+$0x15040] =	vst v11  }
0x97: {  	s5 =	sand.u32 $0xFF0, s5;
	[tilespmem:s19+$0x15FE0] =	vst v9;
	v9 =	vsel vm0, $0x3F800000, v0  }
0x98: {  	vm15 =	veq.s32 v62, v8;
	v11 =	vadd.s32 $0x62000, v10;
	[tilespmem:s5+$0x16F80] =	vst v9  }
0x99: {  	s0 =	sadd.s32 $0x1, s0;
	v9 =	vsel vm15, $0x3F800000, v0;
	[tilespmem:s5+$0x11180] =	vst v11  }
0x9a: {  	p0 =	sne.s32 s0, $0x19;
	v10 =	vadd.s32 $0x7A800, v10;
	[tilespmem:s19+$0x17F20] =	vst v9  }
.Ltmp2:
0x9b: {  	[tilespmem:s19+$0x12120] =	vst v10;
	(pc) =	sbr.rel @p0 .LBB2_4-.Ltmp2, $4  }
0x9c: {  	[spmem:s1] =	stream.indirect.scatter.add.f32 [tilespmem:s30], [sflag:$0x2], $0x1, s29, s28, $0xb8;
	[tilespmem:$0x1C500] =	vst v63  }
0x9d: {  	_ =	swait.ge [sflag:s18], $0x5DC0  }
0x9e: {  	[sflag:s18] =	ssyncset.done $0x0  }
0x9f: {  	[sflag:s18] =	ssyncadd.s32 $0xFFFFA240  }
0xa0: {  	s0 =	stileid.u32  }
0xa1: {  	s0 =	sshll.u32 s0, $0x6  }
0xa2: {  	[bflag:$0x0] =	sbarrier.arrive $0xFFFF;
	s5 =	sshrl.u32 s9, $0x3;
	s0 =	sor.u32 $0x1C02, s0  }
0xa3: {  	[hbm:s13], [sflag:s0] =	dma.local [spmem:s5], $0x620  }
0xa4: {  	_ =	swait.ge [sflag:s18], $0x620  }
0xa5: {  	[sflag:s18] =	ssyncset.done $0x0  }
0xa6: {  	s19 =	sshrl.u32 s10, $0x3;
	[sflag:s18] =	ssyncadd.s32 $0xFFFFF9E0  }
0xa7: {  	[hbm:s14], [sflag:s0] =	dma.local [spmem:s19], $0x620  }
0xa8: {  	s2 =	sadd.s32 $0x1, s2;
	_ =	swait.ge [sflag:s18], $0x620  }
0xa9: {  	p0 =	sne.s32 s2, s16;
	[sflag:s18] =	ssyncset.done $0x0  }
.Ltmp3:
0xaa: {  	s20 =	sshrl.u32 s11, $0x3;
	[sflag:s18] =	ssyncadd.s32 $0xFFFFF9E0;
	(pc) =	sbr.rel @p0 .LBB2_1-.Ltmp3, $4  }
0xab: {  	[hbm:s15], [sflag:s0] =	dma.local [spmem:s20], $0x620  }
0xac: {  	_ =	swait.ge [sflag:s18], $0x620  }
0xad: {  	[sflag:s18] =	ssyncset.done $0x0  }
0xae: {  	[sflag:s18] =	ssyncadd.s32 $0xFFFFF9E0  }
0xaf: {  	_ =	sfence.sel $0x180000  }
0xb0: {  	[bflag:$0x0] =	sbarrier.arrive $0xFFFF  }
0xb1: {  	_ =	strace $0x90000047  }
0xb2: {  	s0 =	stileid.u32;
	[bflag:$0x2] =	sbarrier.arrive $0xFFFF  }
0xb3: {  	p0 =	sne.s32 s0, $0x0;
	s0 =	rddreg [dreg:$0x2]  }
0xb4: {  	s0 =	sadd.s32 @!p0 $0x100000, s0  }
0xb5: {  	[sflag:s0] =	ssyncadd.tile.s32 @!p0 $0x1;
	_ =	shalt  }
.Lfunc_end2:
_tile_overlayer_lowered:
.L_overlay_start_2:
0xb6: {  	(tag) =	ssettag $0x2  }
0xb7: {  	s0 =	rddreg [dreg:$0x0];
	s2 =	stileid.u32  }
0xb8: {  	s1 =	rddreg [dreg:$0x1];
	p0 =	sne.s32 s2, $0x0  }
0xb9: {  	s3 =	rddreg [dreg:$0x2];
	[bflag:$0x3] =	sbarrier.arrive $0xFFFF;
	s2 =	simm.s32 @!p0 $0x1C02  }
0xba: {  	[timem:s3], [sflag:s2] =	dma.local @!p0 [hbm:s0], s1  }
0xbb: {  	s0 =	simm.s32 @!p0 $0x2  }
0xbc: {  	_ =	swait.ge @!p0 [sflag:s0], s1  }
0xbd: {  	s1 =	ssub.s32 @!p0 $0x0, s1;
	[sflag:s0] =	ssyncset.done @!p0 $0x0  }
0xbe: {  	[sflag:s0] =	ssyncadd.s32 @!p0 s1  }
0xbf: {  	[bflag:$0x3] =	sbarrier.arrive $0xFFFF  }
0xc0: {  	_ =	shalt  }

</sc_bundles>
